<compile_context>
chip_gen: v7x
topology: tpu7x:2x2x1
jax: 0.10.2.dev20260603
libtpu: 0.0.44.dev20260713+nightly
codegen_flags: <defaults>
</compile_context>

<pallas_src>
import jax
import jax.numpy as jnp
from jax import lax
from jax.experimental import pallas as pl
from jax.experimental.pallas import tpu as pltpu
from jax.experimental.pallas import tpu_sc as plsc

BATCH = 4
SEQ_LEN = 8192
EMB = 1024
N = BATCH * SEQ_LEN
NUM_CORES = 2
NUM_SUBCORES = 16
NW = NUM_CORES * NUM_SUBCORES
PER_W = N // NW
CHUNK = 32
NCHUNK = PER_W // CHUNK
NBUF = 3


def _gather_body(idx_hbm, table_hbm, out_hbm, idx_v, *rest):
    bufs = rest[:NBUF]
    gsems = rest[NBUF:2 * NBUF]
    wsems = rest[2 * NBUF:]
    cid = lax.axis_index("c")
    sid = lax.axis_index("s")
    wid = sid * NUM_CORES + cid
    base = wid * PER_W
    pltpu.sync_copy(idx_hbm.at[wid], idx_v)
    gcp = [None] * NBUF
    wcp = [None] * NBUF
    for p in range(2):
        gcp[p] = pltpu.async_copy(table_hbm.at[idx_v.at[p]], bufs[p], gsems[p])
    for c in range(NCHUNK):
        b = c % NBUF
        gcp[b].wait()
        wcp[b] = pltpu.async_copy(
            bufs[b], out_hbm.at[pl.ds(base + c * CHUNK, CHUNK)], wsems[b]
        )
        g = c + 2
        if g < NCHUNK:
            gb = g % NBUF
            if g >= NBUF:
                wcp[gb].wait()
            gcp[gb] = pltpu.async_copy(
                table_hbm.at[idx_v.at[g]], bufs[gb], gsems[gb]
            )
    for c in range(NCHUNK - NBUF, NCHUNK):
        wcp[c % NBUF].wait()


@jax.jit
def kernel(position_ids, embeddings_table):
    idx = position_ids.reshape(NW, NCHUNK, CHUNK)
    out = pl.kernel(
        _gather_body,
        out_type=jax.ShapeDtypeStruct((N, EMB), jnp.float32),
        mesh=plsc.VectorSubcoreMesh(core_axis_name="c", subcore_axis_name="s"),
        scratch_types=(
            [pltpu.VMEM((NCHUNK, CHUNK), jnp.int32)]
            + [pltpu.VMEM((CHUNK, EMB), jnp.float32)] * NBUF
            + [pltpu.SemaphoreType.DMA] * (2 * NBUF)
        ),
    )(idx, embeddings_table)
    return out.reshape(BATCH, SEQ_LEN, EMB)

# --- scband reference (transcript-rebuilt; emitter-appended) ---
"""Pipeline reference for scband-sinusoidal-positional-embedding-17746804868003 (READ-ONLY COPY).

The authoritative reference and input builder live on the scoring server;
editing this copy changes nothing except your own understanding.
"""

import jax, jax.numpy as jnp
import numpy as np

MAX_POSITION = 8192
EMBEDDING_SIZE = 1024
BATCH = 4
SEQ_LEN = 8192


def get_sinusoid_encoding_table(max_position, embedding_size):
    pos = np.arange(max_position, dtype=np.float64)[:, None]
    j = np.arange(embedding_size, dtype=np.float64)[None, :]
    angle = pos / np.power(10000.0, 2.0 * (np.floor(j / 2.0)) / embedding_size)
    table = angle.copy()
    table[:, 0::2] = np.sin(angle[:, 0::2])
    table[:, 1::2] = np.cos(angle[:, 1::2])
    return jnp.asarray(table, dtype=jnp.float32)


def setup_inputs(seed: int = 0) -> dict:
    key = jax.random.key(seed)
    k1, _ = jax.random.split(key)
    position_ids = jax.random.randint(k1, (BATCH, SEQ_LEN), 0, MAX_POSITION, dtype=jnp.int32)
    embeddings_table = get_sinusoid_encoding_table(MAX_POSITION, EMBEDDING_SIZE)
    return {"position_ids": position_ids, "embeddings_table": embeddings_table}


def reference(position_ids, embeddings_table):
    # nn.Embedding lookup -> gather rows of the (frozen) sinusoidal table
    return jnp.take(embeddings_table, position_ids, axis=0)

if __name__ == "__main__":
    import jax
    _d = setup_inputs()
    print(jax.jit(kernel)(*tuple(_d.values())))

</pallas_src>

<mosaic_0001>
#map = affine_map<(d0, d1) -> (0, 0, 0)>
#map1 = affine_map<(d0, d1) -> (0, 0)>
module attributes {stable_mosaic.version = 14 : i64} {
  func.func @_gather_body(%arg0: i32, %arg1: i32, %arg2: memref<32x32x32xi32, #tpu.memory_space<hbm>>, %arg3: memref<8192x1024xf32, #tpu.memory_space<hbm>>, %arg4: memref<32768x1024xf32, #tpu.memory_space<hbm>>, %arg5: memref<32x32xi32, #tpu.memory_space<vmem>>, %arg6: memref<32x1024xf32, #tpu.memory_space<vmem>>, %arg7: memref<32x1024xf32, #tpu.memory_space<vmem>>, %arg8: memref<32x1024xf32, #tpu.memory_space<vmem>>, %arg9: memref<!tpu.dma_semaphore, #tpu.memory_space<semaphore_mem>>, %arg10: memref<!tpu.dma_semaphore, #tpu.memory_space<semaphore_mem>>, %arg11: memref<!tpu.dma_semaphore, #tpu.memory_space<semaphore_mem>>, %arg12: memref<!tpu.dma_semaphore, #tpu.memory_space<semaphore_mem>>, %arg13: memref<!tpu.dma_semaphore, #tpu.memory_space<semaphore_mem>>, %arg14: memref<!tpu.dma_semaphore, #tpu.memory_space<semaphore_mem>>) attributes {dimension_semantics = [#tpu.dimension_semantics<core_parallel>, #tpu.dimension_semantics<subcore_parallel>], iteration_bounds = array<i64: 2, 16>, scalar_prefetch = 0 : i64, scratch_operands = 10 : i64, tpu.core_type = #tpu.core_type<sc_vector_subcore>, window_params = [{transform_indices = #map}, {transform_indices = #map1}, {transform_indices = #map1}]} {
    %mul3A = arith.constant 2 : i32
    %mul3A_0 = arith.muli %arg1, %mul3A : i32
    %add3A = arith.addi %mul3A_0, %arg0 : i32
    %mul3A_1 = arith.constant 1024 : i32
    %mul3A_2 = arith.muli %add3A, %mul3A_1 : i32
    "tpu.region"() ({
      %run_scoped3A = tpu.sem_alloc : memref<!tpu.dma_semaphore, #tpu.memory_space<semaphore_mem>>
      %dma_start3A_769 = arith.constant 0 : i32
      %dma_start3A_770 = arith.constant 0 : i32
      %dma_start3A_771 = tpu.memref_slice %arg2[%add3A, %dma_start3A_769, %dma_start3A_770] : memref<32x32x32xi32, #tpu.memory_space<hbm>> -> memref<1x32x32xi32, #tpu.memory_space<hbm>>
      %dma_start3A_772 = tpu.memref_squeeze %dma_start3A_771 : memref<1x32x32xi32, #tpu.memory_space<hbm>> -> memref<32x32xi32, #tpu.memory_space<hbm>>
      %dma_start3A_773 = arith.constant 0 : i32
      %dma_start3A_774 = arith.constant 0 : i32
      %dma_start3A_775 = tpu.memref_slice %arg2[%add3A, %dma_start3A_773, %dma_start3A_774] : memref<32x32x32xi32, #tpu.memory_space<hbm>> -> memref<1x32x32xi32, #tpu.memory_space<hbm>>
      %dma_start3A_776 = tpu.memref_squeeze %dma_start3A_775 : memref<1x32x32xi32, #tpu.memory_space<hbm>> -> memref<32x32xi32, #tpu.memory_space<hbm>>
      tpu.enqueue_dma source(%dma_start3A_776 : memref<32x32xi32, #tpu.memory_space<hbm>>) target(%arg5 : memref<32x32xi32, #tpu.memory_space<vmem>>) target_semaphore(%run_scoped3A : memref<!tpu.dma_semaphore, #tpu.memory_space<semaphore_mem>>)
      %dma_wait3A_777 = arith.constant 0 : i32
      %dma_wait3A_778 = arith.constant 0 : i32
      %dma_wait3A_779 = tpu.memref_slice %arg2[%add3A, %dma_wait3A_777, %dma_wait3A_778] : memref<32x32x32xi32, #tpu.memory_space<hbm>> -> memref<1x32x32xi32, #tpu.memory_space<hbm>>
      %dma_wait3A_780 = tpu.memref_squeeze %dma_wait3A_779 : memref<1x32x32xi32, #tpu.memory_space<hbm>> -> memref<32x32xi32, #tpu.memory_space<hbm>>
      %dma_wait3A_781 = arith.constant 0 : i32
      %dma_wait3A_782 = arith.constant 0 : i32
      %dma_wait3A_783 = tpu.memref_slice %arg2[%add3A, %dma_wait3A_781, %dma_wait3A_782] : memref<32x32x32xi32, #tpu.memory_space<hbm>> -> memref<1x32x32xi32, #tpu.memory_space<hbm>>
      %dma_wait3A_784 = tpu.memref_squeeze %dma_wait3A_783 : memref<1x32x32xi32, #tpu.memory_space<hbm>> -> memref<32x32xi32, #tpu.memory_space<hbm>>
      tpu.wait_dma2 semaphore(%run_scoped3A : memref<!tpu.dma_semaphore, #tpu.memory_space<semaphore_mem>>) src(%dma_wait3A_784 : memref<32x32xi32, #tpu.memory_space<hbm>>) dst(%arg5 : memref<32x32xi32, #tpu.memory_space<vmem>>)
      tpu.yield
    }) : () -> ()
    %dma_start3A = arith.constant 0 : i32
    %dma_start3A_3 = arith.constant 0 : i32
    %dma_start3A_4 = tpu.memref_slice %arg5[%dma_start3A, %dma_start3A_3] : memref<32x32xi32, #tpu.memory_space<vmem>> -> memref<1x32xi32, #tpu.memory_space<vmem>>
    %dma_start3A_5 = tpu.memref_squeeze %dma_start3A_4 : memref<1x32xi32, #tpu.memory_space<vmem>> -> memref<32xi32, #tpu.memory_space<vmem>>
    %dma_start3A_6 = arith.constant 0 : i32
    %dma_start3A_7 = arith.constant 0 : i32
    %dma_start3A_8 = tpu.memref_slice %arg3[%dma_start3A_6, %dma_start3A_7] : memref<8192x1024xf32, #tpu.memory_space<hbm>> -> memref<8192x1024xf32, #tpu.memory_space<hbm>>
    tpu.enqueue_indirect_dma source(%dma_start3A_8 : memref<8192x1024xf32, #tpu.memory_space<hbm>>) target(%arg6 : memref<32x1024xf32, #tpu.memory_space<vmem>>) offsets(%dma_start3A_5 : memref<32xi32, #tpu.memory_space<vmem>>) semaphore(%arg9 : memref<!tpu.dma_semaphore, #tpu.memory_space<semaphore_mem>>)
    %dma_start3A_9 = arith.constant 1 : i32
    %dma_start3A_10 = arith.constant 0 : i32
    %dma_start3A_11 = tpu.memref_slice %arg5[%dma_start3A_9, %dma_start3A_10] : memref<32x32xi32, #tpu.memory_space<vmem>> -> memref<1x32xi32, #tpu.memory_space<vmem>>
    %dma_start3A_12 = tpu.memref_squeeze %dma_start3A_11 : memref<1x32xi32, #tpu.memory_space<vmem>> -> memref<32xi32, #tpu.memory_space<vmem>>
    %dma_start3A_13 = arith.constant 0 : i32
    %dma_start3A_14 = arith.constant 0 : i32
    %dma_start3A_15 = tpu.memref_slice %arg3[%dma_start3A_13, %dma_start3A_14] : memref<8192x1024xf32, #tpu.memory_space<hbm>> -> memref<8192x1024xf32, #tpu.memory_space<hbm>>
    tpu.enqueue_indirect_dma source(%dma_start3A_15 : memref<8192x1024xf32, #tpu.memory_space<hbm>>) target(%arg7 : memref<32x1024xf32, #tpu.memory_space<vmem>>) offsets(%dma_start3A_12 : memref<32xi32, #tpu.memory_space<vmem>>) semaphore(%arg10 : memref<!tpu.dma_semaphore, #tpu.memory_space<semaphore_mem>>)
    %dma_wait3A = arith.constant 0 : i32
    %dma_wait3A_16 = arith.constant 0 : i32
    %dma_wait3A_17 = tpu.memref_slice %arg5[%dma_wait3A, %dma_wait3A_16] : memref<32x32xi32, #tpu.memory_space<vmem>> -> memref<1x32xi32, #tpu.memory_space<vmem>>
    %dma_wait3A_18 = tpu.memref_squeeze %dma_wait3A_17 : memref<1x32xi32, #tpu.memory_space<vmem>> -> memref<32xi32, #tpu.memory_space<vmem>>
    %dma_wait3A_19 = arith.constant 0 : i32
    %dma_wait3A_20 = arith.constant 0 : i32
    %dma_wait3A_21 = tpu.memref_slice %arg3[%dma_wait3A_19, %dma_wait3A_20] : memref<8192x1024xf32, #tpu.memory_space<hbm>> -> memref<8192x1024xf32, #tpu.memory_space<hbm>>
    tpu.wait_indirect_dma semaphore(%arg9 : memref<!tpu.dma_semaphore, #tpu.memory_space<semaphore_mem>>) src(%dma_wait3A_21 : memref<8192x1024xf32, #tpu.memory_space<hbm>>) dst(%arg6 : memref<32x1024xf32, #tpu.memory_space<vmem>>)
    %add3A_22 = arith.constant 0 : i32
    %add3A_23 = arith.addi %mul3A_2, %add3A_22 : i32
    %dma_start3A_24 = arith.constant 0 : i32
    %dma_start3A_25 = tpu.memref_slice %arg4[%add3A_23, %dma_start3A_24] : memref<32768x1024xf32, #tpu.memory_space<hbm>> -> memref<32x1024xf32, #tpu.memory_space<hbm>>
    %dma_start3A_26 = arith.constant 0 : i32
    %dma_start3A_27 = tpu.memref_slice %arg4[%add3A_23, %dma_start3A_26] : memref<32768x1024xf32, #tpu.memory_space<hbm>> -> memref<32x1024xf32, #tpu.memory_space<hbm>>
    tpu.enqueue_dma source(%arg6 : memref<32x1024xf32, #tpu.memory_space<vmem>>) target(%dma_start3A_27 : memref<32x1024xf32, #tpu.memory_space<hbm>>) target_semaphore(%arg12 : memref<!tpu.dma_semaphore, #tpu.memory_space<semaphore_mem>>)
    %dma_start3A_28 = arith.constant 2 : i32
    %dma_start3A_29 = arith.constant 0 : i32
    %dma_start3A_30 = tpu.memref_slice %arg5[%dma_start3A_28, %dma_start3A_29] : memref<32x32xi32, #tpu.memory_space<vmem>> -> memref<1x32xi32, #tpu.memory_space<vmem>>
    %dma_start3A_31 = tpu.memref_squeeze %dma_start3A_30 : memref<1x32xi32, #tpu.memory_space<vmem>> -> memref<32xi32, #tpu.memory_space<vmem>>
    %dma_start3A_32 = arith.constant 0 : i32
    %dma_start3A_33 = arith.constant 0 : i32
    %dma_start3A_34 = tpu.memref_slice %arg3[%dma_start3A_32, %dma_start3A_33] : memref<8192x1024xf32, #tpu.memory_space<hbm>> -> memref<8192x1024xf32, #tpu.memory_space<hbm>>
    tpu.enqueue_indirect_dma source(%dma_start3A_34 : memref<8192x1024xf32, #tpu.memory_space<hbm>>) target(%arg8 : memref<32x1024xf32, #tpu.memory_space<vmem>>) offsets(%dma_start3A_31 : memref<32xi32, #tpu.memory_space<vmem>>) semaphore(%arg11 : memref<!tpu.dma_semaphore, #tpu.memory_space<semaphore_mem>>)
    %dma_wait3A_35 = arith.constant 1 : i32
    %dma_wait3A_36 = arith.constant 0 : i32
    %dma_wait3A_37 = tpu.memref_slice %arg5[%dma_wait3A_35, %dma_wait3A_36] : memref<32x32xi32, #tpu.memory_space<vmem>> -> memref<1x32xi32, #tpu.memory_space<vmem>>
    %dma_wait3A_38 = tpu.memref_squeeze %dma_wait3A_37 : memref<1x32xi32, #tpu.memory_space<vmem>> -> memref<32xi32, #tpu.memory_space<vmem>>
    %dma_wait3A_39 = arith.constant 0 : i32
    %dma_wait3A_40 = arith.constant 0 : i32
    %dma_wait3A_41 = tpu.memref_slice %arg3[%dma_wait3A_39, %dma_wait3A_40] : memref<8192x1024xf32, #tpu.memory_space<hbm>> -> memref<8192x1024xf32, #tpu.memory_space<hbm>>
    tpu.wait_indirect_dma semaphore(%arg10 : memref<!tpu.dma_semaphore, #tpu.memory_space<semaphore_mem>>) src(%dma_wait3A_41 : memref<8192x1024xf32, #tpu.memory_space<hbm>>) dst(%arg7 : memref<32x1024xf32, #tpu.memory_space<vmem>>)
    %add3A_42 = arith.constant 32 : i32
    %add3A_43 = arith.addi %mul3A_2, %add3A_42 : i32
    %dma_start3A_44 = arith.constant 0 : i32
    %dma_start3A_45 = tpu.memref_slice %arg4[%add3A_43, %dma_start3A_44] : memref<32768x1024xf32, #tpu.memory_space<hbm>> -> memref<32x1024xf32, #tpu.memory_space<hbm>>
    %dma_start3A_46 = arith.constant 0 : i32
    %dma_start3A_47 = tpu.memref_slice %arg4[%add3A_43, %dma_start3A_46] : memref<32768x1024xf32, #tpu.memory_space<hbm>> -> memref<32x1024xf32, #tpu.memory_space<hbm>>
    tpu.enqueue_dma source(%arg7 : memref<32x1024xf32, #tpu.memory_space<vmem>>) target(%dma_start3A_47 : memref<32x1024xf32, #tpu.memory_space<hbm>>) target_semaphore(%arg13 : memref<!tpu.dma_semaphore, #tpu.memory_space<semaphore_mem>>)
    %dma_wait3A_48 = arith.constant 0 : i32
    %dma_wait3A_49 = tpu.memref_slice %arg4[%add3A_23, %dma_wait3A_48] : memref<32768x1024xf32, #tpu.memory_space<hbm>> -> memref<32x1024xf32, #tpu.memory_space<hbm>>
    %dma_wait3A_50 = arith.constant 0 : i32
    %dma_wait3A_51 = tpu.memref_slice %arg4[%add3A_23, %dma_wait3A_50] : memref<32768x1024xf32, #tpu.memory_space<hbm>> -> memref<32x1024xf32, #tpu.memory_space<hbm>>
    tpu.wait_dma2 semaphore(%arg12 : memref<!tpu.dma_semaphore, #tpu.memory_space<semaphore_mem>>) src(%arg6 : memref<32x1024xf32, #tpu.memory_space<vmem>>) dst(%dma_wait3A_51 : memref<32x1024xf32, #tpu.memory_space<hbm>>)
    %dma_start3A_52 = arith.constant 3 : i32
    %dma_start3A_53 = arith.constant 0 : i32
    %dma_start3A_54 = tpu.memref_slice %arg5[%dma_start3A_52, %dma_start3A_53] : memref<32x32xi32, #tpu.memory_space<vmem>> -> memref<1x32xi32, #tpu.memory_space<vmem>>
    %dma_start3A_55 = tpu.memref_squeeze %dma_start3A_54 : memref<1x32xi32, #tpu.memory_space<vmem>> -> memref<32xi32, #tpu.memory_space<vmem>>
    %dma_start3A_56 = arith.constant 0 : i32
    %dma_start3A_57 = arith.constant 0 : i32
    %dma_start3A_58 = tpu.memref_slice %arg3[%dma_start3A_56, %dma_start3A_57] : memref<8192x1024xf32, #tpu.memory_space<hbm>> -> memref<8192x1024xf32, #tpu.memory_space<hbm>>
    tpu.enqueue_indirect_dma source(%dma_start3A_58 : memref<8192x1024xf32, #tpu.memory_space<hbm>>) target(%arg6 : memref<32x1024xf32, #tpu.memory_space<vmem>>) offsets(%dma_start3A_55 : memref<32xi32, #tpu.memory_space<vmem>>) semaphore(%arg9 : memref<!tpu.dma_semaphore, #tpu.memory_space<semaphore_mem>>)
    %dma_wait3A_59 = arith.constant 2 : i32
    %dma_wait3A_60 = arith.constant 0 : i32
    %dma_wait3A_61 = tpu.memref_slice %arg5[%dma_wait3A_59, %dma_wait3A_60] : memref<32x32xi32, #tpu.memory_space<vmem>> -> memref<1x32xi32, #tpu.memory_space<vmem>>
    %dma_wait3A_62 = tpu.memref_squeeze %dma_wait3A_61 : memref<1x32xi32, #tpu.memory_space<vmem>> -> memref<32xi32, #tpu.memory_space<vmem>>
    %dma_wait3A_63 = arith.constant 0 : i32
    %dma_wait3A_64 = arith.constant 0 : i32
    %dma_wait3A_65 = tpu.memref_slice %arg3[%dma_wait3A_63, %dma_wait3A_64] : memref<8192x1024xf32, #tpu.memory_space<hbm>> -> memref<8192x1024xf32, #tpu.memory_space<hbm>>
    tpu.wait_indirect_dma semaphore(%arg11 : memref<!tpu.dma_semaphore, #tpu.memory_space<semaphore_mem>>) src(%dma_wait3A_65 : memref<8192x1024xf32, #tpu.memory_space<hbm>>) dst(%arg8 : memref<32x1024xf32, #tpu.memory_space<vmem>>)
    %add3A_66 = arith.constant 64 : i32
    %add3A_67 = arith.addi %mul3A_2, %add3A_66 : i32
    %dma_start3A_68 = arith.constant 0 : i32
    %dma_start3A_69 = tpu.memref_slice %arg4[%add3A_67, %dma_start3A_68] : memref<32768x1024xf32, #tpu.memory_space<hbm>> -> memref<32x1024xf32, #tpu.memory_space<hbm>>
    %dma_start3A_70 = arith.constant 0 : i32
    %dma_start3A_71 = tpu.memref_slice %arg4[%add3A_67, %dma_start3A_70] : memref<32768x1024xf32, #tpu.memory_space<hbm>> -> memref<32x1024xf32, #tpu.memory_space<hbm>>
    tpu.enqueue_dma source(%arg8 : memref<32x1024xf32, #tpu.memory_space<vmem>>) target(%dma_start3A_71 : memref<32x1024xf32, #tpu.memory_space<hbm>>) target_semaphore(%arg14 : memref<!tpu.dma_semaphore, #tpu.memory_space<semaphore_mem>>)
    %dma_wait3A_72 = arith.constant 0 : i32
    %dma_wait3A_73 = tpu.memref_slice %arg4[%add3A_43, %dma_wait3A_72] : memref<32768x1024xf32, #tpu.memory_space<hbm>> -> memref<32x1024xf32, #tpu.memory_space<hbm>>
    %dma_wait3A_74 = arith.constant 0 : i32
    %dma_wait3A_75 = tpu.memref_slice %arg4[%add3A_43, %dma_wait3A_74] : memref<32768x1024xf32, #tpu.memory_space<hbm>> -> memref<32x1024xf32, #tpu.memory_space<hbm>>
    tpu.wait_dma2 semaphore(%arg13 : memref<!tpu.dma_semaphore, #tpu.memory_space<semaphore_mem>>) src(%arg7 : memref<32x1024xf32, #tpu.memory_space<vmem>>) dst(%dma_wait3A_75 : memref<32x1024xf32, #tpu.memory_space<hbm>>)
    %dma_start3A_76 = arith.constant 4 : i32
    %dma_start3A_77 = arith.constant 0 : i32
    %dma_start3A_78 = tpu.memref_slice %arg5[%dma_start3A_76, %dma_start3A_77] : memref<32x32xi32, #tpu.memory_space<vmem>> -> memref<1x32xi32, #tpu.memory_space<vmem>>
    %dma_start3A_79 = tpu.memref_squeeze %dma_start3A_78 : memref<1x32xi32, #tpu.memory_space<vmem>> -> memref<32xi32, #tpu.memory_space<vmem>>
    %dma_start3A_80 = arith.constant 0 : i32
    %dma_start3A_81 = arith.constant 0 : i32
    %dma_start3A_82 = tpu.memref_slice %arg3[%dma_start3A_80, %dma_start3A_81] : memref<8192x1024xf32, #tpu.memory_space<hbm>> -> memref<8192x1024xf32, #tpu.memory_space<hbm>>
    tpu.enqueue_indirect_dma source(%dma_start3A_82 : memref<8192x1024xf32, #tpu.memory_space<hbm>>) target(%arg7 : memref<32x1024xf32, #tpu.memory_space<vmem>>) offsets(%dma_start3A_79 : memref<32xi32, #tpu.memory_space<vmem>>) semaphore(%arg10 : memref<!tpu.dma_semaphore, #tpu.memory_space<semaphore_mem>>)
    %dma_wait3A_83 = arith.constant 3 : i32
    %dma_wait3A_84 = arith.constant 0 : i32
    %dma_wait3A_85 = tpu.memref_slice %arg5[%dma_wait3A_83, %dma_wait3A_84] : memref<32x32xi32, #tpu.memory_space<vmem>> -> memref<1x32xi32, #tpu.memory_space<vmem>>
    %dma_wait3A_86 = tpu.memref_squeeze %dma_wait3A_85 : memref<1x32xi32, #tpu.memory_space<vmem>> -> memref<32xi32, #tpu.memory_space<vmem>>
    %dma_wait3A_87 = arith.constant 0 : i32
    %dma_wait3A_88 = arith.constant 0 : i32
    %dma_wait3A_89 = tpu.memref_slice %arg3[%dma_wait3A_87, %dma_wait3A_88] : memref<8192x1024xf32, #tpu.memory_space<hbm>> -> memref<8192x1024xf32, #tpu.memory_space<hbm>>
    tpu.wait_indirect_dma semaphore(%arg9 : memref<!tpu.dma_semaphore, #tpu.memory_space<semaphore_mem>>) src(%dma_wait3A_89 : memref<8192x1024xf32, #tpu.memory_space<hbm>>) dst(%arg6 : memref<32x1024xf32, #tpu.memory_space<vmem>>)
    %add3A_90 = arith.constant 96 : i32
    %add3A_91 = arith.addi %mul3A_2, %add3A_90 : i32
    %dma_start3A_92 = arith.constant 0 : i32
    %dma_start3A_93 = tpu.memref_slice %arg4[%add3A_91, %dma_start3A_92] : memref<32768x1024xf32, #tpu.memory_space<hbm>> -> memref<32x1024xf32, #tpu.memory_space<hbm>>
    %dma_start3A_94 = arith.constant 0 : i32
    %dma_start3A_95 = tpu.memref_slice %arg4[%add3A_91, %dma_start3A_94] : memref<32768x1024xf32, #tpu.memory_space<hbm>> -> memref<32x1024xf32, #tpu.memory_space<hbm>>
    tpu.enqueue_dma source(%arg6 : memref<32x1024xf32, #tpu.memory_space<vmem>>) target(%dma_start3A_95 : memref<32x1024xf32, #tpu.memory_space<hbm>>) target_semaphore(%arg12 : memref<!tpu.dma_semaphore, #tpu.memory_space<semaphore_mem>>)
    %dma_wait3A_96 = arith.constant 0 : i32
    %dma_wait3A_97 = tpu.memref_slice %arg4[%add3A_67, %dma_wait3A_96] : memref<32768x1024xf32, #tpu.memory_space<hbm>> -> memref<32x1024xf32, #tpu.memory_space<hbm>>
    %dma_wait3A_98 = arith.constant 0 : i32
    %dma_wait3A_99 = tpu.memref_slice %arg4[%add3A_67, %dma_wait3A_98] : memref<32768x1024xf32, #tpu.memory_space<hbm>> -> memref<32x1024xf32, #tpu.memory_space<hbm>>
    tpu.wait_dma2 semaphore(%arg14 : memref<!tpu.dma_semaphore, #tpu.memory_space<semaphore_mem>>) src(%arg8 : memref<32x1024xf32, #tpu.memory_space<vmem>>) dst(%dma_wait3A_99 : memref<32x1024xf32, #tpu.memory_space<hbm>>)
    %dma_start3A_100 = arith.constant 5 : i32
    %dma_start3A_101 = arith.constant 0 : i32
    %dma_start3A_102 = tpu.memref_slice %arg5[%dma_start3A_100, %dma_start3A_101] : memref<32x32xi32, #tpu.memory_space<vmem>> -> memref<1x32xi32, #tpu.memory_space<vmem>>
    %dma_start3A_103 = tpu.memref_squeeze %dma_start3A_102 : memref<1x32xi32, #tpu.memory_space<vmem>> -> memref<32xi32, #tpu.memory_space<vmem>>
    %dma_start3A_104 = arith.constant 0 : i32
    %dma_start3A_105 = arith.constant 0 : i32
    %dma_start3A_106 = tpu.memref_slice %arg3[%dma_start3A_104, %dma_start3A_105] : memref<8192x1024xf32, #tpu.memory_space<hbm>> -> memref<8192x1024xf32, #tpu.memory_space<hbm>>
    tpu.enqueue_indirect_dma source(%dma_start3A_106 : memref<8192x1024xf32, #tpu.memory_space<hbm>>) target(%arg8 : memref<32x1024xf32, #tpu.memory_space<vmem>>) offsets(%dma_start3A_103 : memref<32xi32, #tpu.memory_space<vmem>>) semaphore(%arg11 : memref<!tpu.dma_semaphore, #tpu.memory_space<semaphore_mem>>)
    %dma_wait3A_107 = arith.constant 4 : i32
    %dma_wait3A_108 = arith.constant 0 : i32
    %dma_wait3A_109 = tpu.memref_slice %arg5[%dma_wait3A_107, %dma_wait3A_108] : memref<32x32xi32, #tpu.memory_space<vmem>> -> memref<1x32xi32, #tpu.memory_space<vmem>>
    %dma_wait3A_110 = tpu.memref_squeeze %dma_wait3A_109 : memref<1x32xi32, #tpu.memory_space<vmem>> -> memref<32xi32, #tpu.memory_space<vmem>>
    %dma_wait3A_111 = arith.constant 0 : i32
    %dma_wait3A_112 = arith.constant 0 : i32
    %dma_wait3A_113 = tpu.memref_slice %arg3[%dma_wait3A_111, %dma_wait3A_112] : memref<8192x1024xf32, #tpu.memory_space<hbm>> -> memref<8192x1024xf32, #tpu.memory_space<hbm>>
    tpu.wait_indirect_dma semaphore(%arg10 : memref<!tpu.dma_semaphore, #tpu.memory_space<semaphore_mem>>) src(%dma_wait3A_113 : memref<8192x1024xf32, #tpu.memory_space<hbm>>) dst(%arg7 : memref<32x1024xf32, #tpu.memory_space<vmem>>)
    %add3A_114 = arith.constant 128 : i32
    %add3A_115 = arith.addi %mul3A_2, %add3A_114 : i32
    %dma_start3A_116 = arith.constant 0 : i32
    %dma_start3A_117 = tpu.memref_slice %arg4[%add3A_115, %dma_start3A_116] : memref<32768x1024xf32, #tpu.memory_space<hbm>> -> memref<32x1024xf32, #tpu.memory_space<hbm>>
    %dma_start3A_118 = arith.constant 0 : i32
    %dma_start3A_119 = tpu.memref_slice %arg4[%add3A_115, %dma_start3A_118] : memref<32768x1024xf32, #tpu.memory_space<hbm>> -> memref<32x1024xf32, #tpu.memory_space<hbm>>
    tpu.enqueue_dma source(%arg7 : memref<32x1024xf32, #tpu.memory_space<vmem>>) target(%dma_start3A_119 : memref<32x1024xf32, #tpu.memory_space<hbm>>) target_semaphore(%arg13 : memref<!tpu.dma_semaphore, #tpu.memory_space<semaphore_mem>>)
    %dma_wait3A_120 = arith.constant 0 : i32
    %dma_wait3A_121 = tpu.memref_slice %arg4[%add3A_91, %dma_wait3A_120] : memref<32768x1024xf32, #tpu.memory_space<hbm>> -> memref<32x1024xf32, #tpu.memory_space<hbm>>
    %dma_wait3A_122 = arith.constant 0 : i32
    %dma_wait3A_123 = tpu.memref_slice %arg4[%add3A_91, %dma_wait3A_122] : memref<32768x1024xf32, #tpu.memory_space<hbm>> -> memref<32x1024xf32, #tpu.memory_space<hbm>>
    tpu.wait_dma2 semaphore(%arg12 : memref<!tpu.dma_semaphore, #tpu.memory_space<semaphore_mem>>) src(%arg6 : memref<32x1024xf32, #tpu.memory_space<vmem>>) dst(%dma_wait3A_123 : memref<32x1024xf32, #tpu.memory_space<hbm>>)
    %dma_start3A_124 = arith.constant 6 : i32
    %dma_start3A_125 = arith.constant 0 : i32
    %dma_start3A_126 = tpu.memref_slice %arg5[%dma_start3A_124, %dma_start3A_125] : memref<32x32xi32, #tpu.memory_space<vmem>> -> memref<1x32xi32, #tpu.memory_space<vmem>>
    %dma_start3A_127 = tpu.memref_squeeze %dma_start3A_126 : memref<1x32xi32, #tpu.memory_space<vmem>> -> memref<32xi32, #tpu.memory_space<vmem>>
    %dma_start3A_128 = arith.constant 0 : i32
    %dma_start3A_129 = arith.constant 0 : i32
    %dma_start3A_130 = tpu.memref_slice %arg3[%dma_start3A_128, %dma_start3A_129] : memref<8192x1024xf32, #tpu.memory_space<hbm>> -> memref<8192x1024xf32, #tpu.memory_space<hbm>>
    tpu.enqueue_indirect_dma source(%dma_start3A_130 : memref<8192x1024xf32, #tpu.memory_space<hbm>>) target(%arg6 : memref<32x1024xf32, #tpu.memory_space<vmem>>) offsets(%dma_start3A_127 : memref<32xi32, #tpu.memory_space<vmem>>) semaphore(%arg9 : memref<!tpu.dma_semaphore, #tpu.memory_space<semaphore_mem>>)
    %dma_wait3A_131 = arith.constant 5 : i32
    %dma_wait3A_132 = arith.constant 0 : i32
    %dma_wait3A_133 = tpu.memref_slice %arg5[%dma_wait3A_131, %dma_wait3A_132] : memref<32x32xi32, #tpu.memory_space<vmem>> -> memref<1x32xi32, #tpu.memory_space<vmem>>
    %dma_wait3A_134 = tpu.memref_squeeze %dma_wait3A_133 : memref<1x32xi32, #tpu.memory_space<vmem>> -> memref<32xi32, #tpu.memory_space<vmem>>
    %dma_wait3A_135 = arith.constant 0 : i32
    %dma_wait3A_136 = arith.constant 0 : i32
    %dma_wait3A_137 = tpu.memref_slice %arg3[%dma_wait3A_135, %dma_wait3A_136] : memref<8192x1024xf32, #tpu.memory_space<hbm>> -> memref<8192x1024xf32, #tpu.memory_space<hbm>>
    tpu.wait_indirect_dma semaphore(%arg11 : memref<!tpu.dma_semaphore, #tpu.memory_space<semaphore_mem>>) src(%dma_wait3A_137 : memref<8192x1024xf32, #tpu.memory_space<hbm>>) dst(%arg8 : memref<32x1024xf32, #tpu.memory_space<vmem>>)
    %add3A_138 = arith.constant 160 : i32
    %add3A_139 = arith.addi %mul3A_2, %add3A_138 : i32
    %dma_start3A_140 = arith.constant 0 : i32
    %dma_start3A_141 = tpu.memref_slice %arg4[%add3A_139, %dma_start3A_140] : memref<32768x1024xf32, #tpu.memory_space<hbm>> -> memref<32x1024xf32, #tpu.memory_space<hbm>>
    %dma_start3A_142 = arith.constant 0 : i32
    %dma_start3A_143 = tpu.memref_slice %arg4[%add3A_139, %dma_start3A_142] : memref<32768x1024xf32, #tpu.memory_space<hbm>> -> memref<32x1024xf32, #tpu.memory_space<hbm>>
    tpu.enqueue_dma source(%arg8 : memref<32x1024xf32, #tpu.memory_space<vmem>>) target(%dma_start3A_143 : memref<32x1024xf32, #tpu.memory_space<hbm>>) target_semaphore(%arg14 : memref<!tpu.dma_semaphore, #tpu.memory_space<semaphore_mem>>)
    %dma_wait3A_144 = arith.constant 0 : i32
    %dma_wait3A_145 = tpu.memref_slice %arg4[%add3A_115, %dma_wait3A_144] : memref<32768x1024xf32, #tpu.memory_space<hbm>> -> memref<32x1024xf32, #tpu.memory_space<hbm>>
    %dma_wait3A_146 = arith.constant 0 : i32
    %dma_wait3A_147 = tpu.memref_slice %arg4[%add3A_115, %dma_wait3A_146] : memref<32768x1024xf32, #tpu.memory_space<hbm>> -> memref<32x1024xf32, #tpu.memory_space<hbm>>
    tpu.wait_dma2 semaphore(%arg13 : memref<!tpu.dma_semaphore, #tpu.memory_space<semaphore_mem>>) src(%arg7 : memref<32x1024xf32, #tpu.memory_space<vmem>>) dst(%dma_wait3A_147 : memref<32x1024xf32, #tpu.memory_space<hbm>>)
    %dma_start3A_148 = arith.constant 7 : i32
    %dma_start3A_149 = arith.constant 0 : i32
    %dma_start3A_150 = tpu.memref_slice %arg5[%dma_start3A_148, %dma_start3A_149] : memref<32x32xi32, #tpu.memory_space<vmem>> -> memref<1x32xi32, #tpu.memory_space<vmem>>
    %dma_start3A_151 = tpu.memref_squeeze %dma_start3A_150 : memref<1x32xi32, #tpu.memory_space<vmem>> -> memref<32xi32, #tpu.memory_space<vmem>>
    %dma_start3A_152 = arith.constant 0 : i32
    %dma_start3A_153 = arith.constant 0 : i32
    %dma_start3A_154 = tpu.memref_slice %arg3[%dma_start3A_152, %dma_start3A_153] : memref<8192x1024xf32, #tpu.memory_space<hbm>> -> memref<8192x1024xf32, #tpu.memory_space<hbm>>
    tpu.enqueue_indirect_dma source(%dma_start3A_154 : memref<8192x1024xf32, #tpu.memory_space<hbm>>) target(%arg7 : memref<32x1024xf32, #tpu.memory_space<vmem>>) offsets(%dma_start3A_151 : memref<32xi32, #tpu.memory_space<vmem>>) semaphore(%arg10 : memref<!tpu.dma_semaphore, #tpu.memory_space<semaphore_mem>>)
    %dma_wait3A_155 = arith.constant 6 : i32
    %dma_wait3A_156 = arith.constant 0 : i32
    %dma_wait3A_157 = tpu.memref_slice %arg5[%dma_wait3A_155, %dma_wait3A_156] : memref<32x32xi32, #tpu.memory_space<vmem>> -> memref<1x32xi32, #tpu.memory_space<vmem>>
    %dma_wait3A_158 = tpu.memref_squeeze %dma_wait3A_157 : memref<1x32xi32, #tpu.memory_space<vmem>> -> memref<32xi32, #tpu.memory_space<vmem>>
    %dma_wait3A_159 = arith.constant 0 : i32
    %dma_wait3A_160 = arith.constant 0 : i32
    %dma_wait3A_161 = tpu.memref_slice %arg3[%dma_wait3A_159, %dma_wait3A_160] : memref<8192x1024xf32, #tpu.memory_space<hbm>> -> memref<8192x1024xf32, #tpu.memory_space<hbm>>
    tpu.wait_indirect_dma semaphore(%arg9 : memref<!tpu.dma_semaphore, #tpu.memory_space<semaphore_mem>>) src(%dma_wait3A_161 : memref<8192x1024xf32, #tpu.memory_space<hbm>>) dst(%arg6 : memref<32x1024xf32, #tpu.memory_space<vmem>>)
    %add3A_162 = arith.constant 192 : i32
    %add3A_163 = arith.addi %mul3A_2, %add3A_162 : i32
    %dma_start3A_164 = arith.constant 0 : i32
    %dma_start3A_165 = tpu.memref_slice %arg4[%add3A_163, %dma_start3A_164] : memref<32768x1024xf32, #tpu.memory_space<hbm>> -> memref<32x1024xf32, #tpu.memory_space<hbm>>
    %dma_start3A_166 = arith.constant 0 : i32
    %dma_start3A_167 = tpu.memref_slice %arg4[%add3A_163, %dma_start3A_166] : memref<32768x1024xf32, #tpu.memory_space<hbm>> -> memref<32x1024xf32, #tpu.memory_space<hbm>>
    tpu.enqueue_dma source(%arg6 : memref<32x1024xf32, #tpu.memory_space<vmem>>) target(%dma_start3A_167 : memref<32x1024xf32, #tpu.memory_space<hbm>>) target_semaphore(%arg12 : memref<!tpu.dma_semaphore, #tpu.memory_space<semaphore_mem>>)
    %dma_wait3A_168 = arith.constant 0 : i32
    %dma_wait3A_169 = tpu.memref_slice %arg4[%add3A_139, %dma_wait3A_168] : memref<32768x1024xf32, #tpu.memory_space<hbm>> -> memref<32x1024xf32, #tpu.memory_space<hbm>>
    %dma_wait3A_170 = arith.constant 0 : i32
    %dma_wait3A_171 = tpu.memref_slice %arg4[%add3A_139, %dma_wait3A_170] : memref<32768x1024xf32, #tpu.memory_space<hbm>> -> memref<32x1024xf32, #tpu.memory_space<hbm>>
    tpu.wait_dma2 semaphore(%arg14 : memref<!tpu.dma_semaphore, #tpu.memory_space<semaphore_mem>>) src(%arg8 : memref<32x1024xf32, #tpu.memory_space<vmem>>) dst(%dma_wait3A_171 : memref<32x1024xf32, #tpu.memory_space<hbm>>)
    %dma_start3A_172 = arith.constant 8 : i32
    %dma_start3A_173 = arith.constant 0 : i32
    %dma_start3A_174 = tpu.memref_slice %arg5[%dma_start3A_172, %dma_start3A_173] : memref<32x32xi32, #tpu.memory_space<vmem>> -> memref<1x32xi32, #tpu.memory_space<vmem>>
    %dma_start3A_175 = tpu.memref_squeeze %dma_start3A_174 : memref<1x32xi32, #tpu.memory_space<vmem>> -> memref<32xi32, #tpu.memory_space<vmem>>
    %dma_start3A_176 = arith.constant 0 : i32
    %dma_start3A_177 = arith.constant 0 : i32
    %dma_start3A_178 = tpu.memref_slice %arg3[%dma_start3A_176, %dma_start3A_177] : memref<8192x1024xf32, #tpu.memory_space<hbm>> -> memref<8192x1024xf32, #tpu.memory_space<hbm>>
    tpu.enqueue_indirect_dma source(%dma_start3A_178 : memref<8192x1024xf32, #tpu.memory_space<hbm>>) target(%arg8 : memref<32x1024xf32, #tpu.memory_space<vmem>>) offsets(%dma_start3A_175 : memref<32xi32, #tpu.memory_space<vmem>>) semaphore(%arg11 : memref<!tpu.dma_semaphore, #tpu.memory_space<semaphore_mem>>)
    %dma_wait3A_179 = arith.constant 7 : i32
    %dma_wait3A_180 = arith.constant 0 : i32
    %dma_wait3A_181 = tpu.memref_slice %arg5[%dma_wait3A_179, %dma_wait3A_180] : memref<32x32xi32, #tpu.memory_space<vmem>> -> memref<1x32xi32, #tpu.memory_space<vmem>>
    %dma_wait3A_182 = tpu.memref_squeeze %dma_wait3A_181 : memref<1x32xi32, #tpu.memory_space<vmem>> -> memref<32xi32, #tpu.memory_space<vmem>>
    %dma_wait3A_183 = arith.constant 0 : i32
    %dma_wait3A_184 = arith.constant 0 : i32
    %dma_wait3A_185 = tpu.memref_slice %arg3[%dma_wait3A_183, %dma_wait3A_184] : memref<8192x1024xf32, #tpu.memory_space<hbm>> -> memref<8192x1024xf32, #tpu.memory_space<hbm>>
    tpu.wait_indirect_dma semaphore(%arg10 : memref<!tpu.dma_semaphore, #tpu.memory_space<semaphore_mem>>) src(%dma_wait3A_185 : memref<8192x1024xf32, #tpu.memory_space<hbm>>) dst(%arg7 : memref<32x1024xf32, #tpu.memory_space<vmem>>)
    %add3A_186 = arith.constant 224 : i32
    %add3A_187 = arith.addi %mul3A_2, %add3A_186 : i32
    %dma_start3A_188 = arith.constant 0 : i32
    %dma_start3A_189 = tpu.memref_slice %arg4[%add3A_187, %dma_start3A_188] : memref<32768x1024xf32, #tpu.memory_space<hbm>> -> memref<32x1024xf32, #tpu.memory_space<hbm>>
    %dma_start3A_190 = arith.constant 0 : i32
    %dma_start3A_191 = tpu.memref_slice %arg4[%add3A_187, %dma_start3A_190] : memref<32768x1024xf32, #tpu.memory_space<hbm>> -> memref<32x1024xf32, #tpu.memory_space<hbm>>
    tpu.enqueue_dma source(%arg7 : memref<32x1024xf32, #tpu.memory_space<vmem>>) target(%dma_start3A_191 : memref<32x1024xf32, #tpu.memory_space<hbm>>) target_semaphore(%arg13 : memref<!tpu.dma_semaphore, #tpu.memory_space<semaphore_mem>>)
    %dma_wait3A_192 = arith.constant 0 : i32
    %dma_wait3A_193 = tpu.memref_slice %arg4[%add3A_163, %dma_wait3A_192] : memref<32768x1024xf32, #tpu.memory_space<hbm>> -> memref<32x1024xf32, #tpu.memory_space<hbm>>
    %dma_wait3A_194 = arith.constant 0 : i32
    %dma_wait3A_195 = tpu.memref_slice %arg4[%add3A_163, %dma_wait3A_194] : memref<32768x1024xf32, #tpu.memory_space<hbm>> -> memref<32x1024xf32, #tpu.memory_space<hbm>>
    tpu.wait_dma2 semaphore(%arg12 : memref<!tpu.dma_semaphore, #tpu.memory_space<semaphore_mem>>) src(%arg6 : memref<32x1024xf32, #tpu.memory_space<vmem>>) dst(%dma_wait3A_195 : memref<32x1024xf32, #tpu.memory_space<hbm>>)
    %dma_start3A_196 = arith.constant 9 : i32
    %dma_start3A_197 = arith.constant 0 : i32
    %dma_start3A_198 = tpu.memref_slice %arg5[%dma_start3A_196, %dma_start3A_197] : memref<32x32xi32, #tpu.memory_space<vmem>> -> memref<1x32xi32, #tpu.memory_space<vmem>>
    %dma_start3A_199 = tpu.memref_squeeze %dma_start3A_198 : memref<1x32xi32, #tpu.memory_space<vmem>> -> memref<32xi32, #tpu.memory_space<vmem>>
    %dma_start3A_200 = arith.constant 0 : i32
    %dma_start3A_201 = arith.constant 0 : i32
    %dma_start3A_202 = tpu.memref_slice %arg3[%dma_start3A_200, %dma_start3A_201] : memref<8192x1024xf32, #tpu.memory_space<hbm>> -> memref<8192x1024xf32, #tpu.memory_space<hbm>>
    tpu.enqueue_indirect_dma source(%dma_start3A_202 : memref<8192x1024xf32, #tpu.memory_space<hbm>>) target(%arg6 : memref<32x1024xf32, #tpu.memory_space<vmem>>) offsets(%dma_start3A_199 : memref<32xi32, #tpu.memory_space<vmem>>) semaphore(%arg9 : memref<!tpu.dma_semaphore, #tpu.memory_space<semaphore_mem>>)
    %dma_wait3A_203 = arith.constant 8 : i32
    %dma_wait3A_204 = arith.constant 0 : i32
    %dma_wait3A_205 = tpu.memref_slice %arg5[%dma_wait3A_203, %dma_wait3A_204] : memref<32x32xi32, #tpu.memory_space<vmem>> -> memref<1x32xi32, #tpu.memory_space<vmem>>
    %dma_wait3A_206 = tpu.memref_squeeze %dma_wait3A_205 : memref<1x32xi32, #tpu.memory_space<vmem>> -> memref<32xi32, #tpu.memory_space<vmem>>
    %dma_wait3A_207 = arith.constant 0 : i32
    %dma_wait3A_208 = arith.constant 0 : i32
    %dma_wait3A_209 = tpu.memref_slice %arg3[%dma_wait3A_207, %dma_wait3A_208] : memref<8192x1024xf32, #tpu.memory_space<hbm>> -> memref<8192x1024xf32, #tpu.memory_space<hbm>>
    tpu.wait_indirect_dma semaphore(%arg11 : memref<!tpu.dma_semaphore, #tpu.memory_space<semaphore_mem>>) src(%dma_wait3A_209 : memref<8192x1024xf32, #tpu.memory_space<hbm>>) dst(%arg8 : memref<32x1024xf32, #tpu.memory_space<vmem>>)
    %add3A_210 = arith.constant 256 : i32
    %add3A_211 = arith.addi %mul3A_2, %add3A_210 : i32
    %dma_start3A_212 = arith.constant 0 : i32
    %dma_start3A_213 = tpu.memref_slice %arg4[%add3A_211, %dma_start3A_212] : memref<32768x1024xf32, #tpu.memory_space<hbm>> -> memref<32x1024xf32, #tpu.memory_space<hbm>>
    %dma_start3A_214 = arith.constant 0 : i32
    %dma_start3A_215 = tpu.memref_slice %arg4[%add3A_211, %dma_start3A_214] : memref<32768x1024xf32, #tpu.memory_space<hbm>> -> memref<32x1024xf32, #tpu.memory_space<hbm>>
    tpu.enqueue_dma source(%arg8 : memref<32x1024xf32, #tpu.memory_space<vmem>>) target(%dma_start3A_215 : memref<32x1024xf32, #tpu.memory_space<hbm>>) target_semaphore(%arg14 : memref<!tpu.dma_semaphore, #tpu.memory_space<semaphore_mem>>)
    %dma_wait3A_216 = arith.constant 0 : i32
    %dma_wait3A_217 = tpu.memref_slice %arg4[%add3A_187, %dma_wait3A_216] : memref<32768x1024xf32, #tpu.memory_space<hbm>> -> memref<32x1024xf32, #tpu.memory_space<hbm>>
    %dma_wait3A_218 = arith.constant 0 : i32
    %dma_wait3A_219 = tpu.memref_slice %arg4[%add3A_187, %dma_wait3A_218] : memref<32768x1024xf32, #tpu.memory_space<hbm>> -> memref<32x1024xf32, #tpu.memory_space<hbm>>
    tpu.wait_dma2 semaphore(%arg13 : memref<!tpu.dma_semaphore, #tpu.memory_space<semaphore_mem>>) src(%arg7 : memref<32x1024xf32, #tpu.memory_space<vmem>>) dst(%dma_wait3A_219 : memref<32x1024xf32, #tpu.memory_space<hbm>>)
    %dma_start3A_220 = arith.constant 10 : i32
    %dma_start3A_221 = arith.constant 0 : i32
    %dma_start3A_222 = tpu.memref_slice %arg5[%dma_start3A_220, %dma_start3A_221] : memref<32x32xi32, #tpu.memory_space<vmem>> -> memref<1x32xi32, #tpu.memory_space<vmem>>
    %dma_start3A_223 = tpu.memref_squeeze %dma_start3A_222 : memref<1x32xi32, #tpu.memory_space<vmem>> -> memref<32xi32, #tpu.memory_space<vmem>>
    %dma_start3A_224 = arith.constant 0 : i32
    %dma_start3A_225 = arith.constant 0 : i32
    %dma_start3A_226 = tpu.memref_slice %arg3[%dma_start3A_224, %dma_start3A_225] : memref<8192x1024xf32, #tpu.memory_space<hbm>> -> memref<8192x1024xf32, #tpu.memory_space<hbm>>
    tpu.enqueue_indirect_dma source(%dma_start3A_226 : memref<8192x1024xf32, #tpu.memory_space<hbm>>) target(%arg7 : memref<32x1024xf32, #tpu.memory_space<vmem>>) offsets(%dma_start3A_223 : memref<32xi32, #tpu.memory_space<vmem>>) semaphore(%arg10 : memref<!tpu.dma_semaphore, #tpu.memory_space<semaphore_mem>>)
    %dma_wait3A_227 = arith.constant 9 : i32
    %dma_wait3A_228 = arith.constant 0 : i32
    %dma_wait3A_229 = tpu.memref_slice %arg5[%dma_wait3A_227, %dma_wait3A_228] : memref<32x32xi32, #tpu.memory_space<vmem>> -> memref<1x32xi32, #tpu.memory_space<vmem>>
    %dma_wait3A_230 = tpu.memref_squeeze %dma_wait3A_229 : memref<1x32xi32, #tpu.memory_space<vmem>> -> memref<32xi32, #tpu.memory_space<vmem>>
    %dma_wait3A_231 = arith.constant 0 : i32
    %dma_wait3A_232 = arith.constant 0 : i32
    %dma_wait3A_233 = tpu.memref_slice %arg3[%dma_wait3A_231, %dma_wait3A_232] : memref<8192x1024xf32, #tpu.memory_space<hbm>> -> memref<8192x1024xf32, #tpu.memory_space<hbm>>
    tpu.wait_indirect_dma semaphore(%arg9 : memref<!tpu.dma_semaphore, #tpu.memory_space<semaphore_mem>>) src(%dma_wait3A_233 : memref<8192x1024xf32, #tpu.memory_space<hbm>>) dst(%arg6 : memref<32x1024xf32, #tpu.memory_space<vmem>>)
    %add3A_234 = arith.constant 288 : i32
    %add3A_235 = arith.addi %mul3A_2, %add3A_234 : i32
    %dma_start3A_236 = arith.constant 0 : i32
    %dma_start3A_237 = tpu.memref_slice %arg4[%add3A_235, %dma_start3A_236] : memref<32768x1024xf32, #tpu.memory_space<hbm>> -> memref<32x1024xf32, #tpu.memory_space<hbm>>
    %dma_start3A_238 = arith.constant 0 : i32
    %dma_start3A_239 = tpu.memref_slice %arg4[%add3A_235, %dma_start3A_238] : memref<32768x1024xf32, #tpu.memory_space<hbm>> -> memref<32x1024xf32, #tpu.memory_space<hbm>>
    tpu.enqueue_dma source(%arg6 : memref<32x1024xf32, #tpu.memory_space<vmem>>) target(%dma_start3A_239 : memref<32x1024xf32, #tpu.memory_space<hbm>>) target_semaphore(%arg12 : memref<!tpu.dma_semaphore, #tpu.memory_space<semaphore_mem>>)
    %dma_wait3A_240 = arith.constant 0 : i32
    %dma_wait3A_241 = tpu.memref_slice %arg4[%add3A_211, %dma_wait3A_240] : memref<32768x1024xf32, #tpu.memory_space<hbm>> -> memref<32x1024xf32, #tpu.memory_space<hbm>>
    %dma_wait3A_242 = arith.constant 0 : i32
    %dma_wait3A_243 = tpu.memref_slice %arg4[%add3A_211, %dma_wait3A_242] : memref<32768x1024xf32, #tpu.memory_space<hbm>> -> memref<32x1024xf32, #tpu.memory_space<hbm>>
    tpu.wait_dma2 semaphore(%arg14 : memref<!tpu.dma_semaphore, #tpu.memory_space<semaphore_mem>>) src(%arg8 : memref<32x1024xf32, #tpu.memory_space<vmem>>) dst(%dma_wait3A_243 : memref<32x1024xf32, #tpu.memory_space<hbm>>)
    %dma_start3A_244 = arith.constant 11 : i32
    %dma_start3A_245 = arith.constant 0 : i32
    %dma_start3A_246 = tpu.memref_slice %arg5[%dma_start3A_244, %dma_start3A_245] : memref<32x32xi32, #tpu.memory_space<vmem>> -> memref<1x32xi32, #tpu.memory_space<vmem>>
    %dma_start3A_247 = tpu.memref_squeeze %dma_start3A_246 : memref<1x32xi32, #tpu.memory_space<vmem>> -> memref<32xi32, #tpu.memory_space<vmem>>
    %dma_start3A_248 = arith.constant 0 : i32
    %dma_start3A_249 = arith.constant 0 : i32
    %dma_start3A_250 = tpu.memref_slice %arg3[%dma_start3A_248, %dma_start3A_249] : memref<8192x1024xf32, #tpu.memory_space<hbm>> -> memref<8192x1024xf32, #tpu.memory_space<hbm>>
    tpu.enqueue_indirect_dma source(%dma_start3A_250 : memref<8192x1024xf32, #tpu.memory_space<hbm>>) target(%arg8 : memref<32x1024xf32, #tpu.memory_space<vmem>>) offsets(%dma_start3A_247 : memref<32xi32, #tpu.memory_space<vmem>>) semaphore(%arg11 : memref<!tpu.dma_semaphore, #tpu.memory_space<semaphore_mem>>)
    %dma_wait3A_251 = arith.constant 10 : i32
    %dma_wait3A_252 = arith.constant 0 : i32
    %dma_wait3A_253 = tpu.memref_slice %arg5[%dma_wait3A_251, %dma_wait3A_252] : memref<32x32xi32, #tpu.memory_space<vmem>> -> memref<1x32xi32, #tpu.memory_space<vmem>>
    %dma_wait3A_254 = tpu.memref_squeeze %dma_wait3A_253 : memref<1x32xi32, #tpu.memory_space<vmem>> -> memref<32xi32, #tpu.memory_space<vmem>>
    %dma_wait3A_255 = arith.constant 0 : i32
    %dma_wait3A_256 = arith.constant 0 : i32
    %dma_wait3A_257 = tpu.memref_slice %arg3[%dma_wait3A_255, %dma_wait3A_256] : memref<8192x1024xf32, #tpu.memory_space<hbm>> -> memref<8192x1024xf32, #tpu.memory_space<hbm>>
    tpu.wait_indirect_dma semaphore(%arg10 : memref<!tpu.dma_semaphore, #tpu.memory_space<semaphore_mem>>) src(%dma_wait3A_257 : memref<8192x1024xf32, #tpu.memory_space<hbm>>) dst(%arg7 : memref<32x1024xf32, #tpu.memory_space<vmem>>)
    %add3A_258 = arith.constant 320 : i32
    %add3A_259 = arith.addi %mul3A_2, %add3A_258 : i32
    %dma_start3A_260 = arith.constant 0 : i32
    %dma_start3A_261 = tpu.memref_slice %arg4[%add3A_259, %dma_start3A_260] : memref<32768x1024xf32, #tpu.memory_space<hbm>> -> memref<32x1024xf32, #tpu.memory_space<hbm>>
    %dma_start3A_262 = arith.constant 0 : i32
    %dma_start3A_263 = tpu.memref_slice %arg4[%add3A_259, %dma_start3A_262] : memref<32768x1024xf32, #tpu.memory_space<hbm>> -> memref<32x1024xf32, #tpu.memory_space<hbm>>
    tpu.enqueue_dma source(%arg7 : memref<32x1024xf32, #tpu.memory_space<vmem>>) target(%dma_start3A_263 : memref<32x1024xf32, #tpu.memory_space<hbm>>) target_semaphore(%arg13 : memref<!tpu.dma_semaphore, #tpu.memory_space<semaphore_mem>>)
    %dma_wait3A_264 = arith.constant 0 : i32
    %dma_wait3A_265 = tpu.memref_slice %arg4[%add3A_235, %dma_wait3A_264] : memref<32768x1024xf32, #tpu.memory_space<hbm>> -> memref<32x1024xf32, #tpu.memory_space<hbm>>
    %dma_wait3A_266 = arith.constant 0 : i32
    %dma_wait3A_267 = tpu.memref_slice %arg4[%add3A_235, %dma_wait3A_266] : memref<32768x1024xf32, #tpu.memory_space<hbm>> -> memref<32x1024xf32, #tpu.memory_space<hbm>>
    tpu.wait_dma2 semaphore(%arg12 : memref<!tpu.dma_semaphore, #tpu.memory_space<semaphore_mem>>) src(%arg6 : memref<32x1024xf32, #tpu.memory_space<vmem>>) dst(%dma_wait3A_267 : memref<32x1024xf32, #tpu.memory_space<hbm>>)
    %dma_start3A_268 = arith.constant 12 : i32
    %dma_start3A_269 = arith.constant 0 : i32
    %dma_start3A_270 = tpu.memref_slice %arg5[%dma_start3A_268, %dma_start3A_269] : memref<32x32xi32, #tpu.memory_space<vmem>> -> memref<1x32xi32, #tpu.memory_space<vmem>>
    %dma_start3A_271 = tpu.memref_squeeze %dma_start3A_270 : memref<1x32xi32, #tpu.memory_space<vmem>> -> memref<32xi32, #tpu.memory_space<vmem>>
    %dma_start3A_272 = arith.constant 0 : i32
    %dma_start3A_273 = arith.constant 0 : i32
    %dma_start3A_274 = tpu.memref_slice %arg3[%dma_start3A_272, %dma_start3A_273] : memref<8192x1024xf32, #tpu.memory_space<hbm>> -> memref<8192x1024xf32, #tpu.memory_space<hbm>>
    tpu.enqueue_indirect_dma source(%dma_start3A_274 : memref<8192x1024xf32, #tpu.memory_space<hbm>>) target(%arg6 : memref<32x1024xf32, #tpu.memory_space<vmem>>) offsets(%dma_start3A_271 : memref<32xi32, #tpu.memory_space<vmem>>) semaphore(%arg9 : memref<!tpu.dma_semaphore, #tpu.memory_space<semaphore_mem>>)
    %dma_wait3A_275 = arith.constant 11 : i32
    %dma_wait3A_276 = arith.constant 0 : i32
    %dma_wait3A_277 = tpu.memref_slice %arg5[%dma_wait3A_275, %dma_wait3A_276] : memref<32x32xi32, #tpu.memory_space<vmem>> -> memref<1x32xi32, #tpu.memory_space<vmem>>
    %dma_wait3A_278 = tpu.memref_squeeze %dma_wait3A_277 : memref<1x32xi32, #tpu.memory_space<vmem>> -> memref<32xi32, #tpu.memory_space<vmem>>
    %dma_wait3A_279 = arith.constant 0 : i32
    %dma_wait3A_280 = arith.constant 0 : i32
    %dma_wait3A_281 = tpu.memref_slice %arg3[%dma_wait3A_279, %dma_wait3A_280] : memref<8192x1024xf32, #tpu.memory_space<hbm>> -> memref<8192x1024xf32, #tpu.memory_space<hbm>>
    tpu.wait_indirect_dma semaphore(%arg11 : memref<!tpu.dma_semaphore, #tpu.memory_space<semaphore_mem>>) src(%dma_wait3A_281 : memref<8192x1024xf32, #tpu.memory_space<hbm>>) dst(%arg8 : memref<32x1024xf32, #tpu.memory_space<vmem>>)
    %add3A_282 = arith.constant 352 : i32
    %add3A_283 = arith.addi %mul3A_2, %add3A_282 : i32
    %dma_start3A_284 = arith.constant 0 : i32
    %dma_start3A_285 = tpu.memref_slice %arg4[%add3A_283, %dma_start3A_284] : memref<32768x1024xf32, #tpu.memory_space<hbm>> -> memref<32x1024xf32, #tpu.memory_space<hbm>>
    %dma_start3A_286 = arith.constant 0 : i32
    %dma_start3A_287 = tpu.memref_slice %arg4[%add3A_283, %dma_start3A_286] : memref<32768x1024xf32, #tpu.memory_space<hbm>> -> memref<32x1024xf32, #tpu.memory_space<hbm>>
    tpu.enqueue_dma source(%arg8 : memref<32x1024xf32, #tpu.memory_space<vmem>>) target(%dma_start3A_287 : memref<32x1024xf32, #tpu.memory_space<hbm>>) target_semaphore(%arg14 : memref<!tpu.dma_semaphore, #tpu.memory_space<semaphore_mem>>)
    %dma_wait3A_288 = arith.constant 0 : i32
    %dma_wait3A_289 = tpu.memref_slice %arg4[%add3A_259, %dma_wait3A_288] : memref<32768x1024xf32, #tpu.memory_space<hbm>> -> memref<32x1024xf32, #tpu.memory_space<hbm>>
    %dma_wait3A_290 = arith.constant 0 : i32
    %dma_wait3A_291 = tpu.memref_slice %arg4[%add3A_259, %dma_wait3A_290] : memref<32768x1024xf32, #tpu.memory_space<hbm>> -> memref<32x1024xf32, #tpu.memory_space<hbm>>
    tpu.wait_dma2 semaphore(%arg13 : memref<!tpu.dma_semaphore, #tpu.memory_space<semaphore_mem>>) src(%arg7 : memref<32x1024xf32, #tpu.memory_space<vmem>>) dst(%dma_wait3A_291 : memref<32x1024xf32, #tpu.memory_space<hbm>>)
    %dma_start3A_292 = arith.constant 13 : i32
    %dma_start3A_293 = arith.constant 0 : i32
    %dma_start3A_294 = tpu.memref_slice %arg5[%dma_start3A_292, %dma_start3A_293] : memref<32x32xi32, #tpu.memory_space<vmem>> -> memref<1x32xi32, #tpu.memory_space<vmem>>
    %dma_start3A_295 = tpu.memref_squeeze %dma_start3A_294 : memref<1x32xi32, #tpu.memory_space<vmem>> -> memref<32xi32, #tpu.memory_space<vmem>>
    %dma_start3A_296 = arith.constant 0 : i32
    %dma_start3A_297 = arith.constant 0 : i32
    %dma_start3A_298 = tpu.memref_slice %arg3[%dma_start3A_296, %dma_start3A_297] : memref<8192x1024xf32, #tpu.memory_space<hbm>> -> memref<8192x1024xf32, #tpu.memory_space<hbm>>
    tpu.enqueue_indirect_dma source(%dma_start3A_298 : memref<8192x1024xf32, #tpu.memory_space<hbm>>) target(%arg7 : memref<32x1024xf32, #tpu.memory_space<vmem>>) offsets(%dma_start3A_295 : memref<32xi32, #tpu.memory_space<vmem>>) semaphore(%arg10 : memref<!tpu.dma_semaphore, #tpu.memory_space<semaphore_mem>>)
    %dma_wait3A_299 = arith.constant 12 : i32
    %dma_wait3A_300 = arith.constant 0 : i32
    %dma_wait3A_301 = tpu.memref_slice %arg5[%dma_wait3A_299, %dma_wait3A_300] : memref<32x32xi32, #tpu.memory_space<vmem>> -> memref<1x32xi32, #tpu.memory_space<vmem>>
    %dma_wait3A_302 = tpu.memref_squeeze %dma_wait3A_301 : memref<1x32xi32, #tpu.memory_space<vmem>> -> memref<32xi32, #tpu.memory_space<vmem>>
    %dma_wait3A_303 = arith.constant 0 : i32
    %dma_wait3A_304 = arith.constant 0 : i32
    %dma_wait3A_305 = tpu.memref_slice %arg3[%dma_wait3A_303, %dma_wait3A_304] : memref<8192x1024xf32, #tpu.memory_space<hbm>> -> memref<8192x1024xf32, #tpu.memory_space<hbm>>
    tpu.wait_indirect_dma semaphore(%arg9 : memref<!tpu.dma_semaphore, #tpu.memory_space<semaphore_mem>>) src(%dma_wait3A_305 : memref<8192x1024xf32, #tpu.memory_space<hbm>>) dst(%arg6 : memref<32x1024xf32, #tpu.memory_space<vmem>>)
    %add3A_306 = arith.constant 384 : i32
    %add3A_307 = arith.addi %mul3A_2, %add3A_306 : i32
    %dma_start3A_308 = arith.constant 0 : i32
    %dma_start3A_309 = tpu.memref_slice %arg4[%add3A_307, %dma_start3A_308] : memref<32768x1024xf32, #tpu.memory_space<hbm>> -> memref<32x1024xf32, #tpu.memory_space<hbm>>
    %dma_start3A_310 = arith.constant 0 : i32
    %dma_start3A_311 = tpu.memref_slice %arg4[%add3A_307, %dma_start3A_310] : memref<32768x1024xf32, #tpu.memory_space<hbm>> -> memref<32x1024xf32, #tpu.memory_space<hbm>>
    tpu.enqueue_dma source(%arg6 : memref<32x1024xf32, #tpu.memory_space<vmem>>) target(%dma_start3A_311 : memref<32x1024xf32, #tpu.memory_space<hbm>>) target_semaphore(%arg12 : memref<!tpu.dma_semaphore, #tpu.memory_space<semaphore_mem>>)
    %dma_wait3A_312 = arith.constant 0 : i32
    %dma_wait3A_313 = tpu.memref_slice %arg4[%add3A_283, %dma_wait3A_312] : memref<32768x1024xf32, #tpu.memory_space<hbm>> -> memref<32x1024xf32, #tpu.memory_space<hbm>>
    %dma_wait3A_314 = arith.constant 0 : i32
    %dma_wait3A_315 = tpu.memref_slice %arg4[%add3A_283, %dma_wait3A_314] : memref<32768x1024xf32, #tpu.memory_space<hbm>> -> memref<32x1024xf32, #tpu.memory_space<hbm>>
    tpu.wait_dma2 semaphore(%arg14 : memref<!tpu.dma_semaphore, #tpu.memory_space<semaphore_mem>>) src(%arg8 : memref<32x1024xf32, #tpu.memory_space<vmem>>) dst(%dma_wait3A_315 : memref<32x1024xf32, #tpu.memory_space<hbm>>)
    %dma_start3A_316 = arith.constant 14 : i32
    %dma_start3A_317 = arith.constant 0 : i32
    %dma_start3A_318 = tpu.memref_slice %arg5[%dma_start3A_316, %dma_start3A_317] : memref<32x32xi32, #tpu.memory_space<vmem>> -> memref<1x32xi32, #tpu.memory_space<vmem>>
    %dma_start3A_319 = tpu.memref_squeeze %dma_start3A_318 : memref<1x32xi32, #tpu.memory_space<vmem>> -> memref<32xi32, #tpu.memory_space<vmem>>
    %dma_start3A_320 = arith.constant 0 : i32
    %dma_start3A_321 = arith.constant 0 : i32
    %dma_start3A_322 = tpu.memref_slice %arg3[%dma_start3A_320, %dma_start3A_321] : memref<8192x1024xf32, #tpu.memory_space<hbm>> -> memref<8192x1024xf32, #tpu.memory_space<hbm>>
    tpu.enqueue_indirect_dma source(%dma_start3A_322 : memref<8192x1024xf32, #tpu.memory_space<hbm>>) target(%arg8 : memref<32x1024xf32, #tpu.memory_space<vmem>>) offsets(%dma_start3A_319 : memref<32xi32, #tpu.memory_space<vmem>>) semaphore(%arg11 : memref<!tpu.dma_semaphore, #tpu.memory_space<semaphore_mem>>)
    %dma_wait3A_323 = arith.constant 13 : i32
    %dma_wait3A_324 = arith.constant 0 : i32
    %dma_wait3A_325 = tpu.memref_slice %arg5[%dma_wait3A_323, %dma_wait3A_324] : memref<32x32xi32, #tpu.memory_space<vmem>> -> memref<1x32xi32, #tpu.memory_space<vmem>>
    %dma_wait3A_326 = tpu.memref_squeeze %dma_wait3A_325 : memref<1x32xi32, #tpu.memory_space<vmem>> -> memref<32xi32, #tpu.memory_space<vmem>>
    %dma_wait3A_327 = arith.constant 0 : i32
    %dma_wait3A_328 = arith.constant 0 : i32
    %dma_wait3A_329 = tpu.memref_slice %arg3[%dma_wait3A_327, %dma_wait3A_328] : memref<8192x1024xf32, #tpu.memory_space<hbm>> -> memref<8192x1024xf32, #tpu.memory_space<hbm>>
    tpu.wait_indirect_dma semaphore(%arg10 : memref<!tpu.dma_semaphore, #tpu.memory_space<semaphore_mem>>) src(%dma_wait3A_329 : memref<8192x1024xf32, #tpu.memory_space<hbm>>) dst(%arg7 : memref<32x1024xf32, #tpu.memory_space<vmem>>)
    %add3A_330 = arith.constant 416 : i32
    %add3A_331 = arith.addi %mul3A_2, %add3A_330 : i32
    %dma_start3A_332 = arith.constant 0 : i32
    %dma_start3A_333 = tpu.memref_slice %arg4[%add3A_331, %dma_start3A_332] : memref<32768x1024xf32, #tpu.memory_space<hbm>> -> memref<32x1024xf32, #tpu.memory_space<hbm>>
    %dma_start3A_334 = arith.constant 0 : i32
    %dma_start3A_335 = tpu.memref_slice %arg4[%add3A_331, %dma_start3A_334] : memref<32768x1024xf32, #tpu.memory_space<hbm>> -> memref<32x1024xf32, #tpu.memory_space<hbm>>
    tpu.enqueue_dma source(%arg7 : memref<32x1024xf32, #tpu.memory_space<vmem>>) target(%dma_start3A_335 : memref<32x1024xf32, #tpu.memory_space<hbm>>) target_semaphore(%arg13 : memref<!tpu.dma_semaphore, #tpu.memory_space<semaphore_mem>>)
    %dma_wait3A_336 = arith.constant 0 : i32
    %dma_wait3A_337 = tpu.memref_slice %arg4[%add3A_307, %dma_wait3A_336] : memref<32768x1024xf32, #tpu.memory_space<hbm>> -> memref<32x1024xf32, #tpu.memory_space<hbm>>
    %dma_wait3A_338 = arith.constant 0 : i32
    %dma_wait3A_339 = tpu.memref_slice %arg4[%add3A_307, %dma_wait3A_338] : memref<32768x1024xf32, #tpu.memory_space<hbm>> -> memref<32x1024xf32, #tpu.memory_space<hbm>>
    tpu.wait_dma2 semaphore(%arg12 : memref<!tpu.dma_semaphore, #tpu.memory_space<semaphore_mem>>) src(%arg6 : memref<32x1024xf32, #tpu.memory_space<vmem>>) dst(%dma_wait3A_339 : memref<32x1024xf32, #tpu.memory_space<hbm>>)
    %dma_start3A_340 = arith.constant 15 : i32
    %dma_start3A_341 = arith.constant 0 : i32
    %dma_start3A_342 = tpu.memref_slice %arg5[%dma_start3A_340, %dma_start3A_341] : memref<32x32xi32, #tpu.memory_space<vmem>> -> memref<1x32xi32, #tpu.memory_space<vmem>>
    %dma_start3A_343 = tpu.memref_squeeze %dma_start3A_342 : memref<1x32xi32, #tpu.memory_space<vmem>> -> memref<32xi32, #tpu.memory_space<vmem>>
    %dma_start3A_344 = arith.constant 0 : i32
    %dma_start3A_345 = arith.constant 0 : i32
    %dma_start3A_346 = tpu.memref_slice %arg3[%dma_start3A_344, %dma_start3A_345] : memref<8192x1024xf32, #tpu.memory_space<hbm>> -> memref<8192x1024xf32, #tpu.memory_space<hbm>>
    tpu.enqueue_indirect_dma source(%dma_start3A_346 : memref<8192x1024xf32, #tpu.memory_space<hbm>>) target(%arg6 : memref<32x1024xf32, #tpu.memory_space<vmem>>) offsets(%dma_start3A_343 : memref<32xi32, #tpu.memory_space<vmem>>) semaphore(%arg9 : memref<!tpu.dma_semaphore, #tpu.memory_space<semaphore_mem>>)
    %dma_wait3A_347 = arith.constant 14 : i32
    %dma_wait3A_348 = arith.constant 0 : i32
    %dma_wait3A_349 = tpu.memref_slice %arg5[%dma_wait3A_347, %dma_wait3A_348] : memref<32x32xi32, #tpu.memory_space<vmem>> -> memref<1x32xi32, #tpu.memory_space<vmem>>
    %dma_wait3A_350 = tpu.memref_squeeze %dma_wait3A_349 : memref<1x32xi32, #tpu.memory_space<vmem>> -> memref<32xi32, #tpu.memory_space<vmem>>
    %dma_wait3A_351 = arith.constant 0 : i32
    %dma_wait3A_352 = arith.constant 0 : i32
    %dma_wait3A_353 = tpu.memref_slice %arg3[%dma_wait3A_351, %dma_wait3A_352] : memref<8192x1024xf32, #tpu.memory_space<hbm>> -> memref<8192x1024xf32, #tpu.memory_space<hbm>>
    tpu.wait_indirect_dma semaphore(%arg11 : memref<!tpu.dma_semaphore, #tpu.memory_space<semaphore_mem>>) src(%dma_wait3A_353 : memref<8192x1024xf32, #tpu.memory_space<hbm>>) dst(%arg8 : memref<32x1024xf32, #tpu.memory_space<vmem>>)
    %add3A_354 = arith.constant 448 : i32
    %add3A_355 = arith.addi %mul3A_2, %add3A_354 : i32
    %dma_start3A_356 = arith.constant 0 : i32
    %dma_start3A_357 = tpu.memref_slice %arg4[%add3A_355, %dma_start3A_356] : memref<32768x1024xf32, #tpu.memory_space<hbm>> -> memref<32x1024xf32, #tpu.memory_space<hbm>>
    %dma_start3A_358 = arith.constant 0 : i32
    %dma_start3A_359 = tpu.memref_slice %arg4[%add3A_355, %dma_start3A_358] : memref<32768x1024xf32, #tpu.memory_space<hbm>> -> memref<32x1024xf32, #tpu.memory_space<hbm>>
    tpu.enqueue_dma source(%arg8 : memref<32x1024xf32, #tpu.memory_space<vmem>>) target(%dma_start3A_359 : memref<32x1024xf32, #tpu.memory_space<hbm>>) target_semaphore(%arg14 : memref<!tpu.dma_semaphore, #tpu.memory_space<semaphore_mem>>)
    %dma_wait3A_360 = arith.constant 0 : i32
    %dma_wait3A_361 = tpu.memref_slice %arg4[%add3A_331, %dma_wait3A_360] : memref<32768x1024xf32, #tpu.memory_space<hbm>> -> memref<32x1024xf32, #tpu.memory_space<hbm>>
    %dma_wait3A_362 = arith.constant 0 : i32
    %dma_wait3A_363 = tpu.memref_slice %arg4[%add3A_331, %dma_wait3A_362] : memref<32768x1024xf32, #tpu.memory_space<hbm>> -> memref<32x1024xf32, #tpu.memory_space<hbm>>
    tpu.wait_dma2 semaphore(%arg13 : memref<!tpu.dma_semaphore, #tpu.memory_space<semaphore_mem>>) src(%arg7 : memref<32x1024xf32, #tpu.memory_space<vmem>>) dst(%dma_wait3A_363 : memref<32x1024xf32, #tpu.memory_space<hbm>>)
    %dma_start3A_364 = arith.constant 16 : i32
    %dma_start3A_365 = arith.constant 0 : i32
    %dma_start3A_366 = tpu.memref_slice %arg5[%dma_start3A_364, %dma_start3A_365] : memref<32x32xi32, #tpu.memory_space<vmem>> -> memref<1x32xi32, #tpu.memory_space<vmem>>
    %dma_start3A_367 = tpu.memref_squeeze %dma_start3A_366 : memref<1x32xi32, #tpu.memory_space<vmem>> -> memref<32xi32, #tpu.memory_space<vmem>>
    %dma_start3A_368 = arith.constant 0 : i32
    %dma_start3A_369 = arith.constant 0 : i32
    %dma_start3A_370 = tpu.memref_slice %arg3[%dma_start3A_368, %dma_start3A_369] : memref<8192x1024xf32, #tpu.memory_space<hbm>> -> memref<8192x1024xf32, #tpu.memory_space<hbm>>
    tpu.enqueue_indirect_dma source(%dma_start3A_370 : memref<8192x1024xf32, #tpu.memory_space<hbm>>) target(%arg7 : memref<32x1024xf32, #tpu.memory_space<vmem>>) offsets(%dma_start3A_367 : memref<32xi32, #tpu.memory_space<vmem>>) semaphore(%arg10 : memref<!tpu.dma_semaphore, #tpu.memory_space<semaphore_mem>>)
    %dma_wait3A_371 = arith.constant 15 : i32
    %dma_wait3A_372 = arith.constant 0 : i32
    %dma_wait3A_373 = tpu.memref_slice %arg5[%dma_wait3A_371, %dma_wait3A_372] : memref<32x32xi32, #tpu.memory_space<vmem>> -> memref<1x32xi32, #tpu.memory_space<vmem>>
    %dma_wait3A_374 = tpu.memref_squeeze %dma_wait3A_373 : memref<1x32xi32, #tpu.memory_space<vmem>> -> memref<32xi32, #tpu.memory_space<vmem>>
    %dma_wait3A_375 = arith.constant 0 : i32
    %dma_wait3A_376 = arith.constant 0 : i32
    %dma_wait3A_377 = tpu.memref_slice %arg3[%dma_wait3A_375, %dma_wait3A_376] : memref<8192x1024xf32, #tpu.memory_space<hbm>> -> memref<8192x1024xf32, #tpu.memory_space<hbm>>
    tpu.wait_indirect_dma semaphore(%arg9 : memref<!tpu.dma_semaphore, #tpu.memory_space<semaphore_mem>>) src(%dma_wait3A_377 : memref<8192x1024xf32, #tpu.memory_space<hbm>>) dst(%arg6 : memref<32x1024xf32, #tpu.memory_space<vmem>>)
    %add3A_378 = arith.constant 480 : i32
    %add3A_379 = arith.addi %mul3A_2, %add3A_378 : i32
    %dma_start3A_380 = arith.constant 0 : i32
    %dma_start3A_381 = tpu.memref_slice %arg4[%add3A_379, %dma_start3A_380] : memref<32768x1024xf32, #tpu.memory_space<hbm>> -> memref<32x1024xf32, #tpu.memory_space<hbm>>
    %dma_start3A_382 = arith.constant 0 : i32
    %dma_start3A_383 = tpu.memref_slice %arg4[%add3A_379, %dma_start3A_382] : memref<32768x1024xf32, #tpu.memory_space<hbm>> -> memref<32x1024xf32, #tpu.memory_space<hbm>>
    tpu.enqueue_dma source(%arg6 : memref<32x1024xf32, #tpu.memory_space<vmem>>) target(%dma_start3A_383 : memref<32x1024xf32, #tpu.memory_space<hbm>>) target_semaphore(%arg12 : memref<!tpu.dma_semaphore, #tpu.memory_space<semaphore_mem>>)
    %dma_wait3A_384 = arith.constant 0 : i32
    %dma_wait3A_385 = tpu.memref_slice %arg4[%add3A_355, %dma_wait3A_384] : memref<32768x1024xf32, #tpu.memory_space<hbm>> -> memref<32x1024xf32, #tpu.memory_space<hbm>>
    %dma_wait3A_386 = arith.constant 0 : i32
    %dma_wait3A_387 = tpu.memref_slice %arg4[%add3A_355, %dma_wait3A_386] : memref<32768x1024xf32, #tpu.memory_space<hbm>> -> memref<32x1024xf32, #tpu.memory_space<hbm>>
    tpu.wait_dma2 semaphore(%arg14 : memref<!tpu.dma_semaphore, #tpu.memory_space<semaphore_mem>>) src(%arg8 : memref<32x1024xf32, #tpu.memory_space<vmem>>) dst(%dma_wait3A_387 : memref<32x1024xf32, #tpu.memory_space<hbm>>)
    %dma_start3A_388 = arith.constant 17 : i32
    %dma_start3A_389 = arith.constant 0 : i32
    %dma_start3A_390 = tpu.memref_slice %arg5[%dma_start3A_388, %dma_start3A_389] : memref<32x32xi32, #tpu.memory_space<vmem>> -> memref<1x32xi32, #tpu.memory_space<vmem>>
    %dma_start3A_391 = tpu.memref_squeeze %dma_start3A_390 : memref<1x32xi32, #tpu.memory_space<vmem>> -> memref<32xi32, #tpu.memory_space<vmem>>
    %dma_start3A_392 = arith.constant 0 : i32
    %dma_start3A_393 = arith.constant 0 : i32
    %dma_start3A_394 = tpu.memref_slice %arg3[%dma_start3A_392, %dma_start3A_393] : memref<8192x1024xf32, #tpu.memory_space<hbm>> -> memref<8192x1024xf32, #tpu.memory_space<hbm>>
    tpu.enqueue_indirect_dma source(%dma_start3A_394 : memref<8192x1024xf32, #tpu.memory_space<hbm>>) target(%arg8 : memref<32x1024xf32, #tpu.memory_space<vmem>>) offsets(%dma_start3A_391 : memref<32xi32, #tpu.memory_space<vmem>>) semaphore(%arg11 : memref<!tpu.dma_semaphore, #tpu.memory_space<semaphore_mem>>)
    %dma_wait3A_395 = arith.constant 16 : i32
    %dma_wait3A_396 = arith.constant 0 : i32
    %dma_wait3A_397 = tpu.memref_slice %arg5[%dma_wait3A_395, %dma_wait3A_396] : memref<32x32xi32, #tpu.memory_space<vmem>> -> memref<1x32xi32, #tpu.memory_space<vmem>>
    %dma_wait3A_398 = tpu.memref_squeeze %dma_wait3A_397 : memref<1x32xi32, #tpu.memory_space<vmem>> -> memref<32xi32, #tpu.memory_space<vmem>>
    %dma_wait3A_399 = arith.constant 0 : i32
    %dma_wait3A_400 = arith.constant 0 : i32
    %dma_wait3A_401 = tpu.memref_slice %arg3[%dma_wait3A_399, %dma_wait3A_400] : memref<8192x1024xf32, #tpu.memory_space<hbm>> -> memref<8192x1024xf32, #tpu.memory_space<hbm>>
    tpu.wait_indirect_dma semaphore(%arg10 : memref<!tpu.dma_semaphore, #tpu.memory_space<semaphore_mem>>) src(%dma_wait3A_401 : memref<8192x1024xf32, #tpu.memory_space<hbm>>) dst(%arg7 : memref<32x1024xf32, #tpu.memory_space<vmem>>)
    %add3A_402 = arith.constant 512 : i32
    %add3A_403 = arith.addi %mul3A_2, %add3A_402 : i32
    %dma_start3A_404 = arith.constant 0 : i32
    %dma_start3A_405 = tpu.memref_slice %arg4[%add3A_403, %dma_start3A_404] : memref<32768x1024xf32, #tpu.memory_space<hbm>> -> memref<32x1024xf32, #tpu.memory_space<hbm>>
    %dma_start3A_406 = arith.constant 0 : i32
    %dma_start3A_407 = tpu.memref_slice %arg4[%add3A_403, %dma_start3A_406] : memref<32768x1024xf32, #tpu.memory_space<hbm>> -> memref<32x1024xf32, #tpu.memory_space<hbm>>
    tpu.enqueue_dma source(%arg7 : memref<32x1024xf32, #tpu.memory_space<vmem>>) target(%dma_start3A_407 : memref<32x1024xf32, #tpu.memory_space<hbm>>) target_semaphore(%arg13 : memref<!tpu.dma_semaphore, #tpu.memory_space<semaphore_mem>>)
    %dma_wait3A_408 = arith.constant 0 : i32
    %dma_wait3A_409 = tpu.memref_slice %arg4[%add3A_379, %dma_wait3A_408] : memref<32768x1024xf32, #tpu.memory_space<hbm>> -> memref<32x1024xf32, #tpu.memory_space<hbm>>
    %dma_wait3A_410 = arith.constant 0 : i32
    %dma_wait3A_411 = tpu.memref_slice %arg4[%add3A_379, %dma_wait3A_410] : memref<32768x1024xf32, #tpu.memory_space<hbm>> -> memref<32x1024xf32, #tpu.memory_space<hbm>>
    tpu.wait_dma2 semaphore(%arg12 : memref<!tpu.dma_semaphore, #tpu.memory_space<semaphore_mem>>) src(%arg6 : memref<32x1024xf32, #tpu.memory_space<vmem>>) dst(%dma_wait3A_411 : memref<32x1024xf32, #tpu.memory_space<hbm>>)
    %dma_start3A_412 = arith.constant 18 : i32
    %dma_start3A_413 = arith.constant 0 : i32
    %dma_start3A_414 = tpu.memref_slice %arg5[%dma_start3A_412, %dma_start3A_413] : memref<32x32xi32, #tpu.memory_space<vmem>> -> memref<1x32xi32, #tpu.memory_space<vmem>>
    %dma_start3A_415 = tpu.memref_squeeze %dma_start3A_414 : memref<1x32xi32, #tpu.memory_space<vmem>> -> memref<32xi32, #tpu.memory_space<vmem>>
    %dma_start3A_416 = arith.constant 0 : i32
    %dma_start3A_417 = arith.constant 0 : i32
    %dma_start3A_418 = tpu.memref_slice %arg3[%dma_start3A_416, %dma_start3A_417] : memref<8192x1024xf32, #tpu.memory_space<hbm>> -> memref<8192x1024xf32, #tpu.memory_space<hbm>>
    tpu.enqueue_indirect_dma source(%dma_start3A_418 : memref<8192x1024xf32, #tpu.memory_space<hbm>>) target(%arg6 : memref<32x1024xf32, #tpu.memory_space<vmem>>) offsets(%dma_start3A_415 : memref<32xi32, #tpu.memory_space<vmem>>) semaphore(%arg9 : memref<!tpu.dma_semaphore, #tpu.memory_space<semaphore_mem>>)
    %dma_wait3A_419 = arith.constant 17 : i32
    %dma_wait3A_420 = arith.constant 0 : i32
    %dma_wait3A_421 = tpu.memref_slice %arg5[%dma_wait3A_419, %dma_wait3A_420] : memref<32x32xi32, #tpu.memory_space<vmem>> -> memref<1x32xi32, #tpu.memory_space<vmem>>
    %dma_wait3A_422 = tpu.memref_squeeze %dma_wait3A_421 : memref<1x32xi32, #tpu.memory_space<vmem>> -> memref<32xi32, #tpu.memory_space<vmem>>
    %dma_wait3A_423 = arith.constant 0 : i32
    %dma_wait3A_424 = arith.constant 0 : i32
    %dma_wait3A_425 = tpu.memref_slice %arg3[%dma_wait3A_423, %dma_wait3A_424] : memref<8192x1024xf32, #tpu.memory_space<hbm>> -> memref<8192x1024xf32, #tpu.memory_space<hbm>>
    tpu.wait_indirect_dma semaphore(%arg11 : memref<!tpu.dma_semaphore, #tpu.memory_space<semaphore_mem>>) src(%dma_wait3A_425 : memref<8192x1024xf32, #tpu.memory_space<hbm>>) dst(%arg8 : memref<32x1024xf32, #tpu.memory_space<vmem>>)
    %add3A_426 = arith.constant 544 : i32
    %add3A_427 = arith.addi %mul3A_2, %add3A_426 : i32
    %dma_start3A_428 = arith.constant 0 : i32
    %dma_start3A_429 = tpu.memref_slice %arg4[%add3A_427, %dma_start3A_428] : memref<32768x1024xf32, #tpu.memory_space<hbm>> -> memref<32x1024xf32, #tpu.memory_space<hbm>>
    %dma_start3A_430 = arith.constant 0 : i32
    %dma_start3A_431 = tpu.memref_slice %arg4[%add3A_427, %dma_start3A_430] : memref<32768x1024xf32, #tpu.memory_space<hbm>> -> memref<32x1024xf32, #tpu.memory_space<hbm>>
    tpu.enqueue_dma source(%arg8 : memref<32x1024xf32, #tpu.memory_space<vmem>>) target(%dma_start3A_431 : memref<32x1024xf32, #tpu.memory_space<hbm>>) target_semaphore(%arg14 : memref<!tpu.dma_semaphore, #tpu.memory_space<semaphore_mem>>)
    %dma_wait3A_432 = arith.constant 0 : i32
    %dma_wait3A_433 = tpu.memref_slice %arg4[%add3A_403, %dma_wait3A_432] : memref<32768x1024xf32, #tpu.memory_space<hbm>> -> memref<32x1024xf32, #tpu.memory_space<hbm>>
    %dma_wait3A_434 = arith.constant 0 : i32
    %dma_wait3A_435 = tpu.memref_slice %arg4[%add3A_403, %dma_wait3A_434] : memref<32768x1024xf32, #tpu.memory_space<hbm>> -> memref<32x1024xf32, #tpu.memory_space<hbm>>
    tpu.wait_dma2 semaphore(%arg13 : memref<!tpu.dma_semaphore, #tpu.memory_space<semaphore_mem>>) src(%arg7 : memref<32x1024xf32, #tpu.memory_space<vmem>>) dst(%dma_wait3A_435 : memref<32x1024xf32, #tpu.memory_space<hbm>>)
    %dma_start3A_436 = arith.constant 19 : i32
    %dma_start3A_437 = arith.constant 0 : i32
    %dma_start3A_438 = tpu.memref_slice %arg5[%dma_start3A_436, %dma_start3A_437] : memref<32x32xi32, #tpu.memory_space<vmem>> -> memref<1x32xi32, #tpu.memory_space<vmem>>
    %dma_start3A_439 = tpu.memref_squeeze %dma_start3A_438 : memref<1x32xi32, #tpu.memory_space<vmem>> -> memref<32xi32, #tpu.memory_space<vmem>>
    %dma_start3A_440 = arith.constant 0 : i32
    %dma_start3A_441 = arith.constant 0 : i32
    %dma_start3A_442 = tpu.memref_slice %arg3[%dma_start3A_440, %dma_start3A_441] : memref<8192x1024xf32, #tpu.memory_space<hbm>> -> memref<8192x1024xf32, #tpu.memory_space<hbm>>
    tpu.enqueue_indirect_dma source(%dma_start3A_442 : memref<8192x1024xf32, #tpu.memory_space<hbm>>) target(%arg7 : memref<32x1024xf32, #tpu.memory_space<vmem>>) offsets(%dma_start3A_439 : memref<32xi32, #tpu.memory_space<vmem>>) semaphore(%arg10 : memref<!tpu.dma_semaphore, #tpu.memory_space<semaphore_mem>>)
    %dma_wait3A_443 = arith.constant 18 : i32
    %dma_wait3A_444 = arith.constant 0 : i32
    %dma_wait3A_445 = tpu.memref_slice %arg5[%dma_wait3A_443, %dma_wait3A_444] : memref<32x32xi32, #tpu.memory_space<vmem>> -> memref<1x32xi32, #tpu.memory_space<vmem>>
    %dma_wait3A_446 = tpu.memref_squeeze %dma_wait3A_445 : memref<1x32xi32, #tpu.memory_space<vmem>> -> memref<32xi32, #tpu.memory_space<vmem>>
    %dma_wait3A_447 = arith.constant 0 : i32
    %dma_wait3A_448 = arith.constant 0 : i32
    %dma_wait3A_449 = tpu.memref_slice %arg3[%dma_wait3A_447, %dma_wait3A_448] : memref<8192x1024xf32, #tpu.memory_space<hbm>> -> memref<8192x1024xf32, #tpu.memory_space<hbm>>
    tpu.wait_indirect_dma semaphore(%arg9 : memref<!tpu.dma_semaphore, #tpu.memory_space<semaphore_mem>>) src(%dma_wait3A_449 : memref<8192x1024xf32, #tpu.memory_space<hbm>>) dst(%arg6 : memref<32x1024xf32, #tpu.memory_space<vmem>>)
    %add3A_450 = arith.constant 576 : i32
    %add3A_451 = arith.addi %mul3A_2, %add3A_450 : i32
    %dma_start3A_452 = arith.constant 0 : i32
    %dma_start3A_453 = tpu.memref_slice %arg4[%add3A_451, %dma_start3A_452] : memref<32768x1024xf32, #tpu.memory_space<hbm>> -> memref<32x1024xf32, #tpu.memory_space<hbm>>
    %dma_start3A_454 = arith.constant 0 : i32
    %dma_start3A_455 = tpu.memref_slice %arg4[%add3A_451, %dma_start3A_454] : memref<32768x1024xf32, #tpu.memory_space<hbm>> -> memref<32x1024xf32, #tpu.memory_space<hbm>>
    tpu.enqueue_dma source(%arg6 : memref<32x1024xf32, #tpu.memory_space<vmem>>) target(%dma_start3A_455 : memref<32x1024xf32, #tpu.memory_space<hbm>>) target_semaphore(%arg12 : memref<!tpu.dma_semaphore, #tpu.memory_space<semaphore_mem>>)
    %dma_wait3A_456 = arith.constant 0 : i32
    %dma_wait3A_457 = tpu.memref_slice %arg4[%add3A_427, %dma_wait3A_456] : memref<32768x1024xf32, #tpu.memory_space<hbm>> -> memref<32x1024xf32, #tpu.memory_space<hbm>>
    %dma_wait3A_458 = arith.constant 0 : i32
    %dma_wait3A_459 = tpu.memref_slice %arg4[%add3A_427, %dma_wait3A_458] : memref<32768x1024xf32, #tpu.memory_space<hbm>> -> memref<32x1024xf32, #tpu.memory_space<hbm>>
    tpu.wait_dma2 semaphore(%arg14 : memref<!tpu.dma_semaphore, #tpu.memory_space<semaphore_mem>>) src(%arg8 : memref<32x1024xf32, #tpu.memory_space<vmem>>) dst(%dma_wait3A_459 : memref<32x1024xf32, #tpu.memory_space<hbm>>)
    %dma_start3A_460 = arith.constant 20 : i32
    %dma_start3A_461 = arith.constant 0 : i32
    %dma_start3A_462 = tpu.memref_slice %arg5[%dma_start3A_460, %dma_start3A_461] : memref<32x32xi32, #tpu.memory_space<vmem>> -> memref<1x32xi32, #tpu.memory_space<vmem>>
    %dma_start3A_463 = tpu.memref_squeeze %dma_start3A_462 : memref<1x32xi32, #tpu.memory_space<vmem>> -> memref<32xi32, #tpu.memory_space<vmem>>
    %dma_start3A_464 = arith.constant 0 : i32
    %dma_start3A_465 = arith.constant 0 : i32
    %dma_start3A_466 = tpu.memref_slice %arg3[%dma_start3A_464, %dma_start3A_465] : memref<8192x1024xf32, #tpu.memory_space<hbm>> -> memref<8192x1024xf32, #tpu.memory_space<hbm>>
    tpu.enqueue_indirect_dma source(%dma_start3A_466 : memref<8192x1024xf32, #tpu.memory_space<hbm>>) target(%arg8 : memref<32x1024xf32, #tpu.memory_space<vmem>>) offsets(%dma_start3A_463 : memref<32xi32, #tpu.memory_space<vmem>>) semaphore(%arg11 : memref<!tpu.dma_semaphore, #tpu.memory_space<semaphore_mem>>)
    %dma_wait3A_467 = arith.constant 19 : i32
    %dma_wait3A_468 = arith.constant 0 : i32
    %dma_wait3A_469 = tpu.memref_slice %arg5[%dma_wait3A_467, %dma_wait3A_468] : memref<32x32xi32, #tpu.memory_space<vmem>> -> memref<1x32xi32, #tpu.memory_space<vmem>>
    %dma_wait3A_470 = tpu.memref_squeeze %dma_wait3A_469 : memref<1x32xi32, #tpu.memory_space<vmem>> -> memref<32xi32, #tpu.memory_space<vmem>>
    %dma_wait3A_471 = arith.constant 0 : i32
    %dma_wait3A_472 = arith.constant 0 : i32
    %dma_wait3A_473 = tpu.memref_slice %arg3[%dma_wait3A_471, %dma_wait3A_472] : memref<8192x1024xf32, #tpu.memory_space<hbm>> -> memref<8192x1024xf32, #tpu.memory_space<hbm>>
    tpu.wait_indirect_dma semaphore(%arg10 : memref<!tpu.dma_semaphore, #tpu.memory_space<semaphore_mem>>) src(%dma_wait3A_473 : memref<8192x1024xf32, #tpu.memory_space<hbm>>) dst(%arg7 : memref<32x1024xf32, #tpu.memory_space<vmem>>)
    %add3A_474 = arith.constant 608 : i32
    %add3A_475 = arith.addi %mul3A_2, %add3A_474 : i32
    %dma_start3A_476 = arith.constant 0 : i32
    %dma_start3A_477 = tpu.memref_slice %arg4[%add3A_475, %dma_start3A_476] : memref<32768x1024xf32, #tpu.memory_space<hbm>> -> memref<32x1024xf32, #tpu.memory_space<hbm>>
    %dma_start3A_478 = arith.constant 0 : i32
    %dma_start3A_479 = tpu.memref_slice %arg4[%add3A_475, %dma_start3A_478] : memref<32768x1024xf32, #tpu.memory_space<hbm>> -> memref<32x1024xf32, #tpu.memory_space<hbm>>
    tpu.enqueue_dma source(%arg7 : memref<32x1024xf32, #tpu.memory_space<vmem>>) target(%dma_start3A_479 : memref<32x1024xf32, #tpu.memory_space<hbm>>) target_semaphore(%arg13 : memref<!tpu.dma_semaphore, #tpu.memory_space<semaphore_mem>>)
    %dma_wait3A_480 = arith.constant 0 : i32
    %dma_wait3A_481 = tpu.memref_slice %arg4[%add3A_451, %dma_wait3A_480] : memref<32768x1024xf32, #tpu.memory_space<hbm>> -> memref<32x1024xf32, #tpu.memory_space<hbm>>
    %dma_wait3A_482 = arith.constant 0 : i32
    %dma_wait3A_483 = tpu.memref_slice %arg4[%add3A_451, %dma_wait3A_482] : memref<32768x1024xf32, #tpu.memory_space<hbm>> -> memref<32x1024xf32, #tpu.memory_space<hbm>>
    tpu.wait_dma2 semaphore(%arg12 : memref<!tpu.dma_semaphore, #tpu.memory_space<semaphore_mem>>) src(%arg6 : memref<32x1024xf32, #tpu.memory_space<vmem>>) dst(%dma_wait3A_483 : memref<32x1024xf32, #tpu.memory_space<hbm>>)
    %dma_start3A_484 = arith.constant 21 : i32
    %dma_start3A_485 = arith.constant 0 : i32
    %dma_start3A_486 = tpu.memref_slice %arg5[%dma_start3A_484, %dma_start3A_485] : memref<32x32xi32, #tpu.memory_space<vmem>> -> memref<1x32xi32, #tpu.memory_space<vmem>>
    %dma_start3A_487 = tpu.memref_squeeze %dma_start3A_486 : memref<1x32xi32, #tpu.memory_space<vmem>> -> memref<32xi32, #tpu.memory_space<vmem>>
    %dma_start3A_488 = arith.constant 0 : i32
    %dma_start3A_489 = arith.constant 0 : i32
    %dma_start3A_490 = tpu.memref_slice %arg3[%dma_start3A_488, %dma_start3A_489] : memref<8192x1024xf32, #tpu.memory_space<hbm>> -> memref<8192x1024xf32, #tpu.memory_space<hbm>>
    tpu.enqueue_indirect_dma source(%dma_start3A_490 : memref<8192x1024xf32, #tpu.memory_space<hbm>>) target(%arg6 : memref<32x1024xf32, #tpu.memory_space<vmem>>) offsets(%dma_start3A_487 : memref<32xi32, #tpu.memory_space<vmem>>) semaphore(%arg9 : memref<!tpu.dma_semaphore, #tpu.memory_space<semaphore_mem>>)
    %dma_wait3A_491 = arith.constant 20 : i32
    %dma_wait3A_492 = arith.constant 0 : i32
    %dma_wait3A_493 = tpu.memref_slice %arg5[%dma_wait3A_491, %dma_wait3A_492] : memref<32x32xi32, #tpu.memory_space<vmem>> -> memref<1x32xi32, #tpu.memory_space<vmem>>
    %dma_wait3A_494 = tpu.memref_squeeze %dma_wait3A_493 : memref<1x32xi32, #tpu.memory_space<vmem>> -> memref<32xi32, #tpu.memory_space<vmem>>
    %dma_wait3A_495 = arith.constant 0 : i32
    %dma_wait3A_496 = arith.constant 0 : i32
    %dma_wait3A_497 = tpu.memref_slice %arg3[%dma_wait3A_495, %dma_wait3A_496] : memref<8192x1024xf32, #tpu.memory_space<hbm>> -> memref<8192x1024xf32, #tpu.memory_space<hbm>>
    tpu.wait_indirect_dma semaphore(%arg11 : memref<!tpu.dma_semaphore, #tpu.memory_space<semaphore_mem>>) src(%dma_wait3A_497 : memref<8192x1024xf32, #tpu.memory_space<hbm>>) dst(%arg8 : memref<32x1024xf32, #tpu.memory_space<vmem>>)
    %add3A_498 = arith.constant 640 : i32
    %add3A_499 = arith.addi %mul3A_2, %add3A_498 : i32
    %dma_start3A_500 = arith.constant 0 : i32
    %dma_start3A_501 = tpu.memref_slice %arg4[%add3A_499, %dma_start3A_500] : memref<32768x1024xf32, #tpu.memory_space<hbm>> -> memref<32x1024xf32, #tpu.memory_space<hbm>>
    %dma_start3A_502 = arith.constant 0 : i32
    %dma_start3A_503 = tpu.memref_slice %arg4[%add3A_499, %dma_start3A_502] : memref<32768x1024xf32, #tpu.memory_space<hbm>> -> memref<32x1024xf32, #tpu.memory_space<hbm>>
    tpu.enqueue_dma source(%arg8 : memref<32x1024xf32, #tpu.memory_space<vmem>>) target(%dma_start3A_503 : memref<32x1024xf32, #tpu.memory_space<hbm>>) target_semaphore(%arg14 : memref<!tpu.dma_semaphore, #tpu.memory_space<semaphore_mem>>)
    %dma_wait3A_504 = arith.constant 0 : i32
    %dma_wait3A_505 = tpu.memref_slice %arg4[%add3A_475, %dma_wait3A_504] : memref<32768x1024xf32, #tpu.memory_space<hbm>> -> memref<32x1024xf32, #tpu.memory_space<hbm>>
    %dma_wait3A_506 = arith.constant 0 : i32
    %dma_wait3A_507 = tpu.memref_slice %arg4[%add3A_475, %dma_wait3A_506] : memref<32768x1024xf32, #tpu.memory_space<hbm>> -> memref<32x1024xf32, #tpu.memory_space<hbm>>
    tpu.wait_dma2 semaphore(%arg13 : memref<!tpu.dma_semaphore, #tpu.memory_space<semaphore_mem>>) src(%arg7 : memref<32x1024xf32, #tpu.memory_space<vmem>>) dst(%dma_wait3A_507 : memref<32x1024xf32, #tpu.memory_space<hbm>>)
    %dma_start3A_508 = arith.constant 22 : i32
    %dma_start3A_509 = arith.constant 0 : i32
    %dma_start3A_510 = tpu.memref_slice %arg5[%dma_start3A_508, %dma_start3A_509] : memref<32x32xi32, #tpu.memory_space<vmem>> -> memref<1x32xi32, #tpu.memory_space<vmem>>
    %dma_start3A_511 = tpu.memref_squeeze %dma_start3A_510 : memref<1x32xi32, #tpu.memory_space<vmem>> -> memref<32xi32, #tpu.memory_space<vmem>>
    %dma_start3A_512 = arith.constant 0 : i32
    %dma_start3A_513 = arith.constant 0 : i32
    %dma_start3A_514 = tpu.memref_slice %arg3[%dma_start3A_512, %dma_start3A_513] : memref<8192x1024xf32, #tpu.memory_space<hbm>> -> memref<8192x1024xf32, #tpu.memory_space<hbm>>
    tpu.enqueue_indirect_dma source(%dma_start3A_514 : memref<8192x1024xf32, #tpu.memory_space<hbm>>) target(%arg7 : memref<32x1024xf32, #tpu.memory_space<vmem>>) offsets(%dma_start3A_511 : memref<32xi32, #tpu.memory_space<vmem>>) semaphore(%arg10 : memref<!tpu.dma_semaphore, #tpu.memory_space<semaphore_mem>>)
    %dma_wait3A_515 = arith.constant 21 : i32
    %dma_wait3A_516 = arith.constant 0 : i32
    %dma_wait3A_517 = tpu.memref_slice %arg5[%dma_wait3A_515, %dma_wait3A_516] : memref<32x32xi32, #tpu.memory_space<vmem>> -> memref<1x32xi32, #tpu.memory_space<vmem>>
    %dma_wait3A_518 = tpu.memref_squeeze %dma_wait3A_517 : memref<1x32xi32, #tpu.memory_space<vmem>> -> memref<32xi32, #tpu.memory_space<vmem>>
    %dma_wait3A_519 = arith.constant 0 : i32
    %dma_wait3A_520 = arith.constant 0 : i32
    %dma_wait3A_521 = tpu.memref_slice %arg3[%dma_wait3A_519, %dma_wait3A_520] : memref<8192x1024xf32, #tpu.memory_space<hbm>> -> memref<8192x1024xf32, #tpu.memory_space<hbm>>
    tpu.wait_indirect_dma semaphore(%arg9 : memref<!tpu.dma_semaphore, #tpu.memory_space<semaphore_mem>>) src(%dma_wait3A_521 : memref<8192x1024xf32, #tpu.memory_space<hbm>>) dst(%arg6 : memref<32x1024xf32, #tpu.memory_space<vmem>>)
    %add3A_522 = arith.constant 672 : i32
    %add3A_523 = arith.addi %mul3A_2, %add3A_522 : i32
    %dma_start3A_524 = arith.constant 0 : i32
    %dma_start3A_525 = tpu.memref_slice %arg4[%add3A_523, %dma_start3A_524] : memref<32768x1024xf32, #tpu.memory_space<hbm>> -> memref<32x1024xf32, #tpu.memory_space<hbm>>
    %dma_start3A_526 = arith.constant 0 : i32
    %dma_start3A_527 = tpu.memref_slice %arg4[%add3A_523, %dma_start3A_526] : memref<32768x1024xf32, #tpu.memory_space<hbm>> -> memref<32x1024xf32, #tpu.memory_space<hbm>>
    tpu.enqueue_dma source(%arg6 : memref<32x1024xf32, #tpu.memory_space<vmem>>) target(%dma_start3A_527 : memref<32x1024xf32, #tpu.memory_space<hbm>>) target_semaphore(%arg12 : memref<!tpu.dma_semaphore, #tpu.memory_space<semaphore_mem>>)
    %dma_wait3A_528 = arith.constant 0 : i32
    %dma_wait3A_529 = tpu.memref_slice %arg4[%add3A_499, %dma_wait3A_528] : memref<32768x1024xf32, #tpu.memory_space<hbm>> -> memref<32x1024xf32, #tpu.memory_space<hbm>>
    %dma_wait3A_530 = arith.constant 0 : i32
    %dma_wait3A_531 = tpu.memref_slice %arg4[%add3A_499, %dma_wait3A_530] : memref<32768x1024xf32, #tpu.memory_space<hbm>> -> memref<32x1024xf32, #tpu.memory_space<hbm>>
    tpu.wait_dma2 semaphore(%arg14 : memref<!tpu.dma_semaphore, #tpu.memory_space<semaphore_mem>>) src(%arg8 : memref<32x1024xf32, #tpu.memory_space<vmem>>) dst(%dma_wait3A_531 : memref<32x1024xf32, #tpu.memory_space<hbm>>)
    %dma_start3A_532 = arith.constant 23 : i32
    %dma_start3A_533 = arith.constant 0 : i32
    %dma_start3A_534 = tpu.memref_slice %arg5[%dma_start3A_532, %dma_start3A_533] : memref<32x32xi32, #tpu.memory_space<vmem>> -> memref<1x32xi32, #tpu.memory_space<vmem>>
    %dma_start3A_535 = tpu.memref_squeeze %dma_start3A_534 : memref<1x32xi32, #tpu.memory_space<vmem>> -> memref<32xi32, #tpu.memory_space<vmem>>
    %dma_start3A_536 = arith.constant 0 : i32
    %dma_start3A_537 = arith.constant 0 : i32
    %dma_start3A_538 = tpu.memref_slice %arg3[%dma_start3A_536, %dma_start3A_537] : memref<8192x1024xf32, #tpu.memory_space<hbm>> -> memref<8192x1024xf32, #tpu.memory_space<hbm>>
    tpu.enqueue_indirect_dma source(%dma_start3A_538 : memref<8192x1024xf32, #tpu.memory_space<hbm>>) target(%arg8 : memref<32x1024xf32, #tpu.memory_space<vmem>>) offsets(%dma_start3A_535 : memref<32xi32, #tpu.memory_space<vmem>>) semaphore(%arg11 : memref<!tpu.dma_semaphore, #tpu.memory_space<semaphore_mem>>)
    %dma_wait3A_539 = arith.constant 22 : i32
    %dma_wait3A_540 = arith.constant 0 : i32
    %dma_wait3A_541 = tpu.memref_slice %arg5[%dma_wait3A_539, %dma_wait3A_540] : memref<32x32xi32, #tpu.memory_space<vmem>> -> memref<1x32xi32, #tpu.memory_space<vmem>>
    %dma_wait3A_542 = tpu.memref_squeeze %dma_wait3A_541 : memref<1x32xi32, #tpu.memory_space<vmem>> -> memref<32xi32, #tpu.memory_space<vmem>>
    %dma_wait3A_543 = arith.constant 0 : i32
    %dma_wait3A_544 = arith.constant 0 : i32
    %dma_wait3A_545 = tpu.memref_slice %arg3[%dma_wait3A_543, %dma_wait3A_544] : memref<8192x1024xf32, #tpu.memory_space<hbm>> -> memref<8192x1024xf32, #tpu.memory_space<hbm>>
    tpu.wait_indirect_dma semaphore(%arg10 : memref<!tpu.dma_semaphore, #tpu.memory_space<semaphore_mem>>) src(%dma_wait3A_545 : memref<8192x1024xf32, #tpu.memory_space<hbm>>) dst(%arg7 : memref<32x1024xf32, #tpu.memory_space<vmem>>)
    %add3A_546 = arith.constant 704 : i32
    %add3A_547 = arith.addi %mul3A_2, %add3A_546 : i32
    %dma_start3A_548 = arith.constant 0 : i32
    %dma_start3A_549 = tpu.memref_slice %arg4[%add3A_547, %dma_start3A_548] : memref<32768x1024xf32, #tpu.memory_space<hbm>> -> memref<32x1024xf32, #tpu.memory_space<hbm>>
    %dma_start3A_550 = arith.constant 0 : i32
    %dma_start3A_551 = tpu.memref_slice %arg4[%add3A_547, %dma_start3A_550] : memref<32768x1024xf32, #tpu.memory_space<hbm>> -> memref<32x1024xf32, #tpu.memory_space<hbm>>
    tpu.enqueue_dma source(%arg7 : memref<32x1024xf32, #tpu.memory_space<vmem>>) target(%dma_start3A_551 : memref<32x1024xf32, #tpu.memory_space<hbm>>) target_semaphore(%arg13 : memref<!tpu.dma_semaphore, #tpu.memory_space<semaphore_mem>>)
    %dma_wait3A_552 = arith.constant 0 : i32
    %dma_wait3A_553 = tpu.memref_slice %arg4[%add3A_523, %dma_wait3A_552] : memref<32768x1024xf32, #tpu.memory_space<hbm>> -> memref<32x1024xf32, #tpu.memory_space<hbm>>
    %dma_wait3A_554 = arith.constant 0 : i32
    %dma_wait3A_555 = tpu.memref_slice %arg4[%add3A_523, %dma_wait3A_554] : memref<32768x1024xf32, #tpu.memory_space<hbm>> -> memref<32x1024xf32, #tpu.memory_space<hbm>>
    tpu.wait_dma2 semaphore(%arg12 : memref<!tpu.dma_semaphore, #tpu.memory_space<semaphore_mem>>) src(%arg6 : memref<32x1024xf32, #tpu.memory_space<vmem>>) dst(%dma_wait3A_555 : memref<32x1024xf32, #tpu.memory_space<hbm>>)
    %dma_start3A_556 = arith.constant 24 : i32
    %dma_start3A_557 = arith.constant 0 : i32
    %dma_start3A_558 = tpu.memref_slice %arg5[%dma_start3A_556, %dma_start3A_557] : memref<32x32xi32, #tpu.memory_space<vmem>> -> memref<1x32xi32, #tpu.memory_space<vmem>>
    %dma_start3A_559 = tpu.memref_squeeze %dma_start3A_558 : memref<1x32xi32, #tpu.memory_space<vmem>> -> memref<32xi32, #tpu.memory_space<vmem>>
    %dma_start3A_560 = arith.constant 0 : i32
    %dma_start3A_561 = arith.constant 0 : i32
    %dma_start3A_562 = tpu.memref_slice %arg3[%dma_start3A_560, %dma_start3A_561] : memref<8192x1024xf32, #tpu.memory_space<hbm>> -> memref<8192x1024xf32, #tpu.memory_space<hbm>>
    tpu.enqueue_indirect_dma source(%dma_start3A_562 : memref<8192x1024xf32, #tpu.memory_space<hbm>>) target(%arg6 : memref<32x1024xf32, #tpu.memory_space<vmem>>) offsets(%dma_start3A_559 : memref<32xi32, #tpu.memory_space<vmem>>) semaphore(%arg9 : memref<!tpu.dma_semaphore, #tpu.memory_space<semaphore_mem>>)
    %dma_wait3A_563 = arith.constant 23 : i32
    %dma_wait3A_564 = arith.constant 0 : i32
    %dma_wait3A_565 = tpu.memref_slice %arg5[%dma_wait3A_563, %dma_wait3A_564] : memref<32x32xi32, #tpu.memory_space<vmem>> -> memref<1x32xi32, #tpu.memory_space<vmem>>
    %dma_wait3A_566 = tpu.memref_squeeze %dma_wait3A_565 : memref<1x32xi32, #tpu.memory_space<vmem>> -> memref<32xi32, #tpu.memory_space<vmem>>
    %dma_wait3A_567 = arith.constant 0 : i32
    %dma_wait3A_568 = arith.constant 0 : i32
    %dma_wait3A_569 = tpu.memref_slice %arg3[%dma_wait3A_567, %dma_wait3A_568] : memref<8192x1024xf32, #tpu.memory_space<hbm>> -> memref<8192x1024xf32, #tpu.memory_space<hbm>>
    tpu.wait_indirect_dma semaphore(%arg11 : memref<!tpu.dma_semaphore, #tpu.memory_space<semaphore_mem>>) src(%dma_wait3A_569 : memref<8192x1024xf32, #tpu.memory_space<hbm>>) dst(%arg8 : memref<32x1024xf32, #tpu.memory_space<vmem>>)
    %add3A_570 = arith.constant 736 : i32
    %add3A_571 = arith.addi %mul3A_2, %add3A_570 : i32
    %dma_start3A_572 = arith.constant 0 : i32
    %dma_start3A_573 = tpu.memref_slice %arg4[%add3A_571, %dma_start3A_572] : memref<32768x1024xf32, #tpu.memory_space<hbm>> -> memref<32x1024xf32, #tpu.memory_space<hbm>>
    %dma_start3A_574 = arith.constant 0 : i32
    %dma_start3A_575 = tpu.memref_slice %arg4[%add3A_571, %dma_start3A_574] : memref<32768x1024xf32, #tpu.memory_space<hbm>> -> memref<32x1024xf32, #tpu.memory_space<hbm>>
    tpu.enqueue_dma source(%arg8 : memref<32x1024xf32, #tpu.memory_space<vmem>>) target(%dma_start3A_575 : memref<32x1024xf32, #tpu.memory_space<hbm>>) target_semaphore(%arg14 : memref<!tpu.dma_semaphore, #tpu.memory_space<semaphore_mem>>)
    %dma_wait3A_576 = arith.constant 0 : i32
    %dma_wait3A_577 = tpu.memref_slice %arg4[%add3A_547, %dma_wait3A_576] : memref<32768x1024xf32, #tpu.memory_space<hbm>> -> memref<32x1024xf32, #tpu.memory_space<hbm>>
    %dma_wait3A_578 = arith.constant 0 : i32
    %dma_wait3A_579 = tpu.memref_slice %arg4[%add3A_547, %dma_wait3A_578] : memref<32768x1024xf32, #tpu.memory_space<hbm>> -> memref<32x1024xf32, #tpu.memory_space<hbm>>
    tpu.wait_dma2 semaphore(%arg13 : memref<!tpu.dma_semaphore, #tpu.memory_space<semaphore_mem>>) src(%arg7 : memref<32x1024xf32, #tpu.memory_space<vmem>>) dst(%dma_wait3A_579 : memref<32x1024xf32, #tpu.memory_space<hbm>>)
    %dma_start3A_580 = arith.constant 25 : i32
    %dma_start3A_581 = arith.constant 0 : i32
    %dma_start3A_582 = tpu.memref_slice %arg5[%dma_start3A_580, %dma_start3A_581] : memref<32x32xi32, #tpu.memory_space<vmem>> -> memref<1x32xi32, #tpu.memory_space<vmem>>
    %dma_start3A_583 = tpu.memref_squeeze %dma_start3A_582 : memref<1x32xi32, #tpu.memory_space<vmem>> -> memref<32xi32, #tpu.memory_space<vmem>>
    %dma_start3A_584 = arith.constant 0 : i32
    %dma_start3A_585 = arith.constant 0 : i32
    %dma_start3A_586 = tpu.memref_slice %arg3[%dma_start3A_584, %dma_start3A_585] : memref<8192x1024xf32, #tpu.memory_space<hbm>> -> memref<8192x1024xf32, #tpu.memory_space<hbm>>
    tpu.enqueue_indirect_dma source(%dma_start3A_586 : memref<8192x1024xf32, #tpu.memory_space<hbm>>) target(%arg7 : memref<32x1024xf32, #tpu.memory_space<vmem>>) offsets(%dma_start3A_583 : memref<32xi32, #tpu.memory_space<vmem>>) semaphore(%arg10 : memref<!tpu.dma_semaphore, #tpu.memory_space<semaphore_mem>>)
    %dma_wait3A_587 = arith.constant 24 : i32
    %dma_wait3A_588 = arith.constant 0 : i32
    %dma_wait3A_589 = tpu.memref_slice %arg5[%dma_wait3A_587, %dma_wait3A_588] : memref<32x32xi32, #tpu.memory_space<vmem>> -> memref<1x32xi32, #tpu.memory_space<vmem>>
    %dma_wait3A_590 = tpu.memref_squeeze %dma_wait3A_589 : memref<1x32xi32, #tpu.memory_space<vmem>> -> memref<32xi32, #tpu.memory_space<vmem>>
    %dma_wait3A_591 = arith.constant 0 : i32
    %dma_wait3A_592 = arith.constant 0 : i32
    %dma_wait3A_593 = tpu.memref_slice %arg3[%dma_wait3A_591, %dma_wait3A_592] : memref<8192x1024xf32, #tpu.memory_space<hbm>> -> memref<8192x1024xf32, #tpu.memory_space<hbm>>
    tpu.wait_indirect_dma semaphore(%arg9 : memref<!tpu.dma_semaphore, #tpu.memory_space<semaphore_mem>>) src(%dma_wait3A_593 : memref<8192x1024xf32, #tpu.memory_space<hbm>>) dst(%arg6 : memref<32x1024xf32, #tpu.memory_space<vmem>>)
    %add3A_594 = arith.constant 768 : i32
    %add3A_595 = arith.addi %mul3A_2, %add3A_594 : i32
    %dma_start3A_596 = arith.constant 0 : i32
    %dma_start3A_597 = tpu.memref_slice %arg4[%add3A_595, %dma_start3A_596] : memref<32768x1024xf32, #tpu.memory_space<hbm>> -> memref<32x1024xf32, #tpu.memory_space<hbm>>
    %dma_start3A_598 = arith.constant 0 : i32
    %dma_start3A_599 = tpu.memref_slice %arg4[%add3A_595, %dma_start3A_598] : memref<32768x1024xf32, #tpu.memory_space<hbm>> -> memref<32x1024xf32, #tpu.memory_space<hbm>>
    tpu.enqueue_dma source(%arg6 : memref<32x1024xf32, #tpu.memory_space<vmem>>) target(%dma_start3A_599 : memref<32x1024xf32, #tpu.memory_space<hbm>>) target_semaphore(%arg12 : memref<!tpu.dma_semaphore, #tpu.memory_space<semaphore_mem>>)
    %dma_wait3A_600 = arith.constant 0 : i32
    %dma_wait3A_601 = tpu.memref_slice %arg4[%add3A_571, %dma_wait3A_600] : memref<32768x1024xf32, #tpu.memory_space<hbm>> -> memref<32x1024xf32, #tpu.memory_space<hbm>>
    %dma_wait3A_602 = arith.constant 0 : i32
    %dma_wait3A_603 = tpu.memref_slice %arg4[%add3A_571, %dma_wait3A_602] : memref<32768x1024xf32, #tpu.memory_space<hbm>> -> memref<32x1024xf32, #tpu.memory_space<hbm>>
    tpu.wait_dma2 semaphore(%arg14 : memref<!tpu.dma_semaphore, #tpu.memory_space<semaphore_mem>>) src(%arg8 : memref<32x1024xf32, #tpu.memory_space<vmem>>) dst(%dma_wait3A_603 : memref<32x1024xf32, #tpu.memory_space<hbm>>)
    %dma_start3A_604 = arith.constant 26 : i32
    %dma_start3A_605 = arith.constant 0 : i32
    %dma_start3A_606 = tpu.memref_slice %arg5[%dma_start3A_604, %dma_start3A_605] : memref<32x32xi32, #tpu.memory_space<vmem>> -> memref<1x32xi32, #tpu.memory_space<vmem>>
    %dma_start3A_607 = tpu.memref_squeeze %dma_start3A_606 : memref<1x32xi32, #tpu.memory_space<vmem>> -> memref<32xi32, #tpu.memory_space<vmem>>
    %dma_start3A_608 = arith.constant 0 : i32
    %dma_start3A_609 = arith.constant 0 : i32
    %dma_start3A_610 = tpu.memref_slice %arg3[%dma_start3A_608, %dma_start3A_609] : memref<8192x1024xf32, #tpu.memory_space<hbm>> -> memref<8192x1024xf32, #tpu.memory_space<hbm>>
    tpu.enqueue_indirect_dma source(%dma_start3A_610 : memref<8192x1024xf32, #tpu.memory_space<hbm>>) target(%arg8 : memref<32x1024xf32, #tpu.memory_space<vmem>>) offsets(%dma_start3A_607 : memref<32xi32, #tpu.memory_space<vmem>>) semaphore(%arg11 : memref<!tpu.dma_semaphore, #tpu.memory_space<semaphore_mem>>)
    %dma_wait3A_611 = arith.constant 25 : i32
    %dma_wait3A_612 = arith.constant 0 : i32
    %dma_wait3A_613 = tpu.memref_slice %arg5[%dma_wait3A_611, %dma_wait3A_612] : memref<32x32xi32, #tpu.memory_space<vmem>> -> memref<1x32xi32, #tpu.memory_space<vmem>>
    %dma_wait3A_614 = tpu.memref_squeeze %dma_wait3A_613 : memref<1x32xi32, #tpu.memory_space<vmem>> -> memref<32xi32, #tpu.memory_space<vmem>>
    %dma_wait3A_615 = arith.constant 0 : i32
    %dma_wait3A_616 = arith.constant 0 : i32
    %dma_wait3A_617 = tpu.memref_slice %arg3[%dma_wait3A_615, %dma_wait3A_616] : memref<8192x1024xf32, #tpu.memory_space<hbm>> -> memref<8192x1024xf32, #tpu.memory_space<hbm>>
    tpu.wait_indirect_dma semaphore(%arg10 : memref<!tpu.dma_semaphore, #tpu.memory_space<semaphore_mem>>) src(%dma_wait3A_617 : memref<8192x1024xf32, #tpu.memory_space<hbm>>) dst(%arg7 : memref<32x1024xf32, #tpu.memory_space<vmem>>)
    %add3A_618 = arith.constant 800 : i32
    %add3A_619 = arith.addi %mul3A_2, %add3A_618 : i32
    %dma_start3A_620 = arith.constant 0 : i32
    %dma_start3A_621 = tpu.memref_slice %arg4[%add3A_619, %dma_start3A_620] : memref<32768x1024xf32, #tpu.memory_space<hbm>> -> memref<32x1024xf32, #tpu.memory_space<hbm>>
    %dma_start3A_622 = arith.constant 0 : i32
    %dma_start3A_623 = tpu.memref_slice %arg4[%add3A_619, %dma_start3A_622] : memref<32768x1024xf32, #tpu.memory_space<hbm>> -> memref<32x1024xf32, #tpu.memory_space<hbm>>
    tpu.enqueue_dma source(%arg7 : memref<32x1024xf32, #tpu.memory_space<vmem>>) target(%dma_start3A_623 : memref<32x1024xf32, #tpu.memory_space<hbm>>) target_semaphore(%arg13 : memref<!tpu.dma_semaphore, #tpu.memory_space<semaphore_mem>>)
    %dma_wait3A_624 = arith.constant 0 : i32
    %dma_wait3A_625 = tpu.memref_slice %arg4[%add3A_595, %dma_wait3A_624] : memref<32768x1024xf32, #tpu.memory_space<hbm>> -> memref<32x1024xf32, #tpu.memory_space<hbm>>
    %dma_wait3A_626 = arith.constant 0 : i32
    %dma_wait3A_627 = tpu.memref_slice %arg4[%add3A_595, %dma_wait3A_626] : memref<32768x1024xf32, #tpu.memory_space<hbm>> -> memref<32x1024xf32, #tpu.memory_space<hbm>>
    tpu.wait_dma2 semaphore(%arg12 : memref<!tpu.dma_semaphore, #tpu.memory_space<semaphore_mem>>) src(%arg6 : memref<32x1024xf32, #tpu.memory_space<vmem>>) dst(%dma_wait3A_627 : memref<32x1024xf32, #tpu.memory_space<hbm>>)
    %dma_start3A_628 = arith.constant 27 : i32
    %dma_start3A_629 = arith.constant 0 : i32
    %dma_start3A_630 = tpu.memref_slice %arg5[%dma_start3A_628, %dma_start3A_629] : memref<32x32xi32, #tpu.memory_space<vmem>> -> memref<1x32xi32, #tpu.memory_space<vmem>>
    %dma_start3A_631 = tpu.memref_squeeze %dma_start3A_630 : memref<1x32xi32, #tpu.memory_space<vmem>> -> memref<32xi32, #tpu.memory_space<vmem>>
    %dma_start3A_632 = arith.constant 0 : i32
    %dma_start3A_633 = arith.constant 0 : i32
    %dma_start3A_634 = tpu.memref_slice %arg3[%dma_start3A_632, %dma_start3A_633] : memref<8192x1024xf32, #tpu.memory_space<hbm>> -> memref<8192x1024xf32, #tpu.memory_space<hbm>>
    tpu.enqueue_indirect_dma source(%dma_start3A_634 : memref<8192x1024xf32, #tpu.memory_space<hbm>>) target(%arg6 : memref<32x1024xf32, #tpu.memory_space<vmem>>) offsets(%dma_start3A_631 : memref<32xi32, #tpu.memory_space<vmem>>) semaphore(%arg9 : memref<!tpu.dma_semaphore, #tpu.memory_space<semaphore_mem>>)
    %dma_wait3A_635 = arith.constant 26 : i32
    %dma_wait3A_636 = arith.constant 0 : i32
    %dma_wait3A_637 = tpu.memref_slice %arg5[%dma_wait3A_635, %dma_wait3A_636] : memref<32x32xi32, #tpu.memory_space<vmem>> -> memref<1x32xi32, #tpu.memory_space<vmem>>
    %dma_wait3A_638 = tpu.memref_squeeze %dma_wait3A_637 : memref<1x32xi32, #tpu.memory_space<vmem>> -> memref<32xi32, #tpu.memory_space<vmem>>
    %dma_wait3A_639 = arith.constant 0 : i32
    %dma_wait3A_640 = arith.constant 0 : i32
    %dma_wait3A_641 = tpu.memref_slice %arg3[%dma_wait3A_639, %dma_wait3A_640] : memref<8192x1024xf32, #tpu.memory_space<hbm>> -> memref<8192x1024xf32, #tpu.memory_space<hbm>>
    tpu.wait_indirect_dma semaphore(%arg11 : memref<!tpu.dma_semaphore, #tpu.memory_space<semaphore_mem>>) src(%dma_wait3A_641 : memref<8192x1024xf32, #tpu.memory_space<hbm>>) dst(%arg8 : memref<32x1024xf32, #tpu.memory_space<vmem>>)
    %add3A_642 = arith.constant 832 : i32
    %add3A_643 = arith.addi %mul3A_2, %add3A_642 : i32
    %dma_start3A_644 = arith.constant 0 : i32
    %dma_start3A_645 = tpu.memref_slice %arg4[%add3A_643, %dma_start3A_644] : memref<32768x1024xf32, #tpu.memory_space<hbm>> -> memref<32x1024xf32, #tpu.memory_space<hbm>>
    %dma_start3A_646 = arith.constant 0 : i32
    %dma_start3A_647 = tpu.memref_slice %arg4[%add3A_643, %dma_start3A_646] : memref<32768x1024xf32, #tpu.memory_space<hbm>> -> memref<32x1024xf32, #tpu.memory_space<hbm>>
    tpu.enqueue_dma source(%arg8 : memref<32x1024xf32, #tpu.memory_space<vmem>>) target(%dma_start3A_647 : memref<32x1024xf32, #tpu.memory_space<hbm>>) target_semaphore(%arg14 : memref<!tpu.dma_semaphore, #tpu.memory_space<semaphore_mem>>)
    %dma_wait3A_648 = arith.constant 0 : i32
    %dma_wait3A_649 = tpu.memref_slice %arg4[%add3A_619, %dma_wait3A_648] : memref<32768x1024xf32, #tpu.memory_space<hbm>> -> memref<32x1024xf32, #tpu.memory_space<hbm>>
    %dma_wait3A_650 = arith.constant 0 : i32
    %dma_wait3A_651 = tpu.memref_slice %arg4[%add3A_619, %dma_wait3A_650] : memref<32768x1024xf32, #tpu.memory_space<hbm>> -> memref<32x1024xf32, #tpu.memory_space<hbm>>
    tpu.wait_dma2 semaphore(%arg13 : memref<!tpu.dma_semaphore, #tpu.memory_space<semaphore_mem>>) src(%arg7 : memref<32x1024xf32, #tpu.memory_space<vmem>>) dst(%dma_wait3A_651 : memref<32x1024xf32, #tpu.memory_space<hbm>>)
    %dma_start3A_652 = arith.constant 28 : i32
    %dma_start3A_653 = arith.constant 0 : i32
    %dma_start3A_654 = tpu.memref_slice %arg5[%dma_start3A_652, %dma_start3A_653] : memref<32x32xi32, #tpu.memory_space<vmem>> -> memref<1x32xi32, #tpu.memory_space<vmem>>
    %dma_start3A_655 = tpu.memref_squeeze %dma_start3A_654 : memref<1x32xi32, #tpu.memory_space<vmem>> -> memref<32xi32, #tpu.memory_space<vmem>>
    %dma_start3A_656 = arith.constant 0 : i32
    %dma_start3A_657 = arith.constant 0 : i32
    %dma_start3A_658 = tpu.memref_slice %arg3[%dma_start3A_656, %dma_start3A_657] : memref<8192x1024xf32, #tpu.memory_space<hbm>> -> memref<8192x1024xf32, #tpu.memory_space<hbm>>
    tpu.enqueue_indirect_dma source(%dma_start3A_658 : memref<8192x1024xf32, #tpu.memory_space<hbm>>) target(%arg7 : memref<32x1024xf32, #tpu.memory_space<vmem>>) offsets(%dma_start3A_655 : memref<32xi32, #tpu.memory_space<vmem>>) semaphore(%arg10 : memref<!tpu.dma_semaphore, #tpu.memory_space<semaphore_mem>>)
    %dma_wait3A_659 = arith.constant 27 : i32
    %dma_wait3A_660 = arith.constant 0 : i32
    %dma_wait3A_661 = tpu.memref_slice %arg5[%dma_wait3A_659, %dma_wait3A_660] : memref<32x32xi32, #tpu.memory_space<vmem>> -> memref<1x32xi32, #tpu.memory_space<vmem>>
    %dma_wait3A_662 = tpu.memref_squeeze %dma_wait3A_661 : memref<1x32xi32, #tpu.memory_space<vmem>> -> memref<32xi32, #tpu.memory_space<vmem>>
    %dma_wait3A_663 = arith.constant 0 : i32
    %dma_wait3A_664 = arith.constant 0 : i32
    %dma_wait3A_665 = tpu.memref_slice %arg3[%dma_wait3A_663, %dma_wait3A_664] : memref<8192x1024xf32, #tpu.memory_space<hbm>> -> memref<8192x1024xf32, #tpu.memory_space<hbm>>
    tpu.wait_indirect_dma semaphore(%arg9 : memref<!tpu.dma_semaphore, #tpu.memory_space<semaphore_mem>>) src(%dma_wait3A_665 : memref<8192x1024xf32, #tpu.memory_space<hbm>>) dst(%arg6 : memref<32x1024xf32, #tpu.memory_space<vmem>>)
    %add3A_666 = arith.constant 864 : i32
    %add3A_667 = arith.addi %mul3A_2, %add3A_666 : i32
    %dma_start3A_668 = arith.constant 0 : i32
    %dma_start3A_669 = tpu.memref_slice %arg4[%add3A_667, %dma_start3A_668] : memref<32768x1024xf32, #tpu.memory_space<hbm>> -> memref<32x1024xf32, #tpu.memory_space<hbm>>
    %dma_start3A_670 = arith.constant 0 : i32
    %dma_start3A_671 = tpu.memref_slice %arg4[%add3A_667, %dma_start3A_670] : memref<32768x1024xf32, #tpu.memory_space<hbm>> -> memref<32x1024xf32, #tpu.memory_space<hbm>>
    tpu.enqueue_dma source(%arg6 : memref<32x1024xf32, #tpu.memory_space<vmem>>) target(%dma_start3A_671 : memref<32x1024xf32, #tpu.memory_space<hbm>>) target_semaphore(%arg12 : memref<!tpu.dma_semaphore, #tpu.memory_space<semaphore_mem>>)
    %dma_wait3A_672 = arith.constant 0 : i32
    %dma_wait3A_673 = tpu.memref_slice %arg4[%add3A_643, %dma_wait3A_672] : memref<32768x1024xf32, #tpu.memory_space<hbm>> -> memref<32x1024xf32, #tpu.memory_space<hbm>>
    %dma_wait3A_674 = arith.constant 0 : i32
    %dma_wait3A_675 = tpu.memref_slice %arg4[%add3A_643, %dma_wait3A_674] : memref<32768x1024xf32, #tpu.memory_space<hbm>> -> memref<32x1024xf32, #tpu.memory_space<hbm>>
    tpu.wait_dma2 semaphore(%arg14 : memref<!tpu.dma_semaphore, #tpu.memory_space<semaphore_mem>>) src(%arg8 : memref<32x1024xf32, #tpu.memory_space<vmem>>) dst(%dma_wait3A_675 : memref<32x1024xf32, #tpu.memory_space<hbm>>)
    %dma_start3A_676 = arith.constant 29 : i32
    %dma_start3A_677 = arith.constant 0 : i32
    %dma_start3A_678 = tpu.memref_slice %arg5[%dma_start3A_676, %dma_start3A_677] : memref<32x32xi32, #tpu.memory_space<vmem>> -> memref<1x32xi32, #tpu.memory_space<vmem>>
    %dma_start3A_679 = tpu.memref_squeeze %dma_start3A_678 : memref<1x32xi32, #tpu.memory_space<vmem>> -> memref<32xi32, #tpu.memory_space<vmem>>
    %dma_start3A_680 = arith.constant 0 : i32
    %dma_start3A_681 = arith.constant 0 : i32
    %dma_start3A_682 = tpu.memref_slice %arg3[%dma_start3A_680, %dma_start3A_681] : memref<8192x1024xf32, #tpu.memory_space<hbm>> -> memref<8192x1024xf32, #tpu.memory_space<hbm>>
    tpu.enqueue_indirect_dma source(%dma_start3A_682 : memref<8192x1024xf32, #tpu.memory_space<hbm>>) target(%arg8 : memref<32x1024xf32, #tpu.memory_space<vmem>>) offsets(%dma_start3A_679 : memref<32xi32, #tpu.memory_space<vmem>>) semaphore(%arg11 : memref<!tpu.dma_semaphore, #tpu.memory_space<semaphore_mem>>)
    %dma_wait3A_683 = arith.constant 28 : i32
    %dma_wait3A_684 = arith.constant 0 : i32
    %dma_wait3A_685 = tpu.memref_slice %arg5[%dma_wait3A_683, %dma_wait3A_684] : memref<32x32xi32, #tpu.memory_space<vmem>> -> memref<1x32xi32, #tpu.memory_space<vmem>>
    %dma_wait3A_686 = tpu.memref_squeeze %dma_wait3A_685 : memref<1x32xi32, #tpu.memory_space<vmem>> -> memref<32xi32, #tpu.memory_space<vmem>>
    %dma_wait3A_687 = arith.constant 0 : i32
    %dma_wait3A_688 = arith.constant 0 : i32
    %dma_wait3A_689 = tpu.memref_slice %arg3[%dma_wait3A_687, %dma_wait3A_688] : memref<8192x1024xf32, #tpu.memory_space<hbm>> -> memref<8192x1024xf32, #tpu.memory_space<hbm>>
    tpu.wait_indirect_dma semaphore(%arg10 : memref<!tpu.dma_semaphore, #tpu.memory_space<semaphore_mem>>) src(%dma_wait3A_689 : memref<8192x1024xf32, #tpu.memory_space<hbm>>) dst(%arg7 : memref<32x1024xf32, #tpu.memory_space<vmem>>)
    %add3A_690 = arith.constant 896 : i32
    %add3A_691 = arith.addi %mul3A_2, %add3A_690 : i32
    %dma_start3A_692 = arith.constant 0 : i32
    %dma_start3A_693 = tpu.memref_slice %arg4[%add3A_691, %dma_start3A_692] : memref<32768x1024xf32, #tpu.memory_space<hbm>> -> memref<32x1024xf32, #tpu.memory_space<hbm>>
    %dma_start3A_694 = arith.constant 0 : i32
    %dma_start3A_695 = tpu.memref_slice %arg4[%add3A_691, %dma_start3A_694] : memref<32768x1024xf32, #tpu.memory_space<hbm>> -> memref<32x1024xf32, #tpu.memory_space<hbm>>
    tpu.enqueue_dma source(%arg7 : memref<32x1024xf32, #tpu.memory_space<vmem>>) target(%dma_start3A_695 : memref<32x1024xf32, #tpu.memory_space<hbm>>) target_semaphore(%arg13 : memref<!tpu.dma_semaphore, #tpu.memory_space<semaphore_mem>>)
    %dma_wait3A_696 = arith.constant 0 : i32
    %dma_wait3A_697 = tpu.memref_slice %arg4[%add3A_667, %dma_wait3A_696] : memref<32768x1024xf32, #tpu.memory_space<hbm>> -> memref<32x1024xf32, #tpu.memory_space<hbm>>
    %dma_wait3A_698 = arith.constant 0 : i32
    %dma_wait3A_699 = tpu.memref_slice %arg4[%add3A_667, %dma_wait3A_698] : memref<32768x1024xf32, #tpu.memory_space<hbm>> -> memref<32x1024xf32, #tpu.memory_space<hbm>>
    tpu.wait_dma2 semaphore(%arg12 : memref<!tpu.dma_semaphore, #tpu.memory_space<semaphore_mem>>) src(%arg6 : memref<32x1024xf32, #tpu.memory_space<vmem>>) dst(%dma_wait3A_699 : memref<32x1024xf32, #tpu.memory_space<hbm>>)
    %dma_start3A_700 = arith.constant 30 : i32
    %dma_start3A_701 = arith.constant 0 : i32
    %dma_start3A_702 = tpu.memref_slice %arg5[%dma_start3A_700, %dma_start3A_701] : memref<32x32xi32, #tpu.memory_space<vmem>> -> memref<1x32xi32, #tpu.memory_space<vmem>>
    %dma_start3A_703 = tpu.memref_squeeze %dma_start3A_702 : memref<1x32xi32, #tpu.memory_space<vmem>> -> memref<32xi32, #tpu.memory_space<vmem>>
    %dma_start3A_704 = arith.constant 0 : i32
    %dma_start3A_705 = arith.constant 0 : i32
    %dma_start3A_706 = tpu.memref_slice %arg3[%dma_start3A_704, %dma_start3A_705] : memref<8192x1024xf32, #tpu.memory_space<hbm>> -> memref<8192x1024xf32, #tpu.memory_space<hbm>>
    tpu.enqueue_indirect_dma source(%dma_start3A_706 : memref<8192x1024xf32, #tpu.memory_space<hbm>>) target(%arg6 : memref<32x1024xf32, #tpu.memory_space<vmem>>) offsets(%dma_start3A_703 : memref<32xi32, #tpu.memory_space<vmem>>) semaphore(%arg9 : memref<!tpu.dma_semaphore, #tpu.memory_space<semaphore_mem>>)
    %dma_wait3A_707 = arith.constant 29 : i32
    %dma_wait3A_708 = arith.constant 0 : i32
    %dma_wait3A_709 = tpu.memref_slice %arg5[%dma_wait3A_707, %dma_wait3A_708] : memref<32x32xi32, #tpu.memory_space<vmem>> -> memref<1x32xi32, #tpu.memory_space<vmem>>
    %dma_wait3A_710 = tpu.memref_squeeze %dma_wait3A_709 : memref<1x32xi32, #tpu.memory_space<vmem>> -> memref<32xi32, #tpu.memory_space<vmem>>
    %dma_wait3A_711 = arith.constant 0 : i32
    %dma_wait3A_712 = arith.constant 0 : i32
    %dma_wait3A_713 = tpu.memref_slice %arg3[%dma_wait3A_711, %dma_wait3A_712] : memref<8192x1024xf32, #tpu.memory_space<hbm>> -> memref<8192x1024xf32, #tpu.memory_space<hbm>>
    tpu.wait_indirect_dma semaphore(%arg11 : memref<!tpu.dma_semaphore, #tpu.memory_space<semaphore_mem>>) src(%dma_wait3A_713 : memref<8192x1024xf32, #tpu.memory_space<hbm>>) dst(%arg8 : memref<32x1024xf32, #tpu.memory_space<vmem>>)
    %add3A_714 = arith.constant 928 : i32
    %add3A_715 = arith.addi %mul3A_2, %add3A_714 : i32
    %dma_start3A_716 = arith.constant 0 : i32
    %dma_start3A_717 = tpu.memref_slice %arg4[%add3A_715, %dma_start3A_716] : memref<32768x1024xf32, #tpu.memory_space<hbm>> -> memref<32x1024xf32, #tpu.memory_space<hbm>>
    %dma_start3A_718 = arith.constant 0 : i32
    %dma_start3A_719 = tpu.memref_slice %arg4[%add3A_715, %dma_start3A_718] : memref<32768x1024xf32, #tpu.memory_space<hbm>> -> memref<32x1024xf32, #tpu.memory_space<hbm>>
    tpu.enqueue_dma source(%arg8 : memref<32x1024xf32, #tpu.memory_space<vmem>>) target(%dma_start3A_719 : memref<32x1024xf32, #tpu.memory_space<hbm>>) target_semaphore(%arg14 : memref<!tpu.dma_semaphore, #tpu.memory_space<semaphore_mem>>)
    %dma_wait3A_720 = arith.constant 0 : i32
    %dma_wait3A_721 = tpu.memref_slice %arg4[%add3A_691, %dma_wait3A_720] : memref<32768x1024xf32, #tpu.memory_space<hbm>> -> memref<32x1024xf32, #tpu.memory_space<hbm>>
    %dma_wait3A_722 = arith.constant 0 : i32
    %dma_wait3A_723 = tpu.memref_slice %arg4[%add3A_691, %dma_wait3A_722] : memref<32768x1024xf32, #tpu.memory_space<hbm>> -> memref<32x1024xf32, #tpu.memory_space<hbm>>
    tpu.wait_dma2 semaphore(%arg13 : memref<!tpu.dma_semaphore, #tpu.memory_space<semaphore_mem>>) src(%arg7 : memref<32x1024xf32, #tpu.memory_space<vmem>>) dst(%dma_wait3A_723 : memref<32x1024xf32, #tpu.memory_space<hbm>>)
    %dma_start3A_724 = arith.constant 31 : i32
    %dma_start3A_725 = arith.constant 0 : i32
    %dma_start3A_726 = tpu.memref_slice %arg5[%dma_start3A_724, %dma_start3A_725] : memref<32x32xi32, #tpu.memory_space<vmem>> -> memref<1x32xi32, #tpu.memory_space<vmem>>
    %dma_start3A_727 = tpu.memref_squeeze %dma_start3A_726 : memref<1x32xi32, #tpu.memory_space<vmem>> -> memref<32xi32, #tpu.memory_space<vmem>>
    %dma_start3A_728 = arith.constant 0 : i32
    %dma_start3A_729 = arith.constant 0 : i32
    %dma_start3A_730 = tpu.memref_slice %arg3[%dma_start3A_728, %dma_start3A_729] : memref<8192x1024xf32, #tpu.memory_space<hbm>> -> memref<8192x1024xf32, #tpu.memory_space<hbm>>
    tpu.enqueue_indirect_dma source(%dma_start3A_730 : memref<8192x1024xf32, #tpu.memory_space<hbm>>) target(%arg7 : memref<32x1024xf32, #tpu.memory_space<vmem>>) offsets(%dma_start3A_727 : memref<32xi32, #tpu.memory_space<vmem>>) semaphore(%arg10 : memref<!tpu.dma_semaphore, #tpu.memory_space<semaphore_mem>>)
    %dma_wait3A_731 = arith.constant 30 : i32
    %dma_wait3A_732 = arith.constant 0 : i32
    %dma_wait3A_733 = tpu.memref_slice %arg5[%dma_wait3A_731, %dma_wait3A_732] : memref<32x32xi32, #tpu.memory_space<vmem>> -> memref<1x32xi32, #tpu.memory_space<vmem>>
    %dma_wait3A_734 = tpu.memref_squeeze %dma_wait3A_733 : memref<1x32xi32, #tpu.memory_space<vmem>> -> memref<32xi32, #tpu.memory_space<vmem>>
    %dma_wait3A_735 = arith.constant 0 : i32
    %dma_wait3A_736 = arith.constant 0 : i32
    %dma_wait3A_737 = tpu.memref_slice %arg3[%dma_wait3A_735, %dma_wait3A_736] : memref<8192x1024xf32, #tpu.memory_space<hbm>> -> memref<8192x1024xf32, #tpu.memory_space<hbm>>
    tpu.wait_indirect_dma semaphore(%arg9 : memref<!tpu.dma_semaphore, #tpu.memory_space<semaphore_mem>>) src(%dma_wait3A_737 : memref<8192x1024xf32, #tpu.memory_space<hbm>>) dst(%arg6 : memref<32x1024xf32, #tpu.memory_space<vmem>>)
    %add3A_738 = arith.constant 960 : i32
    %add3A_739 = arith.addi %mul3A_2, %add3A_738 : i32
    %dma_start3A_740 = arith.constant 0 : i32
    %dma_start3A_741 = tpu.memref_slice %arg4[%add3A_739, %dma_start3A_740] : memref<32768x1024xf32, #tpu.memory_space<hbm>> -> memref<32x1024xf32, #tpu.memory_space<hbm>>
    %dma_start3A_742 = arith.constant 0 : i32
    %dma_start3A_743 = tpu.memref_slice %arg4[%add3A_739, %dma_start3A_742] : memref<32768x1024xf32, #tpu.memory_space<hbm>> -> memref<32x1024xf32, #tpu.memory_space<hbm>>
    tpu.enqueue_dma source(%arg6 : memref<32x1024xf32, #tpu.memory_space<vmem>>) target(%dma_start3A_743 : memref<32x1024xf32, #tpu.memory_space<hbm>>) target_semaphore(%arg12 : memref<!tpu.dma_semaphore, #tpu.memory_space<semaphore_mem>>)
    %dma_wait3A_744 = arith.constant 31 : i32
    %dma_wait3A_745 = arith.constant 0 : i32
    %dma_wait3A_746 = tpu.memref_slice %arg5[%dma_wait3A_744, %dma_wait3A_745] : memref<32x32xi32, #tpu.memory_space<vmem>> -> memref<1x32xi32, #tpu.memory_space<vmem>>
    %dma_wait3A_747 = tpu.memref_squeeze %dma_wait3A_746 : memref<1x32xi32, #tpu.memory_space<vmem>> -> memref<32xi32, #tpu.memory_space<vmem>>
    %dma_wait3A_748 = arith.constant 0 : i32
    %dma_wait3A_749 = arith.constant 0 : i32
    %dma_wait3A_750 = tpu.memref_slice %arg3[%dma_wait3A_748, %dma_wait3A_749] : memref<8192x1024xf32, #tpu.memory_space<hbm>> -> memref<8192x1024xf32, #tpu.memory_space<hbm>>
    tpu.wait_indirect_dma semaphore(%arg10 : memref<!tpu.dma_semaphore, #tpu.memory_space<semaphore_mem>>) src(%dma_wait3A_750 : memref<8192x1024xf32, #tpu.memory_space<hbm>>) dst(%arg7 : memref<32x1024xf32, #tpu.memory_space<vmem>>)
    %add3A_751 = arith.constant 992 : i32
    %add3A_752 = arith.addi %mul3A_2, %add3A_751 : i32
    %dma_start3A_753 = arith.constant 0 : i32
    %dma_start3A_754 = tpu.memref_slice %arg4[%add3A_752, %dma_start3A_753] : memref<32768x1024xf32, #tpu.memory_space<hbm>> -> memref<32x1024xf32, #tpu.memory_space<hbm>>
    %dma_start3A_755 = arith.constant 0 : i32
    %dma_start3A_756 = tpu.memref_slice %arg4[%add3A_752, %dma_start3A_755] : memref<32768x1024xf32, #tpu.memory_space<hbm>> -> memref<32x1024xf32, #tpu.memory_space<hbm>>
    tpu.enqueue_dma source(%arg7 : memref<32x1024xf32, #tpu.memory_space<vmem>>) target(%dma_start3A_756 : memref<32x1024xf32, #tpu.memory_space<hbm>>) target_semaphore(%arg13 : memref<!tpu.dma_semaphore, #tpu.memory_space<semaphore_mem>>)
    %dma_wait3A_757 = arith.constant 0 : i32
    %dma_wait3A_758 = tpu.memref_slice %arg4[%add3A_715, %dma_wait3A_757] : memref<32768x1024xf32, #tpu.memory_space<hbm>> -> memref<32x1024xf32, #tpu.memory_space<hbm>>
    %dma_wait3A_759 = arith.constant 0 : i32
    %dma_wait3A_760 = tpu.memref_slice %arg4[%add3A_715, %dma_wait3A_759] : memref<32768x1024xf32, #tpu.memory_space<hbm>> -> memref<32x1024xf32, #tpu.memory_space<hbm>>
    tpu.wait_dma2 semaphore(%arg14 : memref<!tpu.dma_semaphore, #tpu.memory_space<semaphore_mem>>) src(%arg8 : memref<32x1024xf32, #tpu.memory_space<vmem>>) dst(%dma_wait3A_760 : memref<32x1024xf32, #tpu.memory_space<hbm>>)
    %dma_wait3A_761 = arith.constant 0 : i32
    %dma_wait3A_762 = tpu.memref_slice %arg4[%add3A_739, %dma_wait3A_761] : memref<32768x1024xf32, #tpu.memory_space<hbm>> -> memref<32x1024xf32, #tpu.memory_space<hbm>>
    %dma_wait3A_763 = arith.constant 0 : i32
    %dma_wait3A_764 = tpu.memref_slice %arg4[%add3A_739, %dma_wait3A_763] : memref<32768x1024xf32, #tpu.memory_space<hbm>> -> memref<32x1024xf32, #tpu.memory_space<hbm>>
    tpu.wait_dma2 semaphore(%arg12 : memref<!tpu.dma_semaphore, #tpu.memory_space<semaphore_mem>>) src(%arg6 : memref<32x1024xf32, #tpu.memory_space<vmem>>) dst(%dma_wait3A_764 : memref<32x1024xf32, #tpu.memory_space<hbm>>)
    %dma_wait3A_765 = arith.constant 0 : i32
    %dma_wait3A_766 = tpu.memref_slice %arg4[%add3A_752, %dma_wait3A_765] : memref<32768x1024xf32, #tpu.memory_space<hbm>> -> memref<32x1024xf32, #tpu.memory_space<hbm>>
    %dma_wait3A_767 = arith.constant 0 : i32
    %dma_wait3A_768 = tpu.memref_slice %arg4[%add3A_752, %dma_wait3A_767] : memref<32768x1024xf32, #tpu.memory_space<hbm>> -> memref<32x1024xf32, #tpu.memory_space<hbm>>
    tpu.wait_dma2 semaphore(%arg13 : memref<!tpu.dma_semaphore, #tpu.memory_space<semaphore_mem>>) src(%arg7 : memref<32x1024xf32, #tpu.memory_space<vmem>>) dst(%dma_wait3A_768 : memref<32x1024xf32, #tpu.memory_space<hbm>>)
    return
  }
}

</mosaic_0001>

<sc_bundles>
// kernel: kernel.3.cloned.1.call-start
scs
__scs_entry_jumppad:
0x0: {  	(pc) =	sbr.rel $0x88, $3  }
0x1: {  	(tag) =	ssettag $0x0;
	lr =	simm.s32 $0x1  }
0x2: {  	[smem:$0x3F9F] =	sst lr;
	_ =	strace $0xD0000000  }
0x3: {  	_ = 	snop  }
0x4: {  	_ = 	snop  }
0x5: {  	_ = 	snop  }
0x6: {  	_ = 	snop  }
0x7: {  	_ = 	snop  }
__scs_overlays_trampoline_lowered:
0x8: {  	[smem:$0x3FAE] =	sst s0  }
0x9: {  	[smem:$0x3FAF] =	sst s1  }
0xa: {  	[smem:$0x3FB0] =	sst s2  }
0xb: {  	[smem:$0x3FB1] =	sst s3  }
0xc: {  	[smem:$0x3FB2] =	sst s4  }
0xd: {  	[smem:$0x3FB3] =	sst s5  }
0xe: {  	[smem:$0x3FB4] =	sst s6  }
0xf: {  	[smem:$0x3FB5] =	sst s7  }
0x10: {  	[smem:$0x3FB6] =	sst s8  }
0x11: {  	[smem:$0x3FB7] =	sst s9;
	s0 =	simm.s32 @!p0 $0x0  }
0x12: {  	s1 =	sld [smem:$0x3F9D];
	s0 =	simm.s32 @p0 $0x1  }
0x13: {  	[smem:$0x3FB8] =	sst s0;
	s0 =	simm.s32 @!p1 $0x0  }
0x14: {  	s2 =	sld [smem:$0x3F9C];
	s0 =	simm.s32 @p1 $0x1  }
0x15: {  	[smem:$0x3FB9] =	sst s0;
	s0 =	simm.s32 @!p2 $0x0  }
0x16: {  	s3 =	sld [smem:$0x3FDB];
	s0 =	simm.s32 @p2 $0x1  }
0x17: {  	s4 =	simm.s32 $0x1BF5;
	[smem:$0x3FBB] =	sst s0  }
0x18: {  	s0 =	sld [smem:$0x3F9E];
	_ =	swait.ge [sflag:s4], $0x0  }
0x19: {  	s7 =	sld [smem:$0x3F9F]  }
0x1a: {  	s8 =	sadd.s32 $0xFFFFE003, lr  }
0x1b: {  	s9 =	sadd.s32 $0xFFFFFEF7, lr;
	s5 =	simm.s32 $0xFFFFFFFF;
	p2 =	slt.u32 s8, $0xFFFFF086  }
0x1c: {  	p1 =	slt.u32 s9, $0xF7A;
	s5 =	simm.s32 @!p2 $0x0  }
0x1d: {  	s5 =	simm.s32 @p1 $0x1;
	p0 =	seq.s32 s7, s2  }
0x1e: {  	s7 =	smul.u32 @!p0 $0xF7A, s2;
	p2 =	seq.s32 @!p0 s5, $0x0  }
0x1f: {  	s9 =	smul.u32 $0xF7A, s1;
	s8 =	simm.s32 @!p0 $0x1BF5;
	p2 =	por !p2, p0  }
0x20: {  	[sflag:s8] =	ssyncset.s32 @!p0 $0xFFFFF086;
	s6 =	sadd.s32 @!p0 s3, s7;
	s7 =	simm.s32 @!p0 $0x108  }
0x21: {  	s3 =	sadd.s32 s3, s9;
	s6 =	sadd.s32 @!p0 $0x88, s6;
	s7 =	simm.s32 @p2 $0x1082  }
0x22: {  	[simem:s7], [sflag:s8] =	dma.local @!p0 [hbm:s6], $0xF7A  }
0x23: {  	s9 =	sor.u32 $0xD0000000, s2;
	s6 =	simm.s32 $0x108;
	_ =	swait.ge @!p0 [sflag:s8], $0x0  }
0x24: {  	s3 =	sadd.s32 $0x88, s3;
	s6 =	simm.s32 @!p1 $0x1082;
	[sflag:s4] =	ssyncset.s32 $0xFFFFF086  }
0x25: {  	[simem:s6], [sflag:s4] =	dma.local [hbm:s3], $0xF7A  }
0x26: {  	[smem:$0x3F9F] =	sst s1;
	(tag) =	ssettag s2;
	_ =	strace s9  }
0x27: {  	s1 =	sld [smem:$0x3FAF]  }
0x28: {  	s2 =	sld [smem:$0x3FB0]  }
0x29: {  	s4 =	sld [smem:$0x3FB2]  }
0x2a: {  	p0 =	seq.s32 s5, $0x0;
	s5 =	sld [smem:$0x3FB3]  }
0x2b: {  	s6 =	sld [smem:$0x3FB4]  }
0x2c: {  	s7 =	sld [smem:$0x3FB5]  }
0x2d: {  	s3 =	simm.s32 $0x108;
	s8 =	sld [smem:$0x3FB6]  }
0x2e: {  	s3 =	simm.s32 @!p0 $0x1082;
	s9 =	sld [smem:$0x3FB7]  }
0x2f: {  	lr =	sadd.s32 s0, s3;
	s0 =	sld [smem:$0x3FAE]  }
0x30: {  	s3 =	sld [smem:$0x3FB1]  }
0x31: {  	[smem:$0x3FBA] =	sst s10  }
0x32: {  	s10 =	sld [smem:$0x3FB8];
	_ =	sdelay $0x3  }
0x33: {  	p0 =	seq.s32 s10, $0x1;
	s10 =	sld [smem:$0x3FBA];
	_ =	sdelay $0x3  }
0x34: {  	[smem:$0x3FBA] =	sst s10  }
0x35: {  	s10 =	sld [smem:$0x3FB9];
	_ =	sdelay $0x3  }
0x36: {  	p1 =	seq.s32 s10, $0x1;
	s10 =	sld [smem:$0x3FBA];
	_ =	sdelay $0x3  }
0x37: {  	[smem:$0x3FBA] =	sst s10  }
0x38: {  	s10 =	sld [smem:$0x3FBB]  }
0x39: {  	_ = 	snop;
	(pc) =	sbr.ind lr, $3  }
0x3a: {  	_ = 	snop  }
0x3b: {  	_ = 	snop  }
0x3c: {  	p2 =	seq.s32 s10, $0x1;
	s10 =	sld [smem:$0x3FBA]  }
0x3d: {  	_ =	shalt  }
0x3e: {  	_ =	shalt  }
0x3f: {  	_ =	shalt  }
0x40: {  	_ =	shalt  }
0x41: {  	_ =	shalt  }
0x42: {  	_ =	shalt  }
0x43: {  	_ =	shalt  }
0x44: {  	_ =	shalt  }
0x45: {  	_ =	shalt  }
0x46: {  	_ =	shalt  }
0x47: {  	_ =	shalt  }
0x48: {  	_ =	shalt  }
0x49: {  	_ =	shalt  }
0x4a: {  	_ =	shalt  }
0x4b: {  	_ =	shalt  }
0x4c: {  	_ =	shalt  }
0x4d: {  	_ =	shalt  }
0x4e: {  	_ =	shalt  }
0x4f: {  	_ =	shalt  }
0x50: {  	_ =	shalt  }
0x51: {  	_ =	shalt  }
0x52: {  	_ =	shalt  }
0x53: {  	_ =	shalt  }
0x54: {  	_ =	shalt  }
0x55: {  	_ =	shalt  }
0x56: {  	_ =	shalt  }
0x57: {  	_ =	shalt  }
0x58: {  	_ =	shalt  }
0x59: {  	_ =	shalt  }
0x5a: {  	_ =	shalt  }
0x5b: {  	_ =	shalt  }
0x5c: {  	_ =	shalt  }
0x5d: {  	_ =	shalt  }
0x5e: {  	_ =	shalt  }
0x5f: {  	_ =	shalt  }
0x60: {  	_ =	shalt  }
0x61: {  	_ =	shalt  }
0x62: {  	_ =	shalt  }
0x63: {  	_ =	shalt  }
0x64: {  	_ =	shalt  }
0x65: {  	_ =	shalt  }
0x66: {  	_ =	shalt  }
0x67: {  	_ =	shalt  }
0x68: {  	_ =	shalt  }
0x69: {  	_ =	shalt  }
0x6a: {  	_ =	shalt  }
0x6b: {  	_ =	shalt  }
0x6c: {  	_ =	shalt  }
0x6d: {  	_ =	shalt  }
0x6e: {  	_ =	shalt  }
0x6f: {  	_ =	shalt  }
0x70: {  	_ =	shalt  }
0x71: {  	_ =	shalt  }
0x72: {  	_ =	shalt  }
0x73: {  	_ =	shalt  }
0x74: {  	_ =	shalt  }
0x75: {  	_ =	shalt  }
0x76: {  	_ =	shalt  }
0x77: {  	_ =	shalt  }
0x78: {  	_ =	shalt  }
0x79: {  	_ =	shalt  }
0x7a: {  	_ =	shalt  }
0x7b: {  	_ =	shalt  }
0x7c: {  	_ =	shalt  }
0x7d: {  	_ =	shalt  }
0x7e: {  	_ =	shalt  }
0x7f: {  	_ =	shalt  }
0x80: {  	_ =	shalt  }
0x81: {  	_ =	shalt  }
0x82: {  	_ =	shalt  }
0x83: {  	_ =	shalt  }
0x84: {  	_ =	shalt  }
0x85: {  	_ =	shalt  }
0x86: {  	_ =	shalt  }
0x87: {  	_ =	shalt  }
.Lfunc_end0:
.L_simem_size_0:
called_computation_lowered:
.L_overlay_start_0:
0x88: {  	s2 =	sld [smem:$0x3FD9]  }
0x89: {  	s3 =	sld [smem:$0x3FFE];
	_ =	sdelay $0x1  }
0x8a: {  	s1 =	srdreg.scid  }
0x8b: {  	s0 =	sand.u32 $0x1, s1  }
0x8c: {  	s17 =	sshll.u32 s0, $0xA;
	s2 =	sadd.s32 s3, s2  }
0x8d: {  	s2 =	sadd.s32 s2, s17  }
0x8e: {  	[smem:$0x3FC6] =	sst s2  }
0x8f: {  	_ = 	snop  }
0x90: {  	s2 =	sld [smem:$0x3FC8]  }
0x91: {  	s18 =	sld [smem:$0x3FD0];
	(tm) =	ssettm $0x1  }
0x92: {  	s4 =	sld [smem:$0x3FFB];
	_ =	sdelay $0x3  }
0x93: {  	_ =	strace s4  }
0x94: {  	s4 =	sld [smem:$0x3FFC];
	_ =	sdelay $0x3  }
0x95: {  	_ =	strace s4  }
0x96: {  	s4 =	sld [smem:$0x3FFD];
	_ =	sdelay $0x3  }
0x97: {  	_ =	strace s4  }
0x98: {  	_ =	strace $0x8FFFFFFF  }
0x99: {  	s19 =	sld [smem:$0x3FDB];
	_ =	sdelay $0x1  }
0x9a: {  	s5 =	simm.s32 $_scs_section_size  }
0x9b: {  	s6 =	simm.s32 $_size__tile_overlayer_lowered;
	s7 =	simm.s32 $_tile_overlayer_lowered  }
0x9c: {  	s22 =	simm.s32 $0x1BFF;
	s21 =	sshll.u32 s7, $0x1;
	s4 =	sadd.s32 s5, s19  }
0x9d: {  	s8 =	simm.s32 $0x0;
	s20 =	sshll.u32 s6, $0x1;
	s6 =	sadd.s32 s21, s4  }
0x9e: {  	[timem:s8], [sflag:s22] =	dma.local [hbm:s6], s20  }
0x9f: {  	_ =	swait.ge [sflag:s22], s20  }
0xa0: {  	s5 =	ssub.s32 $0x0, s20;
	[sflag:s22] =	ssyncset.done $0x0  }
0xa1: {  	[sflag:s22] =	ssyncadd.s32 s5;
	_ =	sdelay $0x1  }
0xa2: {  	s23 =	simm.s32 $0x1B8B  }
0xa3: {  	_ =	swait.ge [sflag:s23], $0x1  }
0xa4: {  	[sflag:s23] =	ssyncset.done $0x0  }
0xa5: {  	s25 =	simm.s32 $0x1B8E;
	s24 =	sld [smem:$0x3FFE];
	[sflag:s23] =	ssyncadd.s32 $0xFFFFFFFF  }
0xa6: {  	s26 =	simm.s32 $execute0_lowered;
	[smem:$0x3FD2] =	sst s25  }
0xa7: {  	s6 =	sshll.u32 s26, $0x1;
	_ =	strace $0x80000046;
	[dreg:$0x1] =	wrdreg $0xFFFFFFFF  }
0xa8: {  	s28 =	simm.s32 $_size_execute0_lowered;
	s4 =	sadd.s32 s4, s6;
	[dreg:$0x0] =	wrdreg $0x0  }
0xa9: {  	s6 =	sshll.u32 s28, $0x1;
	[dreg:$0x2] =	wrdreg s4  }
0xaa: {  	[dreg:$0x3] =	wrdreg s6  }
0xab: {  	[dreg:$0x4] =	wrdreg $0xC0  }
0xac: {  	_ =	task [dreg:s8], $0x5FFFF  }
0xad: {  	[dreg:$0x1] =	wrdreg $0xFFFFFFFF  }
0xae: {  	[dreg:$0x0] =	wrdreg $0x60  }
0xaf: {  	[dreg:$0x2] =	wrdreg s24  }
0xb0: {  	[dreg:$0x3] =	wrdreg s2  }
0xb1: {  	[dreg:$0x4] =	wrdreg s18  }
0xb2: {  	[dreg:$0x5] =	wrdreg $0x9  }
0xb3: {  	_ =	task.clear_ibuf [dreg:s8], $0x6FFFF;
	_ =	strace $0x90000046  }
0xb4: {  	s29 =	simm.s32 $0x9;
	_ =	strace $0x80000048  }
0xb5: {  	_ =	swait.ge [sflag:s29], $0x1  }
0xb6: {  	[sflag:s29] =	ssyncadd.s32 $0xFFFFFFFF  }
0xb7: {  	_ =	strace $0x90000048  }
0xb8: {  	_ =	sfence  }
0xb9: {  	s30 =	sld [smem:$0x0];
	_ =	sdelay $0x2  }
0xba: {  	s31 =	sshll.u32 s1, $0xD;
	s1 =	sshrl.u32 s1, $0x2  }
0xbb: {  	s3 =	sand.u32 $0x4000, s31;
	s1 =	sadd.s32 s1, s30  }
0xbc: {  	s0 =	sor.u32 s3, s0;
	s1 =	sshll.u32 s1, $0x11  }
0xbd: {  	s0 =	sor.u32 s1, s0  }
0xbe: {  	s0 =	sadd.s32 $0x8F2B, s0  }
0xbf: {  	[sflag:s0] =	ssyncadd.remote.s32 $0x1  }
0xc0: {  	_ =	sfence.sel $0xFFFF  }
0xc1: {  	[dreg:$0x0] =	wrdreg $0xFFFFFFFF;
	(pc) =	sbr.abs _section_cstart, $3  }
0xc2: {  	[dreg:$0x1] =	wrdreg $0xFFFFFFFF  }
0xc3: {  	_ =	task.clear_ibuf [dreg:s8], $0x2FFFF;
	_ =	strace $0x9FFFFFFF  }
0xc4: {  	(tm) =	ssettm $0x7FFFFFFF  }
0xc5: {  	_ =	shalt  }
tec
execute0_lowered:
.L_overlay_start_1:
0x0: {  	(tag) =	ssettag $0x1  }
0x1: {  	s1 =	rddreg [dreg:$0x0]  }
0x2: {  	s0 =	srdreg.scid;
	s3 =	stileid.u32  }
0x3: {  	s2 =	rddreg [dreg:$0x1];
	s0 =	sand.u32 $0x1, s0;
	s3 =	sshll.u32 s3, $0x1  }
0x4: {  	s4 =	rddreg [dreg:$0x2];
	s5 =	sor.u32 s0, s3  }
0x5: {  	s3 =	simm.s32 $0x0;
	s6 =	sshll.u32 s5, $0x9;
	s5 =	sshll.u32 s5, $0x11  }
0x6: {  	[smem:$0x7FF] =	sst s3;
	s1 =	sadd.s32 s6, s1;
	s8 =	sadd.s32 s4, s5  }
0x7: {  	_ =	strace $0x80000047;
	s1 =	sadd.s32 $0x400, s1;
	[smem:$0x7FC] =	sst s8  }
0x8: {  	s25 =	sadd.s32 $0x1000, s8;
	[dreg:$0x4] =	wrdreg s1  }
0x9: {  	s26 =	sadd.s32 $0x2000, s8;
	[dreg:$0x5] =	wrdreg s25  }
0xa: {  	s28 =	sadd.s32 $0x3000, s8;
	[dreg:$0x6] =	wrdreg s26  }
0xb: {  	s29 =	sadd.s32 $0x4000, s8;
	[dreg:$0x7] =	wrdreg s28  }
0xc: {  	s30 =	sadd.s32 $0x5000, s8;
	[dreg:$0x8] =	wrdreg s29  }
0xd: {  	s31 =	sadd.s32 $0x6000, s8;
	[dreg:$0x9] =	wrdreg s30  }
0xe: {  	s4 =	sadd.s32 $0x7000, s8;
	[dreg:$0xa] =	wrdreg s31  }
0xf: {  	s5 =	sadd.s32 $0x8000, s8;
	[dreg:$0xb] =	wrdreg s4  }
0x10: {  	s6 =	sadd.s32 $0x9000, s8;
	[dreg:$0xc] =	wrdreg s5  }
0x11: {  	s7 =	sadd.s32 $0xA000, s8;
	[dreg:$0xd] =	wrdreg s6  }
0x12: {  	s9 =	sadd.s32 $0xB000, s8;
	[dreg:$0xe] =	wrdreg s7  }
0x13: {  	s10 =	sadd.s32 $0xC000, s8;
	[dreg:$0xf] =	wrdreg s9  }
0x14: {  	s11 =	sadd.s32 $0xD000, s8;
	[dreg:$0x10] =	wrdreg s10  }
0x15: {  	s12 =	sadd.s32 $0xE000, s8;
	[dreg:$0x11] =	wrdreg s11  }
0x16: {  	s13 =	sadd.s32 $0xF000, s8;
	[dreg:$0x12] =	wrdreg s12  }
0x17: {  	s14 =	sadd.s32 $0x10000, s8;
	[dreg:$0x13] =	wrdreg s13  }
0x18: {  	s15 =	sadd.s32 $0x11000, s8;
	[dreg:$0x14] =	wrdreg s14  }
0x19: {  	s16 =	sadd.s32 $0x12000, s8;
	[dreg:$0x15] =	wrdreg s15  }
0x1a: {  	s17 =	sadd.s32 $0x13000, s8;
	[dreg:$0x16] =	wrdreg s16  }
0x1b: {  	s18 =	sadd.s32 $0x14000, s8;
	[dreg:$0x17] =	wrdreg s17  }
0x1c: {  	s19 =	sadd.s32 $0x15000, s8;
	[dreg:$0x18] =	wrdreg s18  }
0x1d: {  	s20 =	sadd.s32 $0x16000, s8;
	[dreg:$0x19] =	wrdreg s19  }
0x1e: {  	s21 =	sadd.s32 $0x17000, s8;
	[dreg:$0x1a] =	wrdreg s20  }
0x1f: {  	s22 =	sadd.s32 $0x18000, s8;
	[dreg:$0x1b] =	wrdreg s21  }
0x20: {  	s23 =	sadd.s32 $0x19000, s8;
	[dreg:$0x1c] =	wrdreg s22  }
0x21: {  	s0 =	ssub.s32 $0x2, s0;
	s24 =	sadd.s32 $0x1A000, s8;
	[dreg:$0x1d] =	wrdreg s23  }
0x22: {  	s25 =	sshrl.u32 s0, $0x1;
	[dreg:$0x1e] =	wrdreg s24  }
0x23: {  	s26 =	sadd.s32 $0x1B000, s8;
	s28 =	sadd.s32 $0x1C000, s8;
	s5 =	sadd.s32 $0x100, s2  }
0x24: {  	s29 =	sadd.s32 $0x1D000, s8;
	s6 =	sadd.s32 $0x200, s2;
	s30 =	sadd.s32 $0x1E000, s8  }
0x25: {  	s7 =	sadd.s32 $0x300, s2;
	s31 =	sadd.s32 $0x1F000, s8;
	[dreg:$0x1f] =	wrdreg s26  }
0x26: {  	s18 =	simm.s32 $0x1;
	s20 =	simm.s32 $0x2;
	[smem:$0x7F9] =	sst s28  }
0x27: {  	v2 =	vlaneseq.u32;
	s21 =	simm.s32 $0x4;
	s22 =	simm.s32 $0x3;
	[smem:$0x7FA] =	sst s29  }
0x28: {  	vm0 =	vmmov $0xffff;
	v1 =	vshrl.u32 v2, $0x3;
	s23 =	simm.s32 $0x5;
	s0 =	ssub.s32 s0, s25;
	[smem:$0x7FB] =	sst s30  }
0x29: {  	v0 =	vand.u32 $0x7, v2;
	v2 =	vor.u32 $0x8, v2;
	v1 =	vmul.u32 $0x8, v1;
	s24 =	simm.s32 $0x6;
	[smem:$0x7FD] =	sst s31;
	s0 =	smax.u32 s0, $0x1  }
.LBB2_1:
0x2a: {  	[smem:$0x7F8] =	sst s0  }
0x2b: {  	s25 =	rddreg [dreg:$0x4];
	s4 =	simm.s32 $0x7  }
0x2c: {  	[tilespmem:s3], [sflag:$0x7] =	stream.linear.gather [hbm4b:s25+s3], $0x1000, $0x38;
	[tilespmem:$0x19000] =	vst v63  }
0x2d: {  	_ =	swait.ge [sflag:s4], $0x1000  }
0x2e: {  	[sflag:s4] =	ssyncset.done $0x0  }
0x2f: {  	[sflag:s4] =	ssyncadd.s32 $0xFFFFF000  }
0x30: {  	v3 =	vld [tilespmem:$0x0];
	_ =	sdelay $0x4  }
0x31: {  	v4 =	vshll.u32 v3, $0x3  }
0x32: {  	v3 =	vand.u32 $0x7, v3;
	v4 =	vand.u32 $0xFFFFFFC0, v4  }
0x33: {  	v3 =	vor.u32 v3, v4  }
0x34: {  	v4 =	vperm.xlane v3, v0;
	_ =	sdelay $0x1  }
0x35: {  	v4 =	vadd.s32 v1, v4;
	_ =	sdelay $0x3  }
0x36: {  	s8 =	simm.s32 $0x1000  }
0x37: {  	[tilespmem:s8], [sflag:$0x1] =	stream.indirect_vreg.gather [hbm4b:s2+s3], $0x80, v4, vm0, $0xb8;
	[tilespmem:$0x19000] =	vst v63  }
0x38: {  	s9 =	simm.s32 $0x1800;
	v3 =	vperm.xlane v3, v2  }
0x39: {  	[tilespmem:s9], [sflag:$0x1] =	stream.indirect_vreg.gather [hbm4b:s5+s3], $0x80, v4, vm0, $0xb8;
	[tilespmem:$0x19000] =	vst v63  }
0x3a: {  	s11 =	simm.s32 $0x2000;
	v3 =	vadd.s32 v1, v3  }
0x3b: {  	[tilespmem:s11], [sflag:$0x1] =	stream.indirect_vreg.gather [hbm4b:s6+s3], $0x80, v4, vm0, $0xb8;
	[tilespmem:$0x19000] =	vst v63  }
0x3c: {  	s12 =	simm.s32 $0x2800  }
0x3d: {  	[tilespmem:s12], [sflag:$0x1] =	stream.indirect_vreg.gather [hbm4b:s7+s3], $0x80, v4, vm0, $0xb8;
	[tilespmem:$0x19000] =	vst v63  }
0x3e: {  	s13 =	simm.s32 $0x3000  }
0x3f: {  	[tilespmem:s13], [sflag:$0x1] =	stream.indirect_vreg.gather [hbm4b:s2+s3], $0x80, v3, vm0, $0xb8;
	[tilespmem:$0x19000] =	vst v63  }
0x40: {  	s14 =	simm.s32 $0x3800  }
0x41: {  	[tilespmem:s14], [sflag:$0x1] =	stream.indirect_vreg.gather [hbm4b:s5+s3], $0x80, v3, vm0, $0xb8;
	[tilespmem:$0x19000] =	vst v63  }
0x42: {  	s15 =	simm.s32 $0x4000  }
0x43: {  	[tilespmem:s15], [sflag:$0x1] =	stream.indirect_vreg.gather [hbm4b:s6+s3], $0x80, v3, vm0, $0xb8;
	[tilespmem:$0x19000] =	vst v63  }
0x44: {  	s16 =	simm.s32 $0x4800  }
0x45: {  	[tilespmem:s16], [sflag:$0x1] =	stream.indirect_vreg.gather [hbm4b:s7+s3], $0x80, v3, vm0, $0xb8;
	[tilespmem:$0x19000] =	vst v63  }
0x46: {  	v3 =	vld [tilespmem:$0x10];
	_ =	sdelay $0x4  }
0x47: {  	v57 =	vshll.u32 v3, $0x3  }
0x48: {  	v3 =	vand.u32 $0x7, v3;
	v4 =	vand.u32 $0xFFFFFFC0, v57  }
0x49: {  	v3 =	vor.u32 v3, v4  }
0x4a: {  	v4 =	vperm.xlane v3, v0;
	_ =	sdelay $0x1  }
0x4b: {  	v4 =	vadd.s32 v1, v4;
	_ =	sdelay $0x3  }
0x4c: {  	s17 =	simm.s32 $0x5000  }
0x4d: {  	[tilespmem:s17], [sflag:$0x1] =	stream.indirect_vreg.gather [hbm4b:s2+s3], $0x80, v4, vm0, $0xb8;
	[tilespmem:$0x19000] =	vst v63  }
0x4e: {  	s19 =	simm.s32 $0x5800;
	v3 =	vperm.xlane v3, v2  }
0x4f: {  	[tilespmem:s19], [sflag:$0x1] =	stream.indirect_vreg.gather [hbm4b:s5+s3], $0x80, v4, vm0, $0xb8;
	[tilespmem:$0x19000] =	vst v63  }
0x50: {  	s25 =	simm.s32 $0x6000;
	v3 =	vadd.s32 v1, v3  }
0x51: {  	[tilespmem:s25], [sflag:$0x1] =	stream.indirect_vreg.gather [hbm4b:s6+s3], $0x80, v4, vm0, $0xb8;
	[tilespmem:$0x19000] =	vst v63  }
0x52: {  	s26 =	simm.s32 $0x6800  }
0x53: {  	[tilespmem:s26], [sflag:$0x1] =	stream.indirect_vreg.gather [hbm4b:s7+s3], $0x80, v4, vm0, $0xb8;
	[tilespmem:$0x19000] =	vst v63  }
0x54: {  	s28 =	simm.s32 $0x7000  }
0x55: {  	[tilespmem:s28], [sflag:$0x1] =	stream.indirect_vreg.gather [hbm4b:s2+s3], $0x80, v3, vm0, $0xb8;
	[tilespmem:$0x19000] =	vst v63  }
0x56: {  	s29 =	simm.s32 $0x7800  }
0x57: {  	[tilespmem:s29], [sflag:$0x1] =	stream.indirect_vreg.gather [hbm4b:s5+s3], $0x80, v3, vm0, $0xb8;
	[tilespmem:$0x19000] =	vst v63  }
0x58: {  	s30 =	simm.s32 $0x8000  }
0x59: {  	[tilespmem:s30], [sflag:$0x1] =	stream.indirect_vreg.gather [hbm4b:s6+s3], $0x80, v3, vm0, $0xb8;
	[tilespmem:$0x19000] =	vst v63  }
0x5a: {  	s31 =	simm.s32 $0x8800  }
0x5b: {  	[tilespmem:s31], [sflag:$0x1] =	stream.indirect_vreg.gather [hbm4b:s7+s3], $0x80, v3, vm0, $0xb8;
	[tilespmem:$0x19000] =	vst v63  }
0x5c: {  	v3 =	vld [tilespmem:$0x80];
	_ =	sdelay $0x4  }
0x5d: {  	v58 =	vshll.u32 v3, $0x3  }
0x5e: {  	v3 =	vand.u32 $0x7, v3;
	v4 =	vand.u32 $0xFFFFFFC0, v58  }
0x5f: {  	v3 =	vor.u32 v3, v4  }
0x60: {  	v4 =	vperm.xlane v3, v0;
	_ =	sdelay $0x1  }
0x61: {  	v4 =	vadd.s32 v1, v4;
	_ =	sdelay $0x3  }
0x62: {  	s13 =	simm.s32 $0x9000  }
0x63: {  	[tilespmem:s13], [sflag:$0x2] =	stream.indirect_vreg.gather [hbm4b:s2+s3], $0x80, v4, vm0, $0xb8;
	[tilespmem:$0x19000] =	vst v63  }
0x64: {  	s16 =	simm.s32 $0x9800;
	v3 =	vperm.xlane v3, v2  }
0x65: {  	[tilespmem:s16], [sflag:$0x2] =	stream.indirect_vreg.gather [hbm4b:s5+s3], $0x80, v4, vm0, $0xb8;
	[tilespmem:$0x19000] =	vst v63  }
0x66: {  	s17 =	simm.s32 $0xA000;
	v3 =	vadd.s32 v1, v3  }
0x67: {  	[tilespmem:s17], [sflag:$0x2] =	stream.indirect_vreg.gather [hbm4b:s6+s3], $0x80, v4, vm0, $0xb8;
	[tilespmem:$0x19000] =	vst v63  }
0x68: {  	s19 =	simm.s32 $0xA800  }
0x69: {  	[tilespmem:s19], [sflag:$0x2] =	stream.indirect_vreg.gather [hbm4b:s7+s3], $0x80, v4, vm0, $0xb8;
	[tilespmem:$0x19000] =	vst v63  }
0x6a: {  	s25 =	simm.s32 $0xB000  }
0x6b: {  	[tilespmem:s25], [sflag:$0x2] =	stream.indirect_vreg.gather [hbm4b:s2+s3], $0x80, v3, vm0, $0xb8;
	[tilespmem:$0x19000] =	vst v63  }
0x6c: {  	s26 =	simm.s32 $0xB800  }
0x6d: {  	[tilespmem:s26], [sflag:$0x2] =	stream.indirect_vreg.gather [hbm4b:s5+s3], $0x80, v3, vm0, $0xb8;
	[tilespmem:$0x19000] =	vst v63  }
0x6e: {  	s28 =	simm.s32 $0xC000  }
0x6f: {  	[tilespmem:s28], [sflag:$0x2] =	stream.indirect_vreg.gather [hbm4b:s6+s3], $0x80, v3, vm0, $0xb8;
	[tilespmem:$0x19000] =	vst v63  }
0x70: {  	s13 =	simm.s32 $0xC800  }
0x71: {  	[tilespmem:s13], [sflag:$0x2] =	stream.indirect_vreg.gather [hbm4b:s7+s3], $0x80, v3, vm0, $0xb8;
	[tilespmem:$0x19000] =	vst v63  }
0x72: {  	v3 =	vld [tilespmem:$0x90];
	_ =	sdelay $0x4  }
0x73: {  	v59 =	vshll.u32 v3, $0x3  }
0x74: {  	v3 =	vand.u32 $0x7, v3;
	v4 =	vand.u32 $0xFFFFFFC0, v59  }
0x75: {  	v3 =	vor.u32 v3, v4  }
0x76: {  	v4 =	vperm.xlane v3, v0;
	_ =	sdelay $0x1  }
0x77: {  	v4 =	vadd.s32 v1, v4;
	_ =	sdelay $0x3  }
0x78: {  	s16 =	simm.s32 $0xD000  }
0x79: {  	[tilespmem:s16], [sflag:$0x2] =	stream.indirect_vreg.gather [hbm4b:s2+s3], $0x80, v4, vm0, $0xb8;
	[tilespmem:$0x19000] =	vst v63  }
0x7a: {  	s17 =	simm.s32 $0xD800;
	v3 =	vperm.xlane v3, v2  }
0x7b: {  	[tilespmem:s17], [sflag:$0x2] =	stream.indirect_vreg.gather [hbm4b:s5+s3], $0x80, v4, vm0, $0xb8;
	[tilespmem:$0x19000] =	vst v63  }
0x7c: {  	s19 =	simm.s32 $0xE000;
	v3 =	vadd.s32 v1, v3  }
0x7d: {  	[tilespmem:s19], [sflag:$0x2] =	stream.indirect_vreg.gather [hbm4b:s6+s3], $0x80, v4, vm0, $0xb8;
	[tilespmem:$0x19000] =	vst v63  }
0x7e: {  	s25 =	simm.s32 $0xE800  }
0x7f: {  	[tilespmem:s25], [sflag:$0x2] =	stream.indirect_vreg.gather [hbm4b:s7+s3], $0x80, v4, vm0, $0xb8;
	[tilespmem:$0x19000] =	vst v63  }
0x80: {  	s26 =	simm.s32 $0xF000  }
0x81: {  	[tilespmem:s26], [sflag:$0x2] =	stream.indirect_vreg.gather [hbm4b:s2+s3], $0x80, v3, vm0, $0xb8;
	[tilespmem:$0x19000] =	vst v63  }
0x82: {  	s28 =	simm.s32 $0xF800  }
0x83: {  	[tilespmem:s28], [sflag:$0x2] =	stream.indirect_vreg.gather [hbm4b:s5+s3], $0x80, v3, vm0, $0xb8;
	[tilespmem:$0x19000] =	vst v63  }
0x84: {  	s16 =	simm.s32 $0x10000  }
0x85: {  	[tilespmem:s16], [sflag:$0x2] =	stream.indirect_vreg.gather [hbm4b:s6+s3], $0x80, v3, vm0, $0xb8;
	[tilespmem:$0x19000] =	vst v63  }
0x86: {  	s17 =	simm.s32 $0x10800  }
0x87: {  	[tilespmem:s17], [sflag:$0x2] =	stream.indirect_vreg.gather [hbm4b:s7+s3], $0x80, v3, vm0, $0xb8;
	[tilespmem:$0x19000] =	vst v63  }
0x88: {  	_ =	swait.ge [sflag:s18], $0x8000  }
0x89: {  	s19 =	sld [smem:$0x7FC]  }
0x8a: {  	[sflag:s18] =	ssyncset.done $0x0  }
0x8b: {  	s10 =	simm.s32 $0x1000;
	[sflag:s18] =	ssyncadd.s32 $0xFFFF8000  }
0x8c: {  	[hbm4b:s19+s3] =	stream.linear.scatter [tilespmem:s10], [sflag:$0x4], $0x8000, $0x38;
	[tilespmem:$0x19000] =	vst v63  }
0x8d: {  	v3 =	vld [tilespmem:$0x100];
	_ =	sdelay $0x4  }
0x8e: {  	v60 =	vshll.u32 v3, $0x3  }
0x8f: {  	v3 =	vand.u32 $0x7, v3;
	v4 =	vand.u32 $0xFFFFFFC0, v60  }
0x90: {  	v3 =	vor.u32 v3, v4  }
0x91: {  	v4 =	vperm.xlane v3, v0;
	_ =	sdelay $0x1  }
0x92: {  	v4 =	vadd.s32 v1, v4;
	_ =	sdelay $0x3  }
0x93: {  	s26 =	simm.s32 $0x11000  }
0x94: {  	[tilespmem:s26], [sflag:$0x3] =	stream.indirect_vreg.gather [hbm4b:s2+s3], $0x80, v4, vm0, $0xb8;
	[tilespmem:$0x19000] =	vst v63  }
0x95: {  	s28 =	simm.s32 $0x11800;
	v3 =	vperm.xlane v3, v2  }
0x96: {  	[tilespmem:s28], [sflag:$0x3] =	stream.indirect_vreg.gather [hbm4b:s5+s3], $0x80, v4, vm0, $0xb8;
	[tilespmem:$0x19000] =	vst v63  }
0x97: {  	s16 =	simm.s32 $0x12000;
	v3 =	vadd.s32 v1, v3  }
0x98: {  	[tilespmem:s16], [sflag:$0x3] =	stream.indirect_vreg.gather [hbm4b:s6+s3], $0x80, v4, vm0, $0xb8;
	[tilespmem:$0x19000] =	vst v63  }
0x99: {  	s17 =	simm.s32 $0x12800  }
0x9a: {  	[tilespmem:s17], [sflag:$0x3] =	stream.indirect_vreg.gather [hbm4b:s7+s3], $0x80, v4, vm0, $0xb8;
	[tilespmem:$0x19000] =	vst v63  }
0x9b: {  	s19 =	simm.s32 $0x13000  }
0x9c: {  	[tilespmem:s19], [sflag:$0x3] =	stream.indirect_vreg.gather [hbm4b:s2+s3], $0x80, v3, vm0, $0xb8;
	[tilespmem:$0x19000] =	vst v63  }
0x9d: {  	s25 =	simm.s32 $0x13800  }
0x9e: {  	[tilespmem:s25], [sflag:$0x3] =	stream.indirect_vreg.gather [hbm4b:s5+s3], $0x80, v3, vm0, $0xb8;
	[tilespmem:$0x19000] =	vst v63  }
0x9f: {  	s28 =	simm.s32 $0x14000  }
0xa0: {  	[tilespmem:s28], [sflag:$0x3] =	stream.indirect_vreg.gather [hbm4b:s6+s3], $0x80, v3, vm0, $0xb8;
	[tilespmem:$0x19000] =	vst v63  }
0xa1: {  	s16 =	simm.s32 $0x14800  }
0xa2: {  	[tilespmem:s16], [sflag:$0x3] =	stream.indirect_vreg.gather [hbm4b:s7+s3], $0x80, v3, vm0, $0xb8;
	[tilespmem:$0x19000] =	vst v63  }
0xa3: {  	v3 =	vld [tilespmem:$0x110];
	_ =	sdelay $0x4  }
0xa4: {  	v61 =	vshll.u32 v3, $0x3  }
0xa5: {  	v3 =	vand.u32 $0x7, v3;
	v4 =	vand.u32 $0xFFFFFFC0, v61  }
0xa6: {  	v3 =	vor.u32 v3, v4  }
0xa7: {  	v4 =	vperm.xlane v3, v0;
	_ =	sdelay $0x1  }
0xa8: {  	v4 =	vadd.s32 v1, v4;
	_ =	sdelay $0x3  }
0xa9: {  	s17 =	simm.s32 $0x15000  }
0xaa: {  	[tilespmem:s17], [sflag:$0x3] =	stream.indirect_vreg.gather [hbm4b:s2+s3], $0x80, v4, vm0, $0xb8;
	[tilespmem:$0x19000] =	vst v63  }
0xab: {  	s19 =	simm.s32 $0x15800;
	v3 =	vperm.xlane v3, v2  }
0xac: {  	[tilespmem:s19], [sflag:$0x3] =	stream.indirect_vreg.gather [hbm4b:s5+s3], $0x80, v4, vm0, $0xb8;
	[tilespmem:$0x19000] =	vst v63  }
0xad: {  	s25 =	simm.s32 $0x16000;
	v3 =	vadd.s32 v1, v3  }
0xae: {  	[tilespmem:s25], [sflag:$0x3] =	stream.indirect_vreg.gather [hbm4b:s6+s3], $0x80, v4, vm0, $0xb8;
	[tilespmem:$0x19000] =	vst v63  }
0xaf: {  	s28 =	simm.s32 $0x16800  }
0xb0: {  	[tilespmem:s28], [sflag:$0x3] =	stream.indirect_vreg.gather [hbm4b:s7+s3], $0x80, v4, vm0, $0xb8;
	[tilespmem:$0x19000] =	vst v63  }
0xb1: {  	s16 =	simm.s32 $0x17000  }
0xb2: {  	[tilespmem:s16], [sflag:$0x3] =	stream.indirect_vreg.gather [hbm4b:s2+s3], $0x80, v3, vm0, $0xb8;
	[tilespmem:$0x19000] =	vst v63  }
0xb3: {  	s17 =	simm.s32 $0x17800  }
0xb4: {  	[tilespmem:s17], [sflag:$0x3] =	stream.indirect_vreg.gather [hbm4b:s5+s3], $0x80, v3, vm0, $0xb8;
	[tilespmem:$0x19000] =	vst v63  }
0xb5: {  	s19 =	simm.s32 $0x18000  }
0xb6: {  	[tilespmem:s19], [sflag:$0x3] =	stream.indirect_vreg.gather [hbm4b:s6+s3], $0x80, v3, vm0, $0xb8;
	[tilespmem:$0x19000] =	vst v63  }
0xb7: {  	s25 =	simm.s32 $0x18800  }
0xb8: {  	[tilespmem:s25], [sflag:$0x3] =	stream.indirect_vreg.gather [hbm4b:s7+s3], $0x80, v3, vm0, $0xb8;
	[tilespmem:$0x19000] =	vst v63  }
0xb9: {  	_ =	swait.ge [sflag:s20], $0x8000  }
0xba: {  	[sflag:s20] =	ssyncset.done $0x0  }
0xbb: {  	s0 =	simm.s32 $0x9000;
	s28 =	rddreg [dreg:$0x5];
	[sflag:s20] =	ssyncadd.s32 $0xFFFF8000  }
0xbc: {  	[hbm4b:s28+s3] =	stream.linear.scatter [tilespmem:s0], [sflag:$0x5], $0x8000, $0x38;
	[tilespmem:$0x19000] =	vst v63  }
0xbd: {  	_ =	swait.ge [sflag:s21], $0x8000  }
0xbe: {  	[sflag:s21] =	ssyncset.done $0x0  }
0xbf: {  	[sflag:s21] =	ssyncadd.s32 $0xFFFF8000  }
0xc0: {  	v3 =	vld [tilespmem:$0x180];
	_ =	sdelay $0x4  }
0xc1: {  	v62 =	vshll.u32 v3, $0x3  }
0xc2: {  	v3 =	vand.u32 $0x7, v3;
	v4 =	vand.u32 $0xFFFFFFC0, v62  }
0xc3: {  	v3 =	vor.u32 v3, v4  }
0xc4: {  	v4 =	vperm.xlane v3, v0;
	_ =	sdelay $0x1  }
0xc5: {  	v4 =	vadd.s32 v1, v4;
	_ =	sdelay $0x3  }
0xc6: {  	s10 =	simm.s32 $0x1000  }
0xc7: {  	[tilespmem:s10], [sflag:$0x1] =	stream.indirect_vreg.gather [hbm4b:s2+s3], $0x80, v4, vm0, $0xb8;
	[tilespmem:$0x19000] =	vst v63  }
0xc8: {  	s19 =	simm.s32 $0x1800;
	v3 =	vperm.xlane v3, v2  }
0xc9: {  	[tilespmem:s19], [sflag:$0x1] =	stream.indirect_vreg.gather [hbm4b:s5+s3], $0x80, v4, vm0, $0xb8;
	[tilespmem:$0x19000] =	vst v63  }
0xca: {  	s4 =	simm.s32 $0x2000;
	v3 =	vadd.s32 v1, v3  }
0xcb: {  	[tilespmem:s4], [sflag:$0x1] =	stream.indirect_vreg.gather [hbm4b:s6+s3], $0x80, v4, vm0, $0xb8;
	[tilespmem:$0x19000] =	vst v63  }
0xcc: {  	s8 =	simm.s32 $0x2800  }
0xcd: {  	[tilespmem:s8], [sflag:$0x1] =	stream.indirect_vreg.gather [hbm4b:s7+s3], $0x80, v4, vm0, $0xb8;
	[tilespmem:$0x19000] =	vst v63  }
0xce: {  	s9 =	simm.s32 $0x3000  }
0xcf: {  	[tilespmem:s9], [sflag:$0x1] =	stream.indirect_vreg.gather [hbm4b:s2+s3], $0x80, v3, vm0, $0xb8;
	[tilespmem:$0x19000] =	vst v63  }
0xd0: {  	s14 =	simm.s32 $0x3800  }
0xd1: {  	[tilespmem:s14], [sflag:$0x1] =	stream.indirect_vreg.gather [hbm4b:s5+s3], $0x80, v3, vm0, $0xb8;
	[tilespmem:$0x19000] =	vst v63  }
0xd2: {  	s15 =	simm.s32 $0x4000  }
0xd3: {  	[tilespmem:s15], [sflag:$0x1] =	stream.indirect_vreg.gather [hbm4b:s6+s3], $0x80, v3, vm0, $0xb8;
	[tilespmem:$0x19000] =	vst v63  }
0xd4: {  	s16 =	simm.s32 $0x4800  }
0xd5: {  	[tilespmem:s16], [sflag:$0x1] =	stream.indirect_vreg.gather [hbm4b:s7+s3], $0x80, v3, vm0, $0xb8;
	[tilespmem:$0x19000] =	vst v63  }
0xd6: {  	v3 =	vld [tilespmem:$0x190];
	_ =	sdelay $0x4  }
0xd7: {  	v63 =	vshll.u32 v3, $0x3  }
0xd8: {  	v3 =	vand.u32 $0x7, v3;
	v4 =	vand.u32 $0xFFFFFFC0, v63  }
0xd9: {  	v3 =	vor.u32 v3, v4  }
0xda: {  	v4 =	vperm.xlane v3, v0;
	_ =	sdelay $0x1  }
0xdb: {  	v4 =	vadd.s32 v1, v4;
	_ =	sdelay $0x3  }
0xdc: {  	s17 =	simm.s32 $0x5000  }
0xdd: {  	[tilespmem:s17], [sflag:$0x1] =	stream.indirect_vreg.gather [hbm4b:s2+s3], $0x80, v4, vm0, $0xb8;
	[tilespmem:$0x19000] =	vst v63  }
0xde: {  	s28 =	simm.s32 $0x5800;
	v3 =	vperm.xlane v3, v2  }
0xdf: {  	[tilespmem:s28], [sflag:$0x1] =	stream.indirect_vreg.gather [hbm4b:s5+s3], $0x80, v4, vm0, $0xb8;
	[tilespmem:$0x19000] =	vst v63  }
0xe0: {  	s1 =	simm.s32 $0x6000;
	v3 =	vadd.s32 v1, v3  }
0xe1: {  	[tilespmem:s1], [sflag:$0x1] =	stream.indirect_vreg.gather [hbm4b:s6+s3], $0x80, v4, vm0, $0xb8;
	[tilespmem:$0x19000] =	vst v63  }
0xe2: {  	s11 =	simm.s32 $0x6800  }
0xe3: {  	[tilespmem:s11], [sflag:$0x1] =	stream.indirect_vreg.gather [hbm4b:s7+s3], $0x80, v4, vm0, $0xb8;
	[tilespmem:$0x19000] =	vst v63  }
0xe4: {  	s12 =	simm.s32 $0x7000  }
0xe5: {  	[tilespmem:s12], [sflag:$0x1] =	stream.indirect_vreg.gather [hbm4b:s2+s3], $0x80, v3, vm0, $0xb8;
	[tilespmem:$0x19000] =	vst v63  }
0xe6: {  	s29 =	simm.s32 $0x7800  }
0xe7: {  	[tilespmem:s29], [sflag:$0x1] =	stream.indirect_vreg.gather [hbm4b:s5+s3], $0x80, v3, vm0, $0xb8;
	[tilespmem:$0x19000] =	vst v63  }
0xe8: {  	s30 =	simm.s32 $0x8000  }
0xe9: {  	[tilespmem:s30], [sflag:$0x1] =	stream.indirect_vreg.gather [hbm4b:s6+s3], $0x80, v3, vm0, $0xb8;
	[tilespmem:$0x19000] =	vst v63  }
0xea: {  	s29 =	simm.s32 $0x8800  }
0xeb: {  	[tilespmem:s29], [sflag:$0x1] =	stream.indirect_vreg.gather [hbm4b:s7+s3], $0x80, v3, vm0, $0xb8;
	[tilespmem:$0x19000] =	vst v63  }
0xec: {  	_ =	swait.ge [sflag:s22], $0x8000  }
0xed: {  	[sflag:s22] =	ssyncset.done $0x0  }
0xee: {  	s30 =	simm.s32 $0x11000;
	s9 =	rddreg [dreg:$0x6];
	[sflag:s22] =	ssyncadd.s32 $0xFFFF8000  }
0xef: {  	[hbm4b:s9+s3] =	stream.linear.scatter [tilespmem:s30], [sflag:$0x6], $0x8000, $0x38;
	[tilespmem:$0x19000] =	vst v63  }
0xf0: {  	_ =	swait.ge [sflag:s23], $0x8000  }
0xf1: {  	[sflag:s23] =	ssyncset.done $0x0  }
0xf2: {  	[sflag:s23] =	ssyncadd.s32 $0xFFFF8000  }
0xf3: {  	v3 =	vld [tilespmem:$0x200];
	_ =	sdelay $0x4  }
0xf4: {  	v8 =	vshll.u32 v3, $0x3  }
0xf5: {  	v3 =	vand.u32 $0x7, v3;
	v4 =	vand.u32 $0xFFFFFFC0, v8  }
0xf6: {  	v3 =	vor.u32 v3, v4  }
0xf7: {  	v4 =	vperm.xlane v3, v0;
	_ =	sdelay $0x1  }
0xf8: {  	v4 =	vadd.s32 v1, v4;
	_ =	sdelay $0x4  }
0xf9: {  	[tilespmem:s0], [sflag:$0x2] =	stream.indirect_vreg.gather [hbm4b:s2+s3], $0x80, v4, vm0, $0xb8;
	[tilespmem:$0x19000] =	vst v63  }
0xfa: {  	s31 =	simm.s32 $0x9800;
	v3 =	vperm.xlane v3, v2  }
0xfb: {  	[tilespmem:s31], [sflag:$0x2] =	stream.indirect_vreg.gather [hbm4b:s5+s3], $0x80, v4, vm0, $0xb8;
	[tilespmem:$0x19000] =	vst v63  }
0xfc: {  	s11 =	simm.s32 $0xA000;
	v3 =	vadd.s32 v1, v3  }
0xfd: {  	[tilespmem:s11], [sflag:$0x2] =	stream.indirect_vreg.gather [hbm4b:s6+s3], $0x80, v4, vm0, $0xb8;
	[tilespmem:$0x19000] =	vst v63  }
0xfe: {  	s12 =	simm.s32 $0xA800  }
0xff: {  	[tilespmem:s12], [sflag:$0x2] =	stream.indirect_vreg.gather [hbm4b:s7+s3], $0x80, v4, vm0, $0xb8;
	[tilespmem:$0x19000] =	vst v63  }
0x100: {  	s14 =	simm.s32 $0xB000  }
0x101: {  	[tilespmem:s14], [sflag:$0x2] =	stream.indirect_vreg.gather [hbm4b:s2+s3], $0x80, v3, vm0, $0xb8;
	[tilespmem:$0x19000] =	vst v63  }
0x102: {  	s15 =	simm.s32 $0xB800  }
0x103: {  	[tilespmem:s15], [sflag:$0x2] =	stream.indirect_vreg.gather [hbm4b:s5+s3], $0x80, v3, vm0, $0xb8;
	[tilespmem:$0x19000] =	vst v63  }
0x104: {  	s9 =	simm.s32 $0xC000  }
0x105: {  	[tilespmem:s9], [sflag:$0x2] =	stream.indirect_vreg.gather [hbm4b:s6+s3], $0x80, v3, vm0, $0xb8;
	[tilespmem:$0x19000] =	vst v63  }
0x106: {  	s25 =	simm.s32 $0xC800  }
0x107: {  	[tilespmem:s25], [sflag:$0x2] =	stream.indirect_vreg.gather [hbm4b:s7+s3], $0x80, v3, vm0, $0xb8;
	[tilespmem:$0x19000] =	vst v63  }
0x108: {  	v3 =	vld [tilespmem:$0x210];
	_ =	sdelay $0x4  }
0x109: {  	v9 =	vshll.u32 v3, $0x3  }
0x10a: {  	v3 =	vand.u32 $0x7, v3;
	v4 =	vand.u32 $0xFFFFFFC0, v9  }
0x10b: {  	v3 =	vor.u32 v3, v4  }
0x10c: {  	v4 =	vperm.xlane v3, v0;
	_ =	sdelay $0x1  }
0x10d: {  	v4 =	vadd.s32 v1, v4;
	_ =	sdelay $0x3  }
0x10e: {  	s31 =	simm.s32 $0xD000  }
0x10f: {  	[tilespmem:s31], [sflag:$0x2] =	stream.indirect_vreg.gather [hbm4b:s2+s3], $0x80, v4, vm0, $0xb8;
	[tilespmem:$0x19000] =	vst v63  }
0x110: {  	s13 =	simm.s32 $0xD800;
	v3 =	vperm.xlane v3, v2  }
0x111: {  	[tilespmem:s13], [sflag:$0x2] =	stream.indirect_vreg.gather [hbm4b:s5+s3], $0x80, v4, vm0, $0xb8;
	[tilespmem:$0x19000] =	vst v63  }
0x112: {  	s11 =	simm.s32 $0xE000;
	v3 =	vadd.s32 v1, v3  }
0x113: {  	[tilespmem:s11], [sflag:$0x2] =	stream.indirect_vreg.gather [hbm4b:s6+s3], $0x80, v4, vm0, $0xb8;
	[tilespmem:$0x19000] =	vst v63  }
0x114: {  	s12 =	simm.s32 $0xE800  }
0x115: {  	[tilespmem:s12], [sflag:$0x2] =	stream.indirect_vreg.gather [hbm4b:s7+s3], $0x80, v4, vm0, $0xb8;
	[tilespmem:$0x19000] =	vst v63  }
0x116: {  	s13 =	simm.s32 $0xF000  }
0x117: {  	[tilespmem:s13], [sflag:$0x2] =	stream.indirect_vreg.gather [hbm4b:s2+s3], $0x80, v3, vm0, $0xb8;
	[tilespmem:$0x19000] =	vst v63  }
0x118: {  	s14 =	simm.s32 $0xF800  }
0x119: {  	[tilespmem:s14], [sflag:$0x2] =	stream.indirect_vreg.gather [hbm4b:s5+s3], $0x80, v3, vm0, $0xb8;
	[tilespmem:$0x19000] =	vst v63  }
0x11a: {  	s15 =	simm.s32 $0x10000  }
0x11b: {  	[tilespmem:s15], [sflag:$0x2] =	stream.indirect_vreg.gather [hbm4b:s6+s3], $0x80, v3, vm0, $0xb8;
	[tilespmem:$0x19000] =	vst v63  }
0x11c: {  	s4 =	simm.s32 $0x10800  }
0x11d: {  	[tilespmem:s4], [sflag:$0x2] =	stream.indirect_vreg.gather [hbm4b:s7+s3], $0x80, v3, vm0, $0xb8;
	[tilespmem:$0x19000] =	vst v63  }
0x11e: {  	_ =	swait.ge [sflag:s18], $0x8000  }
0x11f: {  	[sflag:s18] =	ssyncset.done $0x0  }
0x120: {  	s10 =	simm.s32 $0x1000;
	s8 =	rddreg [dreg:$0x7];
	[sflag:s18] =	ssyncadd.s32 $0xFFFF8000  }
0x121: {  	[hbm4b:s8+s3] =	stream.linear.scatter [tilespmem:s10], [sflag:$0x4], $0x8000, $0x38;
	[tilespmem:$0x19000] =	vst v63  }
0x122: {  	_ =	swait.ge [sflag:s24], $0x8000  }
0x123: {  	[sflag:s24] =	ssyncset.done $0x0  }
0x124: {  	[sflag:s24] =	ssyncadd.s32 $0xFFFF8000  }
0x125: {  	v3 =	vld [tilespmem:$0x280];
	_ =	sdelay $0x4  }
0x126: {  	v10 =	vshll.u32 v3, $0x3  }
0x127: {  	v3 =	vand.u32 $0x7, v3;
	v4 =	vand.u32 $0xFFFFFFC0, v10  }
0x128: {  	v3 =	vor.u32 v3, v4  }
0x129: {  	v4 =	vperm.xlane v3, v0;
	_ =	sdelay $0x1  }
0x12a: {  	v4 =	vadd.s32 v1, v4;
	_ =	sdelay $0x4  }
0x12b: {  	[tilespmem:s30], [sflag:$0x3] =	stream.indirect_vreg.gather [hbm4b:s2+s3], $0x80, v4, vm0, $0xb8;
	[tilespmem:$0x19000] =	vst v63  }
0x12c: {  	s26 =	simm.s32 $0x11800;
	v3 =	vperm.xlane v3, v2  }
0x12d: {  	[tilespmem:s26], [sflag:$0x3] =	stream.indirect_vreg.gather [hbm4b:s5+s3], $0x80, v4, vm0, $0xb8;
	[tilespmem:$0x19000] =	vst v63  }
0x12e: {  	v3 =	vadd.s32 v1, v3;
	s30 =	simm.s32 $0x12000  }
0x12f: {  	[tilespmem:s30], [sflag:$0x3] =	stream.indirect_vreg.gather [hbm4b:s6+s3], $0x80, v4, vm0, $0xb8;
	[tilespmem:$0x19000] =	vst v63  }
0x130: {  	s31 =	simm.s32 $0x12800  }
0x131: {  	[tilespmem:s31], [sflag:$0x3] =	stream.indirect_vreg.gather [hbm4b:s7+s3], $0x80, v4, vm0, $0xb8;
	[tilespmem:$0x19000] =	vst v63  }
0x132: {  	s10 =	simm.s32 $0x13000  }
0x133: {  	[tilespmem:s10], [sflag:$0x3] =	stream.indirect_vreg.gather [hbm4b:s2+s3], $0x80, v3, vm0, $0xb8;
	[tilespmem:$0x19000] =	vst v63  }
0x134: {  	s26 =	simm.s32 $0x13800  }
0x135: {  	[tilespmem:s26], [sflag:$0x3] =	stream.indirect_vreg.gather [hbm4b:s5+s3], $0x80, v3, vm0, $0xb8;
	[tilespmem:$0x19000] =	vst v63  }
0x136: {  	s25 =	simm.s32 $0x14000  }
0x137: {  	[tilespmem:s25], [sflag:$0x3] =	stream.indirect_vreg.gather [hbm4b:s6+s3], $0x80, v3, vm0, $0xb8;
	[tilespmem:$0x19000] =	vst v63  }
0x138: {  	s25 =	simm.s32 $0x14800  }
0x139: {  	[tilespmem:s25], [sflag:$0x3] =	stream.indirect_vreg.gather [hbm4b:s7+s3], $0x80, v3, vm0, $0xb8;
	[tilespmem:$0x19000] =	vst v63  }
0x13a: {  	v3 =	vld [tilespmem:$0x290];
	_ =	sdelay $0x4  }
0x13b: {  	v11 =	vshll.u32 v3, $0x3  }
0x13c: {  	v3 =	vand.u32 $0x7, v3;
	v4 =	vand.u32 $0xFFFFFFC0, v11  }
0x13d: {  	v3 =	vor.u32 v3, v4  }
0x13e: {  	v4 =	vperm.xlane v3, v0;
	_ =	sdelay $0x1  }
0x13f: {  	v4 =	vadd.s32 v1, v4;
	_ =	sdelay $0x3  }
0x140: {  	s25 =	simm.s32 $0x15000  }
0x141: {  	[tilespmem:s25], [sflag:$0x3] =	stream.indirect_vreg.gather [hbm4b:s2+s3], $0x80, v4, vm0, $0xb8;
	[tilespmem:$0x19000] =	vst v63  }
0x142: {  	v3 =	vperm.xlane v3, v2;
	s25 =	simm.s32 $0x15800  }
0x143: {  	[tilespmem:s25], [sflag:$0x3] =	stream.indirect_vreg.gather [hbm4b:s5+s3], $0x80, v4, vm0, $0xb8;
	[tilespmem:$0x19000] =	vst v63  }
0x144: {  	v3 =	vadd.s32 v1, v3;
	s25 =	simm.s32 $0x16000  }
0x145: {  	[tilespmem:s25], [sflag:$0x3] =	stream.indirect_vreg.gather [hbm4b:s6+s3], $0x80, v4, vm0, $0xb8;
	[tilespmem:$0x19000] =	vst v63  }
0x146: {  	s25 =	simm.s32 $0x16800  }
0x147: {  	[tilespmem:s25], [sflag:$0x3] =	stream.indirect_vreg.gather [hbm4b:s7+s3], $0x80, v4, vm0, $0xb8;
	[tilespmem:$0x19000] =	vst v63  }
0x148: {  	s25 =	simm.s32 $0x17000  }
0x149: {  	[tilespmem:s25], [sflag:$0x3] =	stream.indirect_vreg.gather [hbm4b:s2+s3], $0x80, v3, vm0, $0xb8;
	[tilespmem:$0x19000] =	vst v63  }
0x14a: {  	s25 =	simm.s32 $0x17800  }
0x14b: {  	[tilespmem:s25], [sflag:$0x3] =	stream.indirect_vreg.gather [hbm4b:s5+s3], $0x80, v3, vm0, $0xb8;
	[tilespmem:$0x19000] =	vst v63  }
0x14c: {  	s25 =	simm.s32 $0x18000  }
0x14d: {  	[tilespmem:s25], [sflag:$0x3] =	stream.indirect_vreg.gather [hbm4b:s6+s3], $0x80, v3, vm0, $0xb8;
	[tilespmem:$0x19000] =	vst v63  }
0x14e: {  	s25 =	simm.s32 $0x18800  }
0x14f: {  	[tilespmem:s25], [sflag:$0x3] =	stream.indirect_vreg.gather [hbm4b:s7+s3], $0x80, v3, vm0, $0xb8;
	[tilespmem:$0x19000] =	vst v63  }
0x150: {  	_ =	swait.ge [sflag:s20], $0x8000  }
0x151: {  	[sflag:s20] =	ssyncset.done $0x0  }
0x152: {  	s1 =	simm.s32 $0x9000;
	s8 =	rddreg [dreg:$0x8];
	[sflag:s20] =	ssyncadd.s32 $0xFFFF8000  }
0x153: {  	[hbm4b:s8+s3] =	stream.linear.scatter [tilespmem:s1], [sflag:$0x5], $0x8000, $0x38;
	[tilespmem:$0x19000] =	vst v63  }
0x154: {  	_ =	swait.ge [sflag:s21], $0x8000  }
0x155: {  	[sflag:s21] =	ssyncset.done $0x0  }
0x156: {  	[sflag:s21] =	ssyncadd.s32 $0xFFFF8000  }
0x157: {  	v3 =	vld [tilespmem:$0x300];
	_ =	sdelay $0x4  }
0x158: {  	v12 =	vshll.u32 v3, $0x3  }
0x159: {  	v3 =	vand.u32 $0x7, v3;
	v4 =	vand.u32 $0xFFFFFFC0, v12  }
0x15a: {  	v3 =	vor.u32 v3, v4  }
0x15b: {  	v4 =	vperm.xlane v3, v0;
	_ =	sdelay $0x1  }
0x15c: {  	v4 =	vadd.s32 v1, v4;
	_ =	sdelay $0x3  }
0x15d: {  	s0 =	simm.s32 $0x1000  }
0x15e: {  	[tilespmem:s0], [sflag:$0x1] =	stream.indirect_vreg.gather [hbm4b:s2+s3], $0x80, v4, vm0, $0xb8;
	[tilespmem:$0x19000] =	vst v63  }
0x15f: {  	v3 =	vperm.xlane v3, v2  }
0x160: {  	[tilespmem:s19], [sflag:$0x1] =	stream.indirect_vreg.gather [hbm4b:s5+s3], $0x80, v4, vm0, $0xb8;
	[tilespmem:$0x19000] =	vst v63  }
0x161: {  	v3 =	vadd.s32 v1, v3;
	s19 =	simm.s32 $0x2000  }
0x162: {  	[tilespmem:s19], [sflag:$0x1] =	stream.indirect_vreg.gather [hbm4b:s6+s3], $0x80, v4, vm0, $0xb8;
	[tilespmem:$0x19000] =	vst v63  }
0x163: {  	s25 =	simm.s32 $0x2800  }
0x164: {  	[tilespmem:s25], [sflag:$0x1] =	stream.indirect_vreg.gather [hbm4b:s7+s3], $0x80, v4, vm0, $0xb8;
	[tilespmem:$0x19000] =	vst v63  }
0x165: {  	s25 =	simm.s32 $0x3000  }
0x166: {  	[tilespmem:s25], [sflag:$0x1] =	stream.indirect_vreg.gather [hbm4b:s2+s3], $0x80, v3, vm0, $0xb8;
	[tilespmem:$0x19000] =	vst v63  }
0x167: {  	s25 =	simm.s32 $0x3800  }
0x168: {  	[tilespmem:s25], [sflag:$0x1] =	stream.indirect_vreg.gather [hbm4b:s5+s3], $0x80, v3, vm0, $0xb8;
	[tilespmem:$0x19000] =	vst v63  }
0x169: {  	s25 =	simm.s32 $0x4000  }
0x16a: {  	[tilespmem:s25], [sflag:$0x1] =	stream.indirect_vreg.gather [hbm4b:s6+s3], $0x80, v3, vm0, $0xb8;
	[tilespmem:$0x19000] =	vst v63  }
0x16b: {  	_ = 	snop  }
0x16c: {  	[tilespmem:s16], [sflag:$0x1] =	stream.indirect_vreg.gather [hbm4b:s7+s3], $0x80, v3, vm0, $0xb8;
	[tilespmem:$0x19000] =	vst v63  }
0x16d: {  	v3 =	vld [tilespmem:$0x310];
	_ =	sdelay $0x4  }
0x16e: {  	v13 =	vshll.u32 v3, $0x3  }
0x16f: {  	v3 =	vand.u32 $0x7, v3;
	v4 =	vand.u32 $0xFFFFFFC0, v13  }
0x170: {  	v3 =	vor.u32 v3, v4  }
0x171: {  	v4 =	vperm.xlane v3, v0;
	_ =	sdelay $0x1  }
0x172: {  	v4 =	vadd.s32 v1, v4;
	_ =	sdelay $0x4  }
0x173: {  	[tilespmem:s17], [sflag:$0x1] =	stream.indirect_vreg.gather [hbm4b:s2+s3], $0x80, v4, vm0, $0xb8;
	[tilespmem:$0x19000] =	vst v63  }
0x174: {  	v3 =	vperm.xlane v3, v2  }
0x175: {  	[tilespmem:s28], [sflag:$0x1] =	stream.indirect_vreg.gather [hbm4b:s5+s3], $0x80, v4, vm0, $0xb8;
	[tilespmem:$0x19000] =	vst v63  }
0x176: {  	v3 =	vadd.s32 v1, v3;
	s17 =	simm.s32 $0x6000  }
0x177: {  	[tilespmem:s17], [sflag:$0x1] =	stream.indirect_vreg.gather [hbm4b:s6+s3], $0x80, v4, vm0, $0xb8;
	[tilespmem:$0x19000] =	vst v63  }
0x178: {  	s28 =	simm.s32 $0x6800  }
0x179: {  	[tilespmem:s28], [sflag:$0x1] =	stream.indirect_vreg.gather [hbm4b:s7+s3], $0x80, v4, vm0, $0xb8;
	[tilespmem:$0x19000] =	vst v63  }
0x17a: {  	s25 =	simm.s32 $0x7000  }
0x17b: {  	[tilespmem:s25], [sflag:$0x1] =	stream.indirect_vreg.gather [hbm4b:s2+s3], $0x80, v3, vm0, $0xb8;
	[tilespmem:$0x19000] =	vst v63  }
0x17c: {  	s16 =	simm.s32 $0x7800  }
0x17d: {  	[tilespmem:s16], [sflag:$0x1] =	stream.indirect_vreg.gather [hbm4b:s5+s3], $0x80, v3, vm0, $0xb8;
	[tilespmem:$0x19000] =	vst v63  }
0x17e: {  	s25 =	simm.s32 $0x8000  }
0x17f: {  	[tilespmem:s25], [sflag:$0x1] =	stream.indirect_vreg.gather [hbm4b:s6+s3], $0x80, v3, vm0, $0xb8;
	[tilespmem:$0x19000] =	vst v63  }
0x180: {  	_ = 	snop  }
0x181: {  	[tilespmem:s29], [sflag:$0x1] =	stream.indirect_vreg.gather [hbm4b:s7+s3], $0x80, v3, vm0, $0xb8;
	[tilespmem:$0x19000] =	vst v63  }
0x182: {  	_ =	swait.ge [sflag:s22], $0x8000  }
0x183: {  	[sflag:s22] =	ssyncset.done $0x0  }
0x184: {  	s4 =	simm.s32 $0x11000;
	s16 =	rddreg [dreg:$0x9];
	[sflag:s22] =	ssyncadd.s32 $0xFFFF8000  }
0x185: {  	[hbm4b:s16+s3] =	stream.linear.scatter [tilespmem:s4], [sflag:$0x6], $0x8000, $0x38;
	[tilespmem:$0x19000] =	vst v63  }
0x186: {  	_ =	swait.ge [sflag:s23], $0x8000  }
0x187: {  	[sflag:s23] =	ssyncset.done $0x0  }
0x188: {  	[sflag:s23] =	ssyncadd.s32 $0xFFFF8000  }
0x189: {  	v3 =	vld [tilespmem:$0x380];
	_ =	sdelay $0x4  }
0x18a: {  	v14 =	vshll.u32 v3, $0x3  }
0x18b: {  	v3 =	vand.u32 $0x7, v3;
	v4 =	vand.u32 $0xFFFFFFC0, v14  }
0x18c: {  	v3 =	vor.u32 v3, v4  }
0x18d: {  	v4 =	vperm.xlane v3, v0;
	_ =	sdelay $0x1  }
0x18e: {  	v4 =	vadd.s32 v1, v4;
	_ =	sdelay $0x3  }
0x18f: {  	s1 =	simm.s32 $0x9000  }
0x190: {  	[tilespmem:s1], [sflag:$0x2] =	stream.indirect_vreg.gather [hbm4b:s2+s3], $0x80, v4, vm0, $0xb8;
	[tilespmem:$0x19000] =	vst v63  }
0x191: {  	s16 =	simm.s32 $0x9800;
	v3 =	vperm.xlane v3, v2  }
0x192: {  	[tilespmem:s16], [sflag:$0x2] =	stream.indirect_vreg.gather [hbm4b:s5+s3], $0x80, v4, vm0, $0xb8;
	[tilespmem:$0x19000] =	vst v63  }
0x193: {  	s25 =	simm.s32 $0xA000;
	v3 =	vadd.s32 v1, v3  }
0x194: {  	[tilespmem:s25], [sflag:$0x2] =	stream.indirect_vreg.gather [hbm4b:s6+s3], $0x80, v4, vm0, $0xb8;
	[tilespmem:$0x19000] =	vst v63  }
0x195: {  	s4 =	simm.s32 $0xA800  }
0x196: {  	[tilespmem:s4], [sflag:$0x2] =	stream.indirect_vreg.gather [hbm4b:s7+s3], $0x80, v4, vm0, $0xb8;
	[tilespmem:$0x19000] =	vst v63  }
0x197: {  	s25 =	simm.s32 $0xB000  }
0x198: {  	[tilespmem:s25], [sflag:$0x2] =	stream.indirect_vreg.gather [hbm4b:s2+s3], $0x80, v3, vm0, $0xb8;
	[tilespmem:$0x19000] =	vst v63  }
0x199: {  	s4 =	simm.s32 $0xB800  }
0x19a: {  	[tilespmem:s4], [sflag:$0x2] =	stream.indirect_vreg.gather [hbm4b:s5+s3], $0x80, v3, vm0, $0xb8;
	[tilespmem:$0x19000] =	vst v63  }
0x19b: {  	_ = 	snop  }
0x19c: {  	[tilespmem:s9], [sflag:$0x2] =	stream.indirect_vreg.gather [hbm4b:s6+s3], $0x80, v3, vm0, $0xb8;
	[tilespmem:$0x19000] =	vst v63  }
0x19d: {  	s9 =	simm.s32 $0xC800  }
0x19e: {  	[tilespmem:s9], [sflag:$0x2] =	stream.indirect_vreg.gather [hbm4b:s7+s3], $0x80, v3, vm0, $0xb8;
	[tilespmem:$0x19000] =	vst v63  }
0x19f: {  	v3 =	vld [tilespmem:$0x390];
	_ =	sdelay $0x4  }
0x1a0: {  	v15 =	vshll.u32 v3, $0x3  }
0x1a1: {  	v3 =	vand.u32 $0x7, v3;
	v4 =	vand.u32 $0xFFFFFFC0, v15  }
0x1a2: {  	v3 =	vor.u32 v3, v4  }
0x1a3: {  	v4 =	vperm.xlane v3, v0;
	_ =	sdelay $0x1  }
0x1a4: {  	v4 =	vadd.s32 v1, v4;
	_ =	sdelay $0x3  }
0x1a5: {  	s1 =	simm.s32 $0xD000  }
0x1a6: {  	[tilespmem:s1], [sflag:$0x2] =	stream.indirect_vreg.gather [hbm4b:s2+s3], $0x80, v4, vm0, $0xb8;
	[tilespmem:$0x19000] =	vst v63  }
0x1a7: {  	s4 =	simm.s32 $0xD800;
	v3 =	vperm.xlane v3, v2  }
0x1a8: {  	[tilespmem:s4], [sflag:$0x2] =	stream.indirect_vreg.gather [hbm4b:s5+s3], $0x80, v4, vm0, $0xb8;
	[tilespmem:$0x19000] =	vst v63  }
0x1a9: {  	v3 =	vadd.s32 v1, v3  }
0x1aa: {  	[tilespmem:s11], [sflag:$0x2] =	stream.indirect_vreg.gather [hbm4b:s6+s3], $0x80, v4, vm0, $0xb8;
	[tilespmem:$0x19000] =	vst v63  }
0x1ab: {  	_ = 	snop  }
0x1ac: {  	[tilespmem:s12], [sflag:$0x2] =	stream.indirect_vreg.gather [hbm4b:s7+s3], $0x80, v4, vm0, $0xb8;
	[tilespmem:$0x19000] =	vst v63  }
0x1ad: {  	_ = 	snop  }
0x1ae: {  	[tilespmem:s13], [sflag:$0x2] =	stream.indirect_vreg.gather [hbm4b:s2+s3], $0x80, v3, vm0, $0xb8;
	[tilespmem:$0x19000] =	vst v63  }
0x1af: {  	_ = 	snop  }
0x1b0: {  	[tilespmem:s14], [sflag:$0x2] =	stream.indirect_vreg.gather [hbm4b:s5+s3], $0x80, v3, vm0, $0xb8;
	[tilespmem:$0x19000] =	vst v63  }
0x1b1: {  	_ = 	snop  }
0x1b2: {  	[tilespmem:s15], [sflag:$0x2] =	stream.indirect_vreg.gather [hbm4b:s6+s3], $0x80, v3, vm0, $0xb8;
	[tilespmem:$0x19000] =	vst v63  }
0x1b3: {  	s11 =	simm.s32 $0x10800  }
0x1b4: {  	[tilespmem:s11], [sflag:$0x2] =	stream.indirect_vreg.gather [hbm4b:s7+s3], $0x80, v3, vm0, $0xb8;
	[tilespmem:$0x19000] =	vst v63  }
0x1b5: {  	_ =	swait.ge [sflag:s18], $0x8000  }
0x1b6: {  	[sflag:s18] =	ssyncset.done $0x0  }
0x1b7: {  	s8 =	simm.s32 $0x1000;
	s12 =	rddreg [dreg:$0xa];
	[sflag:s18] =	ssyncadd.s32 $0xFFFF8000  }
0x1b8: {  	[hbm4b:s12+s3] =	stream.linear.scatter [tilespmem:s8], [sflag:$0x4], $0x8000, $0x38;
	[tilespmem:$0x19000] =	vst v63  }
0x1b9: {  	_ =	swait.ge [sflag:s24], $0x8000  }
0x1ba: {  	[sflag:s24] =	ssyncset.done $0x0  }
0x1bb: {  	[sflag:s24] =	ssyncadd.s32 $0xFFFF8000  }
0x1bc: {  	v3 =	vld [tilespmem:$0x400];
	_ =	sdelay $0x4  }
0x1bd: {  	v16 =	vshll.u32 v3, $0x3  }
0x1be: {  	v3 =	vand.u32 $0x7, v3;
	v4 =	vand.u32 $0xFFFFFFC0, v16  }
0x1bf: {  	v3 =	vor.u32 v3, v4  }
0x1c0: {  	v4 =	vperm.xlane v3, v0;
	_ =	sdelay $0x1  }
0x1c1: {  	v4 =	vadd.s32 v1, v4;
	_ =	sdelay $0x3  }
0x1c2: {  	s0 =	simm.s32 $0x11000  }
0x1c3: {  	[tilespmem:s0], [sflag:$0x3] =	stream.indirect_vreg.gather [hbm4b:s2+s3], $0x80, v4, vm0, $0xb8;
	[tilespmem:$0x19000] =	vst v63  }
0x1c4: {  	s12 =	simm.s32 $0x11800;
	v3 =	vperm.xlane v3, v2  }
0x1c5: {  	[tilespmem:s12], [sflag:$0x3] =	stream.indirect_vreg.gather [hbm4b:s5+s3], $0x80, v4, vm0, $0xb8;
	[tilespmem:$0x19000] =	vst v63  }
0x1c6: {  	v3 =	vadd.s32 v1, v3  }
0x1c7: {  	[tilespmem:s30], [sflag:$0x3] =	stream.indirect_vreg.gather [hbm4b:s6+s3], $0x80, v4, vm0, $0xb8;
	[tilespmem:$0x19000] =	vst v63  }
0x1c8: {  	_ = 	snop  }
0x1c9: {  	[tilespmem:s31], [sflag:$0x3] =	stream.indirect_vreg.gather [hbm4b:s7+s3], $0x80, v4, vm0, $0xb8;
	[tilespmem:$0x19000] =	vst v63  }
0x1ca: {  	_ = 	snop  }
0x1cb: {  	[tilespmem:s10], [sflag:$0x3] =	stream.indirect_vreg.gather [hbm4b:s2+s3], $0x80, v3, vm0, $0xb8;
	[tilespmem:$0x19000] =	vst v63  }
0x1cc: {  	_ = 	snop  }
0x1cd: {  	[tilespmem:s26], [sflag:$0x3] =	stream.indirect_vreg.gather [hbm4b:s5+s3], $0x80, v3, vm0, $0xb8;
	[tilespmem:$0x19000] =	vst v63  }
0x1ce: {  	s25 =	simm.s32 $0x14000  }
0x1cf: {  	[tilespmem:s25], [sflag:$0x3] =	stream.indirect_vreg.gather [hbm4b:s6+s3], $0x80, v3, vm0, $0xb8;
	[tilespmem:$0x19000] =	vst v63  }
0x1d0: {  	s25 =	simm.s32 $0x14800  }
0x1d1: {  	[tilespmem:s25], [sflag:$0x3] =	stream.indirect_vreg.gather [hbm4b:s7+s3], $0x80, v3, vm0, $0xb8;
	[tilespmem:$0x19000] =	vst v63  }
0x1d2: {  	v3 =	vld [tilespmem:$0x410];
	_ =	sdelay $0x4  }
0x1d3: {  	v17 =	vshll.u32 v3, $0x3  }
0x1d4: {  	v3 =	vand.u32 $0x7, v3;
	v4 =	vand.u32 $0xFFFFFFC0, v17  }
0x1d5: {  	v3 =	vor.u32 v3, v4  }
0x1d6: {  	v4 =	vperm.xlane v3, v0;
	_ =	sdelay $0x1  }
0x1d7: {  	v4 =	vadd.s32 v1, v4;
	_ =	sdelay $0x3  }
0x1d8: {  	s25 =	simm.s32 $0x15000  }
0x1d9: {  	[tilespmem:s25], [sflag:$0x3] =	stream.indirect_vreg.gather [hbm4b:s2+s3], $0x80, v4, vm0, $0xb8;
	[tilespmem:$0x19000] =	vst v63  }
0x1da: {  	v3 =	vperm.xlane v3, v2;
	s25 =	simm.s32 $0x15800  }
0x1db: {  	[tilespmem:s25], [sflag:$0x3] =	stream.indirect_vreg.gather [hbm4b:s5+s3], $0x80, v4, vm0, $0xb8;
	[tilespmem:$0x19000] =	vst v63  }
0x1dc: {  	v3 =	vadd.s32 v1, v3;
	s25 =	simm.s32 $0x16000  }
0x1dd: {  	[tilespmem:s25], [sflag:$0x3] =	stream.indirect_vreg.gather [hbm4b:s6+s3], $0x80, v4, vm0, $0xb8;
	[tilespmem:$0x19000] =	vst v63  }
0x1de: {  	s25 =	simm.s32 $0x16800  }
0x1df: {  	[tilespmem:s25], [sflag:$0x3] =	stream.indirect_vreg.gather [hbm4b:s7+s3], $0x80, v4, vm0, $0xb8;
	[tilespmem:$0x19000] =	vst v63  }
0x1e0: {  	s25 =	simm.s32 $0x17000  }
0x1e1: {  	[tilespmem:s25], [sflag:$0x3] =	stream.indirect_vreg.gather [hbm4b:s2+s3], $0x80, v3, vm0, $0xb8;
	[tilespmem:$0x19000] =	vst v63  }
0x1e2: {  	s25 =	simm.s32 $0x17800  }
0x1e3: {  	[tilespmem:s25], [sflag:$0x3] =	stream.indirect_vreg.gather [hbm4b:s5+s3], $0x80, v3, vm0, $0xb8;
	[tilespmem:$0x19000] =	vst v63  }
0x1e4: {  	s25 =	simm.s32 $0x18000  }
0x1e5: {  	[tilespmem:s25], [sflag:$0x3] =	stream.indirect_vreg.gather [hbm4b:s6+s3], $0x80, v3, vm0, $0xb8;
	[tilespmem:$0x19000] =	vst v63  }
0x1e6: {  	s25 =	simm.s32 $0x18800  }
0x1e7: {  	[tilespmem:s25], [sflag:$0x3] =	stream.indirect_vreg.gather [hbm4b:s7+s3], $0x80, v3, vm0, $0xb8;
	[tilespmem:$0x19000] =	vst v63  }
0x1e8: {  	_ =	swait.ge [sflag:s20], $0x8000  }
0x1e9: {  	[sflag:s20] =	ssyncset.done $0x0  }
0x1ea: {  	s29 =	simm.s32 $0x9000;
	s25 =	rddreg [dreg:$0xb];
	[sflag:s20] =	ssyncadd.s32 $0xFFFF8000  }
0x1eb: {  	[hbm4b:s25+s3] =	stream.linear.scatter [tilespmem:s29], [sflag:$0x5], $0x8000, $0x38;
	[tilespmem:$0x19000] =	vst v63  }
0x1ec: {  	_ =	swait.ge [sflag:s21], $0x8000  }
0x1ed: {  	[sflag:s21] =	ssyncset.done $0x0  }
0x1ee: {  	[sflag:s21] =	ssyncadd.s32 $0xFFFF8000  }
0x1ef: {  	v3 =	vld [tilespmem:$0x480];
	_ =	sdelay $0x4  }
0x1f0: {  	v18 =	vshll.u32 v3, $0x3  }
0x1f1: {  	v3 =	vand.u32 $0x7, v3;
	v4 =	vand.u32 $0xFFFFFFC0, v18  }
0x1f2: {  	v3 =	vor.u32 v3, v4  }
0x1f3: {  	v4 =	vperm.xlane v3, v0;
	_ =	sdelay $0x1  }
0x1f4: {  	v4 =	vadd.s32 v1, v4;
	_ =	sdelay $0x3  }
0x1f5: {  	s8 =	simm.s32 $0x1000  }
0x1f6: {  	[tilespmem:s8], [sflag:$0x1] =	stream.indirect_vreg.gather [hbm4b:s2+s3], $0x80, v4, vm0, $0xb8;
	[tilespmem:$0x19000] =	vst v63  }
0x1f7: {  	s25 =	simm.s32 $0x1800;
	v3 =	vperm.xlane v3, v2  }
0x1f8: {  	[tilespmem:s25], [sflag:$0x1] =	stream.indirect_vreg.gather [hbm4b:s5+s3], $0x80, v4, vm0, $0xb8;
	[tilespmem:$0x19000] =	vst v63  }
0x1f9: {  	v3 =	vadd.s32 v1, v3  }
0x1fa: {  	[tilespmem:s19], [sflag:$0x1] =	stream.indirect_vreg.gather [hbm4b:s6+s3], $0x80, v4, vm0, $0xb8;
	[tilespmem:$0x19000] =	vst v63  }
0x1fb: {  	s25 =	simm.s32 $0x2800  }
0x1fc: {  	[tilespmem:s25], [sflag:$0x1] =	stream.indirect_vreg.gather [hbm4b:s7+s3], $0x80, v4, vm0, $0xb8;
	[tilespmem:$0x19000] =	vst v63  }
0x1fd: {  	s25 =	simm.s32 $0x3000  }
0x1fe: {  	[tilespmem:s25], [sflag:$0x1] =	stream.indirect_vreg.gather [hbm4b:s2+s3], $0x80, v3, vm0, $0xb8;
	[tilespmem:$0x19000] =	vst v63  }
0x1ff: {  	s25 =	simm.s32 $0x3800  }
0x200: {  	[tilespmem:s25], [sflag:$0x1] =	stream.indirect_vreg.gather [hbm4b:s5+s3], $0x80, v3, vm0, $0xb8;
	[tilespmem:$0x19000] =	vst v63  }
0x201: {  	s25 =	simm.s32 $0x4000  }
0x202: {  	[tilespmem:s25], [sflag:$0x1] =	stream.indirect_vreg.gather [hbm4b:s6+s3], $0x80, v3, vm0, $0xb8;
	[tilespmem:$0x19000] =	vst v63  }
0x203: {  	s25 =	simm.s32 $0x4800  }
0x204: {  	[tilespmem:s25], [sflag:$0x1] =	stream.indirect_vreg.gather [hbm4b:s7+s3], $0x80, v3, vm0, $0xb8;
	[tilespmem:$0x19000] =	vst v63  }
0x205: {  	v3 =	vld [tilespmem:$0x490];
	_ =	sdelay $0x4  }
0x206: {  	v19 =	vshll.u32 v3, $0x3  }
0x207: {  	v3 =	vand.u32 $0x7, v3;
	v4 =	vand.u32 $0xFFFFFFC0, v19  }
0x208: {  	v3 =	vor.u32 v3, v4  }
0x209: {  	v4 =	vperm.xlane v3, v0;
	_ =	sdelay $0x1  }
0x20a: {  	v4 =	vadd.s32 v1, v4;
	_ =	sdelay $0x3  }
0x20b: {  	s25 =	simm.s32 $0x5000  }
0x20c: {  	[tilespmem:s25], [sflag:$0x1] =	stream.indirect_vreg.gather [hbm4b:s2+s3], $0x80, v4, vm0, $0xb8;
	[tilespmem:$0x19000] =	vst v63  }
0x20d: {  	v3 =	vperm.xlane v3, v2;
	s25 =	simm.s32 $0x5800  }
0x20e: {  	[tilespmem:s25], [sflag:$0x1] =	stream.indirect_vreg.gather [hbm4b:s5+s3], $0x80, v4, vm0, $0xb8;
	[tilespmem:$0x19000] =	vst v63  }
0x20f: {  	v3 =	vadd.s32 v1, v3  }
0x210: {  	[tilespmem:s17], [sflag:$0x1] =	stream.indirect_vreg.gather [hbm4b:s6+s3], $0x80, v4, vm0, $0xb8;
	[tilespmem:$0x19000] =	vst v63  }
0x211: {  	_ = 	snop  }
0x212: {  	[tilespmem:s28], [sflag:$0x1] =	stream.indirect_vreg.gather [hbm4b:s7+s3], $0x80, v4, vm0, $0xb8;
	[tilespmem:$0x19000] =	vst v63  }
0x213: {  	s28 =	simm.s32 $0x7000  }
0x214: {  	[tilespmem:s28], [sflag:$0x1] =	stream.indirect_vreg.gather [hbm4b:s2+s3], $0x80, v3, vm0, $0xb8;
	[tilespmem:$0x19000] =	vst v63  }
0x215: {  	s19 =	simm.s32 $0x7800  }
0x216: {  	[tilespmem:s19], [sflag:$0x1] =	stream.indirect_vreg.gather [hbm4b:s5+s3], $0x80, v3, vm0, $0xb8;
	[tilespmem:$0x19000] =	vst v63  }
0x217: {  	s25 =	simm.s32 $0x8000  }
0x218: {  	[tilespmem:s25], [sflag:$0x1] =	stream.indirect_vreg.gather [hbm4b:s6+s3], $0x80, v3, vm0, $0xb8;
	[tilespmem:$0x19000] =	vst v63  }
0x219: {  	s28 =	simm.s32 $0x8800  }
0x21a: {  	[tilespmem:s28], [sflag:$0x1] =	stream.indirect_vreg.gather [hbm4b:s7+s3], $0x80, v3, vm0, $0xb8;
	[tilespmem:$0x19000] =	vst v63  }
0x21b: {  	_ =	swait.ge [sflag:s22], $0x8000  }
0x21c: {  	[sflag:s22] =	ssyncset.done $0x0  }
0x21d: {  	s0 =	simm.s32 $0x11000;
	s17 =	rddreg [dreg:$0xc];
	[sflag:s22] =	ssyncadd.s32 $0xFFFF8000  }
0x21e: {  	[hbm4b:s17+s3] =	stream.linear.scatter [tilespmem:s0], [sflag:$0x6], $0x8000, $0x38;
	[tilespmem:$0x19000] =	vst v63  }
0x21f: {  	_ =	swait.ge [sflag:s23], $0x8000  }
0x220: {  	[sflag:s23] =	ssyncset.done $0x0  }
0x221: {  	[sflag:s23] =	ssyncadd.s32 $0xFFFF8000  }
0x222: {  	v3 =	vld [tilespmem:$0x500];
	_ =	sdelay $0x4  }
0x223: {  	v20 =	vshll.u32 v3, $0x3  }
0x224: {  	v3 =	vand.u32 $0x7, v3;
	v4 =	vand.u32 $0xFFFFFFC0, v20  }
0x225: {  	v3 =	vor.u32 v3, v4  }
0x226: {  	v4 =	vperm.xlane v3, v0;
	_ =	sdelay $0x1  }
0x227: {  	v4 =	vadd.s32 v1, v4;
	_ =	sdelay $0x4  }
0x228: {  	[tilespmem:s29], [sflag:$0x2] =	stream.indirect_vreg.gather [hbm4b:s2+s3], $0x80, v4, vm0, $0xb8;
	[tilespmem:$0x19000] =	vst v63  }
0x229: {  	v3 =	vperm.xlane v3, v2  }
0x22a: {  	[tilespmem:s16], [sflag:$0x2] =	stream.indirect_vreg.gather [hbm4b:s5+s3], $0x80, v4, vm0, $0xb8;
	[tilespmem:$0x19000] =	vst v63  }
0x22b: {  	s19 =	simm.s32 $0xA000;
	v3 =	vadd.s32 v1, v3  }
0x22c: {  	[tilespmem:s19], [sflag:$0x2] =	stream.indirect_vreg.gather [hbm4b:s6+s3], $0x80, v4, vm0, $0xb8;
	[tilespmem:$0x19000] =	vst v63  }
0x22d: {  	s25 =	simm.s32 $0xA800  }
0x22e: {  	[tilespmem:s25], [sflag:$0x2] =	stream.indirect_vreg.gather [hbm4b:s7+s3], $0x80, v4, vm0, $0xb8;
	[tilespmem:$0x19000] =	vst v63  }
0x22f: {  	s28 =	simm.s32 $0xB000  }
0x230: {  	[tilespmem:s28], [sflag:$0x2] =	stream.indirect_vreg.gather [hbm4b:s2+s3], $0x80, v3, vm0, $0xb8;
	[tilespmem:$0x19000] =	vst v63  }
0x231: {  	s25 =	simm.s32 $0xB800  }
0x232: {  	[tilespmem:s25], [sflag:$0x2] =	stream.indirect_vreg.gather [hbm4b:s5+s3], $0x80, v3, vm0, $0xb8;
	[tilespmem:$0x19000] =	vst v63  }
0x233: {  	s28 =	simm.s32 $0xC000  }
0x234: {  	[tilespmem:s28], [sflag:$0x2] =	stream.indirect_vreg.gather [hbm4b:s6+s3], $0x80, v3, vm0, $0xb8;
	[tilespmem:$0x19000] =	vst v63  }
0x235: {  	_ = 	snop  }
0x236: {  	[tilespmem:s9], [sflag:$0x2] =	stream.indirect_vreg.gather [hbm4b:s7+s3], $0x80, v3, vm0, $0xb8;
	[tilespmem:$0x19000] =	vst v63  }
0x237: {  	v3 =	vld [tilespmem:$0x510];
	_ =	sdelay $0x4  }
0x238: {  	v21 =	vshll.u32 v3, $0x3  }
0x239: {  	v3 =	vand.u32 $0x7, v3;
	v4 =	vand.u32 $0xFFFFFFC0, v21  }
0x23a: {  	v3 =	vor.u32 v3, v4  }
0x23b: {  	v4 =	vperm.xlane v3, v0;
	_ =	sdelay $0x1  }
0x23c: {  	v4 =	vadd.s32 v1, v4;
	_ =	sdelay $0x4  }
0x23d: {  	[tilespmem:s1], [sflag:$0x2] =	stream.indirect_vreg.gather [hbm4b:s2+s3], $0x80, v4, vm0, $0xb8;
	[tilespmem:$0x19000] =	vst v63  }
0x23e: {  	v3 =	vperm.xlane v3, v2  }
0x23f: {  	[tilespmem:s4], [sflag:$0x2] =	stream.indirect_vreg.gather [hbm4b:s5+s3], $0x80, v4, vm0, $0xb8;
	[tilespmem:$0x19000] =	vst v63  }
0x240: {  	s9 =	simm.s32 $0xE000;
	v3 =	vadd.s32 v1, v3  }
0x241: {  	[tilespmem:s9], [sflag:$0x2] =	stream.indirect_vreg.gather [hbm4b:s6+s3], $0x80, v4, vm0, $0xb8;
	[tilespmem:$0x19000] =	vst v63  }
0x242: {  	s25 =	simm.s32 $0xE800  }
0x243: {  	[tilespmem:s25], [sflag:$0x2] =	stream.indirect_vreg.gather [hbm4b:s7+s3], $0x80, v4, vm0, $0xb8;
	[tilespmem:$0x19000] =	vst v63  }
0x244: {  	s13 =	simm.s32 $0xF000  }
0x245: {  	[tilespmem:s13], [sflag:$0x2] =	stream.indirect_vreg.gather [hbm4b:s2+s3], $0x80, v3, vm0, $0xb8;
	[tilespmem:$0x19000] =	vst v63  }
0x246: {  	s14 =	simm.s32 $0xF800  }
0x247: {  	[tilespmem:s14], [sflag:$0x2] =	stream.indirect_vreg.gather [hbm4b:s5+s3], $0x80, v3, vm0, $0xb8;
	[tilespmem:$0x19000] =	vst v63  }
0x248: {  	s15 =	simm.s32 $0x10000  }
0x249: {  	[tilespmem:s15], [sflag:$0x2] =	stream.indirect_vreg.gather [hbm4b:s6+s3], $0x80, v3, vm0, $0xb8;
	[tilespmem:$0x19000] =	vst v63  }
0x24a: {  	_ = 	snop  }
0x24b: {  	[tilespmem:s11], [sflag:$0x2] =	stream.indirect_vreg.gather [hbm4b:s7+s3], $0x80, v3, vm0, $0xb8;
	[tilespmem:$0x19000] =	vst v63  }
0x24c: {  	_ =	swait.ge [sflag:s18], $0x8000  }
0x24d: {  	[sflag:s18] =	ssyncset.done $0x0  }
0x24e: {  	s11 =	rddreg [dreg:$0xd];
	[sflag:s18] =	ssyncadd.s32 $0xFFFF8000  }
0x24f: {  	[hbm4b:s11+s3] =	stream.linear.scatter [tilespmem:s8], [sflag:$0x4], $0x8000, $0x38;
	[tilespmem:$0x19000] =	vst v63  }
0x250: {  	_ =	swait.ge [sflag:s24], $0x8000  }
0x251: {  	[sflag:s24] =	ssyncset.done $0x0  }
0x252: {  	[sflag:s24] =	ssyncadd.s32 $0xFFFF8000  }
0x253: {  	v3 =	vld [tilespmem:$0x580];
	_ =	sdelay $0x4  }
0x254: {  	v22 =	vshll.u32 v3, $0x3  }
0x255: {  	v3 =	vand.u32 $0x7, v3;
	v4 =	vand.u32 $0xFFFFFFC0, v22  }
0x256: {  	v3 =	vor.u32 v3, v4  }
0x257: {  	v4 =	vperm.xlane v3, v0;
	_ =	sdelay $0x1  }
0x258: {  	v4 =	vadd.s32 v1, v4;
	_ =	sdelay $0x4  }
0x259: {  	[tilespmem:s0], [sflag:$0x3] =	stream.indirect_vreg.gather [hbm4b:s2+s3], $0x80, v4, vm0, $0xb8;
	[tilespmem:$0x19000] =	vst v63  }
0x25a: {  	v3 =	vperm.xlane v3, v2  }
0x25b: {  	[tilespmem:s12], [sflag:$0x3] =	stream.indirect_vreg.gather [hbm4b:s5+s3], $0x80, v4, vm0, $0xb8;
	[tilespmem:$0x19000] =	vst v63  }
0x25c: {  	s30 =	simm.s32 $0x12000;
	v3 =	vadd.s32 v1, v3  }
0x25d: {  	[tilespmem:s30], [sflag:$0x3] =	stream.indirect_vreg.gather [hbm4b:s6+s3], $0x80, v4, vm0, $0xb8;
	[tilespmem:$0x19000] =	vst v63  }
0x25e: {  	s31 =	simm.s32 $0x12800  }
0x25f: {  	[tilespmem:s31], [sflag:$0x3] =	stream.indirect_vreg.gather [hbm4b:s7+s3], $0x80, v4, vm0, $0xb8;
	[tilespmem:$0x19000] =	vst v63  }
0x260: {  	s10 =	simm.s32 $0x13000  }
0x261: {  	[tilespmem:s10], [sflag:$0x3] =	stream.indirect_vreg.gather [hbm4b:s2+s3], $0x80, v3, vm0, $0xb8;
	[tilespmem:$0x19000] =	vst v63  }
0x262: {  	s26 =	simm.s32 $0x13800  }
0x263: {  	[tilespmem:s26], [sflag:$0x3] =	stream.indirect_vreg.gather [hbm4b:s5+s3], $0x80, v3, vm0, $0xb8;
	[tilespmem:$0x19000] =	vst v63  }
0x264: {  	s26 =	simm.s32 $0x14000  }
0x265: {  	[tilespmem:s26], [sflag:$0x3] =	stream.indirect_vreg.gather [hbm4b:s6+s3], $0x80, v3, vm0, $0xb8;
	[tilespmem:$0x19000] =	vst v63  }
0x266: {  	s25 =	simm.s32 $0x14800  }
0x267: {  	[tilespmem:s25], [sflag:$0x3] =	stream.indirect_vreg.gather [hbm4b:s7+s3], $0x80, v3, vm0, $0xb8;
	[tilespmem:$0x19000] =	vst v63  }
0x268: {  	v3 =	vld [tilespmem:$0x590];
	_ =	sdelay $0x4  }
0x269: {  	v23 =	vshll.u32 v3, $0x3  }
0x26a: {  	v3 =	vand.u32 $0x7, v3;
	v4 =	vand.u32 $0xFFFFFFC0, v23  }
0x26b: {  	v3 =	vor.u32 v3, v4  }
0x26c: {  	v4 =	vperm.xlane v3, v0;
	_ =	sdelay $0x1  }
0x26d: {  	v4 =	vadd.s32 v1, v4;
	_ =	sdelay $0x3  }
0x26e: {  	s25 =	simm.s32 $0x15000  }
0x26f: {  	[tilespmem:s25], [sflag:$0x3] =	stream.indirect_vreg.gather [hbm4b:s2+s3], $0x80, v4, vm0, $0xb8;
	[tilespmem:$0x19000] =	vst v63  }
0x270: {  	v3 =	vperm.xlane v3, v2;
	s25 =	simm.s32 $0x15800  }
0x271: {  	[tilespmem:s25], [sflag:$0x3] =	stream.indirect_vreg.gather [hbm4b:s5+s3], $0x80, v4, vm0, $0xb8;
	[tilespmem:$0x19000] =	vst v63  }
0x272: {  	v3 =	vadd.s32 v1, v3;
	s25 =	simm.s32 $0x16000  }
0x273: {  	[tilespmem:s25], [sflag:$0x3] =	stream.indirect_vreg.gather [hbm4b:s6+s3], $0x80, v4, vm0, $0xb8;
	[tilespmem:$0x19000] =	vst v63  }
0x274: {  	s25 =	simm.s32 $0x16800  }
0x275: {  	[tilespmem:s25], [sflag:$0x3] =	stream.indirect_vreg.gather [hbm4b:s7+s3], $0x80, v4, vm0, $0xb8;
	[tilespmem:$0x19000] =	vst v63  }
0x276: {  	s25 =	simm.s32 $0x17000  }
0x277: {  	[tilespmem:s25], [sflag:$0x3] =	stream.indirect_vreg.gather [hbm4b:s2+s3], $0x80, v3, vm0, $0xb8;
	[tilespmem:$0x19000] =	vst v63  }
0x278: {  	s25 =	simm.s32 $0x17800  }
0x279: {  	[tilespmem:s25], [sflag:$0x3] =	stream.indirect_vreg.gather [hbm4b:s5+s3], $0x80, v3, vm0, $0xb8;
	[tilespmem:$0x19000] =	vst v63  }
0x27a: {  	s25 =	simm.s32 $0x18000  }
0x27b: {  	[tilespmem:s25], [sflag:$0x3] =	stream.indirect_vreg.gather [hbm4b:s6+s3], $0x80, v3, vm0, $0xb8;
	[tilespmem:$0x19000] =	vst v63  }
0x27c: {  	s25 =	simm.s32 $0x18800  }
0x27d: {  	[tilespmem:s25], [sflag:$0x3] =	stream.indirect_vreg.gather [hbm4b:s7+s3], $0x80, v3, vm0, $0xb8;
	[tilespmem:$0x19000] =	vst v63  }
0x27e: {  	_ =	swait.ge [sflag:s20], $0x8000  }
0x27f: {  	[sflag:s20] =	ssyncset.done $0x0  }
0x280: {  	s25 =	rddreg [dreg:$0xe];
	[sflag:s20] =	ssyncadd.s32 $0xFFFF8000  }
0x281: {  	[hbm4b:s25+s3] =	stream.linear.scatter [tilespmem:s29], [sflag:$0x5], $0x8000, $0x38;
	[tilespmem:$0x19000] =	vst v63  }
0x282: {  	_ =	swait.ge [sflag:s21], $0x8000  }
0x283: {  	[sflag:s21] =	ssyncset.done $0x0  }
0x284: {  	[sflag:s21] =	ssyncadd.s32 $0xFFFF8000  }
0x285: {  	v3 =	vld [tilespmem:$0x600];
	_ =	sdelay $0x4  }
0x286: {  	v24 =	vshll.u32 v3, $0x3  }
0x287: {  	v3 =	vand.u32 $0x7, v3;
	v4 =	vand.u32 $0xFFFFFFC0, v24  }
0x288: {  	v3 =	vor.u32 v3, v4  }
0x289: {  	v4 =	vperm.xlane v3, v0;
	_ =	sdelay $0x1  }
0x28a: {  	v4 =	vadd.s32 v1, v4;
	_ =	sdelay $0x4  }
0x28b: {  	[tilespmem:s8], [sflag:$0x1] =	stream.indirect_vreg.gather [hbm4b:s2+s3], $0x80, v4, vm0, $0xb8;
	[tilespmem:$0x19000] =	vst v63  }
0x28c: {  	s25 =	simm.s32 $0x1800;
	v3 =	vperm.xlane v3, v2  }
0x28d: {  	[tilespmem:s25], [sflag:$0x1] =	stream.indirect_vreg.gather [hbm4b:s5+s3], $0x80, v4, vm0, $0xb8;
	[tilespmem:$0x19000] =	vst v63  }
0x28e: {  	v3 =	vadd.s32 v1, v3;
	s25 =	simm.s32 $0x2000  }
0x28f: {  	[tilespmem:s25], [sflag:$0x1] =	stream.indirect_vreg.gather [hbm4b:s6+s3], $0x80, v4, vm0, $0xb8;
	[tilespmem:$0x19000] =	vst v63  }
0x290: {  	s25 =	simm.s32 $0x2800  }
0x291: {  	[tilespmem:s25], [sflag:$0x1] =	stream.indirect_vreg.gather [hbm4b:s7+s3], $0x80, v4, vm0, $0xb8;
	[tilespmem:$0x19000] =	vst v63  }
0x292: {  	s25 =	simm.s32 $0x3000  }
0x293: {  	[tilespmem:s25], [sflag:$0x1] =	stream.indirect_vreg.gather [hbm4b:s2+s3], $0x80, v3, vm0, $0xb8;
	[tilespmem:$0x19000] =	vst v63  }
0x294: {  	s25 =	simm.s32 $0x3800  }
0x295: {  	[tilespmem:s25], [sflag:$0x1] =	stream.indirect_vreg.gather [hbm4b:s5+s3], $0x80, v3, vm0, $0xb8;
	[tilespmem:$0x19000] =	vst v63  }
0x296: {  	s25 =	simm.s32 $0x4000  }
0x297: {  	[tilespmem:s25], [sflag:$0x1] =	stream.indirect_vreg.gather [hbm4b:s6+s3], $0x80, v3, vm0, $0xb8;
	[tilespmem:$0x19000] =	vst v63  }
0x298: {  	s25 =	simm.s32 $0x4800  }
0x299: {  	[tilespmem:s25], [sflag:$0x1] =	stream.indirect_vreg.gather [hbm4b:s7+s3], $0x80, v3, vm0, $0xb8;
	[tilespmem:$0x19000] =	vst v63  }
0x29a: {  	v3 =	vld [tilespmem:$0x610];
	_ =	sdelay $0x4  }
0x29b: {  	v25 =	vshll.u32 v3, $0x3  }
0x29c: {  	v3 =	vand.u32 $0x7, v3;
	v4 =	vand.u32 $0xFFFFFFC0, v25  }
0x29d: {  	v3 =	vor.u32 v3, v4  }
0x29e: {  	v4 =	vperm.xlane v3, v0;
	_ =	sdelay $0x1  }
0x29f: {  	v4 =	vadd.s32 v1, v4;
	_ =	sdelay $0x3  }
0x2a0: {  	s25 =	simm.s32 $0x5000  }
0x2a1: {  	[tilespmem:s25], [sflag:$0x1] =	stream.indirect_vreg.gather [hbm4b:s2+s3], $0x80, v4, vm0, $0xb8;
	[tilespmem:$0x19000] =	vst v63  }
0x2a2: {  	v3 =	vperm.xlane v3, v2;
	s25 =	simm.s32 $0x5800  }
0x2a3: {  	[tilespmem:s25], [sflag:$0x1] =	stream.indirect_vreg.gather [hbm4b:s5+s3], $0x80, v4, vm0, $0xb8;
	[tilespmem:$0x19000] =	vst v63  }
0x2a4: {  	v3 =	vadd.s32 v1, v3;
	s25 =	simm.s32 $0x6000  }
0x2a5: {  	[tilespmem:s25], [sflag:$0x1] =	stream.indirect_vreg.gather [hbm4b:s6+s3], $0x80, v4, vm0, $0xb8;
	[tilespmem:$0x19000] =	vst v63  }
0x2a6: {  	s25 =	simm.s32 $0x6800  }
0x2a7: {  	[tilespmem:s25], [sflag:$0x1] =	stream.indirect_vreg.gather [hbm4b:s7+s3], $0x80, v4, vm0, $0xb8;
	[tilespmem:$0x19000] =	vst v63  }
0x2a8: {  	s25 =	simm.s32 $0x7000  }
0x2a9: {  	[tilespmem:s25], [sflag:$0x1] =	stream.indirect_vreg.gather [hbm4b:s2+s3], $0x80, v3, vm0, $0xb8;
	[tilespmem:$0x19000] =	vst v63  }
0x2aa: {  	s25 =	simm.s32 $0x7800  }
0x2ab: {  	[tilespmem:s25], [sflag:$0x1] =	stream.indirect_vreg.gather [hbm4b:s5+s3], $0x80, v3, vm0, $0xb8;
	[tilespmem:$0x19000] =	vst v63  }
0x2ac: {  	s25 =	simm.s32 $0x8000  }
0x2ad: {  	[tilespmem:s25], [sflag:$0x1] =	stream.indirect_vreg.gather [hbm4b:s6+s3], $0x80, v3, vm0, $0xb8;
	[tilespmem:$0x19000] =	vst v63  }
0x2ae: {  	s25 =	simm.s32 $0x8800  }
0x2af: {  	[tilespmem:s25], [sflag:$0x1] =	stream.indirect_vreg.gather [hbm4b:s7+s3], $0x80, v3, vm0, $0xb8;
	[tilespmem:$0x19000] =	vst v63  }
0x2b0: {  	_ =	swait.ge [sflag:s22], $0x8000  }
0x2b1: {  	[sflag:s22] =	ssyncset.done $0x0  }
0x2b2: {  	s25 =	rddreg [dreg:$0xf];
	[sflag:s22] =	ssyncadd.s32 $0xFFFF8000  }
0x2b3: {  	[hbm4b:s25+s3] =	stream.linear.scatter [tilespmem:s0], [sflag:$0x6], $0x8000, $0x38;
	[tilespmem:$0x19000] =	vst v63  }
0x2b4: {  	_ =	swait.ge [sflag:s23], $0x8000  }
0x2b5: {  	[sflag:s23] =	ssyncset.done $0x0  }
0x2b6: {  	[sflag:s23] =	ssyncadd.s32 $0xFFFF8000  }
0x2b7: {  	v3 =	vld [tilespmem:$0x680];
	_ =	sdelay $0x4  }
0x2b8: {  	v26 =	vshll.u32 v3, $0x3  }
0x2b9: {  	v3 =	vand.u32 $0x7, v3;
	v4 =	vand.u32 $0xFFFFFFC0, v26  }
0x2ba: {  	v3 =	vor.u32 v3, v4  }
0x2bb: {  	v4 =	vperm.xlane v3, v0;
	_ =	sdelay $0x1  }
0x2bc: {  	v4 =	vadd.s32 v1, v4;
	_ =	sdelay $0x4  }
0x2bd: {  	[tilespmem:s29], [sflag:$0x2] =	stream.indirect_vreg.gather [hbm4b:s2+s3], $0x80, v4, vm0, $0xb8;
	[tilespmem:$0x19000] =	vst v63  }
0x2be: {  	s17 =	simm.s32 $0x9800;
	v3 =	vperm.xlane v3, v2  }
0x2bf: {  	[tilespmem:s17], [sflag:$0x2] =	stream.indirect_vreg.gather [hbm4b:s5+s3], $0x80, v4, vm0, $0xb8;
	[tilespmem:$0x19000] =	vst v63  }
0x2c0: {  	s16 =	simm.s32 $0xA000;
	v3 =	vadd.s32 v1, v3  }
0x2c1: {  	[tilespmem:s16], [sflag:$0x2] =	stream.indirect_vreg.gather [hbm4b:s6+s3], $0x80, v4, vm0, $0xb8;
	[tilespmem:$0x19000] =	vst v63  }
0x2c2: {  	s25 =	simm.s32 $0xA800  }
0x2c3: {  	[tilespmem:s25], [sflag:$0x2] =	stream.indirect_vreg.gather [hbm4b:s7+s3], $0x80, v4, vm0, $0xb8;
	[tilespmem:$0x19000] =	vst v63  }
0x2c4: {  	s25 =	simm.s32 $0xB000  }
0x2c5: {  	[tilespmem:s25], [sflag:$0x2] =	stream.indirect_vreg.gather [hbm4b:s2+s3], $0x80, v3, vm0, $0xb8;
	[tilespmem:$0x19000] =	vst v63  }
0x2c6: {  	s25 =	simm.s32 $0xB800  }
0x2c7: {  	[tilespmem:s25], [sflag:$0x2] =	stream.indirect_vreg.gather [hbm4b:s5+s3], $0x80, v3, vm0, $0xb8;
	[tilespmem:$0x19000] =	vst v63  }
0x2c8: {  	s25 =	simm.s32 $0xC000  }
0x2c9: {  	[tilespmem:s25], [sflag:$0x2] =	stream.indirect_vreg.gather [hbm4b:s6+s3], $0x80, v3, vm0, $0xb8;
	[tilespmem:$0x19000] =	vst v63  }
0x2ca: {  	s19 =	simm.s32 $0xC800  }
0x2cb: {  	[tilespmem:s19], [sflag:$0x2] =	stream.indirect_vreg.gather [hbm4b:s7+s3], $0x80, v3, vm0, $0xb8;
	[tilespmem:$0x19000] =	vst v63  }
0x2cc: {  	v3 =	vld [tilespmem:$0x690];
	_ =	sdelay $0x4  }
0x2cd: {  	v27 =	vshll.u32 v3, $0x3  }
0x2ce: {  	v3 =	vand.u32 $0x7, v3;
	v4 =	vand.u32 $0xFFFFFFC0, v27  }
0x2cf: {  	v3 =	vor.u32 v3, v4  }
0x2d0: {  	v4 =	vperm.xlane v3, v0;
	_ =	sdelay $0x1  }
0x2d1: {  	v4 =	vadd.s32 v1, v4;
	_ =	sdelay $0x3  }
0x2d2: {  	s28 =	simm.s32 $0xD000  }
0x2d3: {  	[tilespmem:s28], [sflag:$0x2] =	stream.indirect_vreg.gather [hbm4b:s2+s3], $0x80, v4, vm0, $0xb8;
	[tilespmem:$0x19000] =	vst v63  }
0x2d4: {  	s1 =	simm.s32 $0xD800;
	v3 =	vperm.xlane v3, v2  }
0x2d5: {  	[tilespmem:s1], [sflag:$0x2] =	stream.indirect_vreg.gather [hbm4b:s5+s3], $0x80, v4, vm0, $0xb8;
	[tilespmem:$0x19000] =	vst v63  }
0x2d6: {  	s4 =	simm.s32 $0xE000;
	v3 =	vadd.s32 v1, v3  }
0x2d7: {  	[tilespmem:s4], [sflag:$0x2] =	stream.indirect_vreg.gather [hbm4b:s6+s3], $0x80, v4, vm0, $0xb8;
	[tilespmem:$0x19000] =	vst v63  }
0x2d8: {  	s9 =	simm.s32 $0xE800  }
0x2d9: {  	[tilespmem:s9], [sflag:$0x2] =	stream.indirect_vreg.gather [hbm4b:s7+s3], $0x80, v4, vm0, $0xb8;
	[tilespmem:$0x19000] =	vst v63  }
0x2da: {  	s13 =	simm.s32 $0xF000  }
0x2db: {  	[tilespmem:s13], [sflag:$0x2] =	stream.indirect_vreg.gather [hbm4b:s2+s3], $0x80, v3, vm0, $0xb8;
	[tilespmem:$0x19000] =	vst v63  }
0x2dc: {  	s14 =	simm.s32 $0xF800  }
0x2dd: {  	[tilespmem:s14], [sflag:$0x2] =	stream.indirect_vreg.gather [hbm4b:s5+s3], $0x80, v3, vm0, $0xb8;
	[tilespmem:$0x19000] =	vst v63  }
0x2de: {  	s25 =	simm.s32 $0x10000  }
0x2df: {  	[tilespmem:s25], [sflag:$0x2] =	stream.indirect_vreg.gather [hbm4b:s6+s3], $0x80, v3, vm0, $0xb8;
	[tilespmem:$0x19000] =	vst v63  }
0x2e0: {  	s15 =	simm.s32 $0x10800  }
0x2e1: {  	[tilespmem:s15], [sflag:$0x2] =	stream.indirect_vreg.gather [hbm4b:s7+s3], $0x80, v3, vm0, $0xb8;
	[tilespmem:$0x19000] =	vst v63  }
0x2e2: {  	_ =	swait.ge [sflag:s18], $0x8000  }
0x2e3: {  	[sflag:s18] =	ssyncset.done $0x0  }
0x2e4: {  	s15 =	rddreg [dreg:$0x10];
	[sflag:s18] =	ssyncadd.s32 $0xFFFF8000  }
0x2e5: {  	[hbm4b:s15+s3] =	stream.linear.scatter [tilespmem:s8], [sflag:$0x4], $0x8000, $0x38;
	[tilespmem:$0x19000] =	vst v63  }
0x2e6: {  	_ =	swait.ge [sflag:s24], $0x8000  }
0x2e7: {  	[sflag:s24] =	ssyncset.done $0x0  }
0x2e8: {  	[sflag:s24] =	ssyncadd.s32 $0xFFFF8000  }
0x2e9: {  	v3 =	vld [tilespmem:$0x700];
	_ =	sdelay $0x4  }
0x2ea: {  	v28 =	vshll.u32 v3, $0x3  }
0x2eb: {  	v3 =	vand.u32 $0x7, v3;
	v4 =	vand.u32 $0xFFFFFFC0, v28  }
0x2ec: {  	v3 =	vor.u32 v3, v4  }
0x2ed: {  	v4 =	vperm.xlane v3, v0;
	_ =	sdelay $0x1  }
0x2ee: {  	v4 =	vadd.s32 v1, v4;
	_ =	sdelay $0x4  }
0x2ef: {  	[tilespmem:s0], [sflag:$0x3] =	stream.indirect_vreg.gather [hbm4b:s2+s3], $0x80, v4, vm0, $0xb8;
	[tilespmem:$0x19000] =	vst v63  }
0x2f0: {  	v3 =	vperm.xlane v3, v2  }
0x2f1: {  	[tilespmem:s12], [sflag:$0x3] =	stream.indirect_vreg.gather [hbm4b:s5+s3], $0x80, v4, vm0, $0xb8;
	[tilespmem:$0x19000] =	vst v63  }
0x2f2: {  	s11 =	simm.s32 $0x12000;
	v3 =	vadd.s32 v1, v3  }
0x2f3: {  	[tilespmem:s11], [sflag:$0x3] =	stream.indirect_vreg.gather [hbm4b:s6+s3], $0x80, v4, vm0, $0xb8;
	[tilespmem:$0x19000] =	vst v63  }
0x2f4: {  	s30 =	simm.s32 $0x12800  }
0x2f5: {  	[tilespmem:s30], [sflag:$0x3] =	stream.indirect_vreg.gather [hbm4b:s7+s3], $0x80, v4, vm0, $0xb8;
	[tilespmem:$0x19000] =	vst v63  }
0x2f6: {  	s31 =	simm.s32 $0x13000  }
0x2f7: {  	[tilespmem:s31], [sflag:$0x3] =	stream.indirect_vreg.gather [hbm4b:s2+s3], $0x80, v3, vm0, $0xb8;
	[tilespmem:$0x19000] =	vst v63  }
0x2f8: {  	s10 =	simm.s32 $0x13800  }
0x2f9: {  	[tilespmem:s10], [sflag:$0x3] =	stream.indirect_vreg.gather [hbm4b:s5+s3], $0x80, v3, vm0, $0xb8;
	[tilespmem:$0x19000] =	vst v63  }
0x2fa: {  	s26 =	simm.s32 $0x14000  }
0x2fb: {  	[tilespmem:s26], [sflag:$0x3] =	stream.indirect_vreg.gather [hbm4b:s6+s3], $0x80, v3, vm0, $0xb8;
	[tilespmem:$0x19000] =	vst v63  }
0x2fc: {  	s26 =	simm.s32 $0x14800  }
0x2fd: {  	[tilespmem:s26], [sflag:$0x3] =	stream.indirect_vreg.gather [hbm4b:s7+s3], $0x80, v3, vm0, $0xb8;
	[tilespmem:$0x19000] =	vst v63  }
0x2fe: {  	v3 =	vld [tilespmem:$0x710];
	_ =	sdelay $0x4  }
0x2ff: {  	v29 =	vshll.u32 v3, $0x3  }
0x300: {  	v3 =	vand.u32 $0x7, v3;
	v4 =	vand.u32 $0xFFFFFFC0, v29  }
0x301: {  	v3 =	vor.u32 v3, v4  }
0x302: {  	v4 =	vperm.xlane v3, v0;
	_ =	sdelay $0x1  }
0x303: {  	v4 =	vadd.s32 v1, v4;
	_ =	sdelay $0x3  }
0x304: {  	s30 =	simm.s32 $0x15000  }
0x305: {  	[tilespmem:s30], [sflag:$0x3] =	stream.indirect_vreg.gather [hbm4b:s2+s3], $0x80, v4, vm0, $0xb8;
	[tilespmem:$0x19000] =	vst v63  }
0x306: {  	s26 =	simm.s32 $0x15800;
	v3 =	vperm.xlane v3, v2  }
0x307: {  	[tilespmem:s26], [sflag:$0x3] =	stream.indirect_vreg.gather [hbm4b:s5+s3], $0x80, v4, vm0, $0xb8;
	[tilespmem:$0x19000] =	vst v63  }
0x308: {  	v3 =	vadd.s32 v1, v3;
	s30 =	simm.s32 $0x16000  }
0x309: {  	[tilespmem:s30], [sflag:$0x3] =	stream.indirect_vreg.gather [hbm4b:s6+s3], $0x80, v4, vm0, $0xb8;
	[tilespmem:$0x19000] =	vst v63  }
0x30a: {  	s26 =	simm.s32 $0x16800  }
0x30b: {  	[tilespmem:s26], [sflag:$0x3] =	stream.indirect_vreg.gather [hbm4b:s7+s3], $0x80, v4, vm0, $0xb8;
	[tilespmem:$0x19000] =	vst v63  }
0x30c: {  	s26 =	simm.s32 $0x17000  }
0x30d: {  	[tilespmem:s26], [sflag:$0x3] =	stream.indirect_vreg.gather [hbm4b:s2+s3], $0x80, v3, vm0, $0xb8;
	[tilespmem:$0x19000] =	vst v63  }
0x30e: {  	s25 =	simm.s32 $0x17800  }
0x30f: {  	[tilespmem:s25], [sflag:$0x3] =	stream.indirect_vreg.gather [hbm4b:s5+s3], $0x80, v3, vm0, $0xb8;
	[tilespmem:$0x19000] =	vst v63  }
0x310: {  	s25 =	simm.s32 $0x18000  }
0x311: {  	[tilespmem:s25], [sflag:$0x3] =	stream.indirect_vreg.gather [hbm4b:s6+s3], $0x80, v3, vm0, $0xb8;
	[tilespmem:$0x19000] =	vst v63  }
0x312: {  	s25 =	simm.s32 $0x18800  }
0x313: {  	[tilespmem:s25], [sflag:$0x3] =	stream.indirect_vreg.gather [hbm4b:s7+s3], $0x80, v3, vm0, $0xb8;
	[tilespmem:$0x19000] =	vst v63  }
0x314: {  	_ =	swait.ge [sflag:s20], $0x8000  }
0x315: {  	[sflag:s20] =	ssyncset.done $0x0  }
0x316: {  	s25 =	rddreg [dreg:$0x11];
	[sflag:s20] =	ssyncadd.s32 $0xFFFF8000  }
0x317: {  	[hbm4b:s25+s3] =	stream.linear.scatter [tilespmem:s29], [sflag:$0x5], $0x8000, $0x38;
	[tilespmem:$0x19000] =	vst v63  }
0x318: {  	_ =	swait.ge [sflag:s21], $0x8000  }
0x319: {  	[sflag:s21] =	ssyncset.done $0x0  }
0x31a: {  	[sflag:s21] =	ssyncadd.s32 $0xFFFF8000  }
0x31b: {  	v3 =	vld [tilespmem:$0x780];
	_ =	sdelay $0x4  }
0x31c: {  	v30 =	vshll.u32 v3, $0x3  }
0x31d: {  	v3 =	vand.u32 $0x7, v3;
	v4 =	vand.u32 $0xFFFFFFC0, v30  }
0x31e: {  	v3 =	vor.u32 v3, v4  }
0x31f: {  	v4 =	vperm.xlane v3, v0;
	_ =	sdelay $0x1  }
0x320: {  	v4 =	vadd.s32 v1, v4;
	_ =	sdelay $0x4  }
0x321: {  	[tilespmem:s8], [sflag:$0x1] =	stream.indirect_vreg.gather [hbm4b:s2+s3], $0x80, v4, vm0, $0xb8;
	[tilespmem:$0x19000] =	vst v63  }
0x322: {  	s25 =	simm.s32 $0x1800;
	v3 =	vperm.xlane v3, v2  }
0x323: {  	[tilespmem:s25], [sflag:$0x1] =	stream.indirect_vreg.gather [hbm4b:s5+s3], $0x80, v4, vm0, $0xb8;
	[tilespmem:$0x19000] =	vst v63  }
0x324: {  	v3 =	vadd.s32 v1, v3;
	s25 =	simm.s32 $0x2000  }
0x325: {  	[tilespmem:s25], [sflag:$0x1] =	stream.indirect_vreg.gather [hbm4b:s6+s3], $0x80, v4, vm0, $0xb8;
	[tilespmem:$0x19000] =	vst v63  }
0x326: {  	s25 =	simm.s32 $0x2800  }
0x327: {  	[tilespmem:s25], [sflag:$0x1] =	stream.indirect_vreg.gather [hbm4b:s7+s3], $0x80, v4, vm0, $0xb8;
	[tilespmem:$0x19000] =	vst v63  }
0x328: {  	s25 =	simm.s32 $0x3000  }
0x329: {  	[tilespmem:s25], [sflag:$0x1] =	stream.indirect_vreg.gather [hbm4b:s2+s3], $0x80, v3, vm0, $0xb8;
	[tilespmem:$0x19000] =	vst v63  }
0x32a: {  	s25 =	simm.s32 $0x3800  }
0x32b: {  	[tilespmem:s25], [sflag:$0x1] =	stream.indirect_vreg.gather [hbm4b:s5+s3], $0x80, v3, vm0, $0xb8;
	[tilespmem:$0x19000] =	vst v63  }
0x32c: {  	s25 =	simm.s32 $0x4000  }
0x32d: {  	[tilespmem:s25], [sflag:$0x1] =	stream.indirect_vreg.gather [hbm4b:s6+s3], $0x80, v3, vm0, $0xb8;
	[tilespmem:$0x19000] =	vst v63  }
0x32e: {  	s25 =	simm.s32 $0x4800  }
0x32f: {  	[tilespmem:s25], [sflag:$0x1] =	stream.indirect_vreg.gather [hbm4b:s7+s3], $0x80, v3, vm0, $0xb8;
	[tilespmem:$0x19000] =	vst v63  }
0x330: {  	v3 =	vld [tilespmem:$0x790];
	_ =	sdelay $0x4  }
0x331: {  	v31 =	vshll.u32 v3, $0x3  }
0x332: {  	v3 =	vand.u32 $0x7, v3;
	v4 =	vand.u32 $0xFFFFFFC0, v31  }
0x333: {  	v3 =	vor.u32 v3, v4  }
0x334: {  	v4 =	vperm.xlane v3, v0;
	_ =	sdelay $0x1  }
0x335: {  	v4 =	vadd.s32 v1, v4;
	_ =	sdelay $0x3  }
0x336: {  	s25 =	simm.s32 $0x5000  }
0x337: {  	[tilespmem:s25], [sflag:$0x1] =	stream.indirect_vreg.gather [hbm4b:s2+s3], $0x80, v4, vm0, $0xb8;
	[tilespmem:$0x19000] =	vst v63  }
0x338: {  	v3 =	vperm.xlane v3, v2;
	s25 =	simm.s32 $0x5800  }
0x339: {  	[tilespmem:s25], [sflag:$0x1] =	stream.indirect_vreg.gather [hbm4b:s5+s3], $0x80, v4, vm0, $0xb8;
	[tilespmem:$0x19000] =	vst v63  }
0x33a: {  	v3 =	vadd.s32 v1, v3;
	s25 =	simm.s32 $0x6000  }
0x33b: {  	[tilespmem:s25], [sflag:$0x1] =	stream.indirect_vreg.gather [hbm4b:s6+s3], $0x80, v4, vm0, $0xb8;
	[tilespmem:$0x19000] =	vst v63  }
0x33c: {  	s25 =	simm.s32 $0x6800  }
0x33d: {  	[tilespmem:s25], [sflag:$0x1] =	stream.indirect_vreg.gather [hbm4b:s7+s3], $0x80, v4, vm0, $0xb8;
	[tilespmem:$0x19000] =	vst v63  }
0x33e: {  	s25 =	simm.s32 $0x7000  }
0x33f: {  	[tilespmem:s25], [sflag:$0x1] =	stream.indirect_vreg.gather [hbm4b:s2+s3], $0x80, v3, vm0, $0xb8;
	[tilespmem:$0x19000] =	vst v63  }
0x340: {  	s25 =	simm.s32 $0x7800  }
0x341: {  	[tilespmem:s25], [sflag:$0x1] =	stream.indirect_vreg.gather [hbm4b:s5+s3], $0x80, v3, vm0, $0xb8;
	[tilespmem:$0x19000] =	vst v63  }
0x342: {  	s25 =	simm.s32 $0x8000  }
0x343: {  	[tilespmem:s25], [sflag:$0x1] =	stream.indirect_vreg.gather [hbm4b:s6+s3], $0x80, v3, vm0, $0xb8;
	[tilespmem:$0x19000] =	vst v63  }
0x344: {  	s25 =	simm.s32 $0x8800  }
0x345: {  	[tilespmem:s25], [sflag:$0x1] =	stream.indirect_vreg.gather [hbm4b:s7+s3], $0x80, v3, vm0, $0xb8;
	[tilespmem:$0x19000] =	vst v63  }
0x346: {  	_ =	swait.ge [sflag:s22], $0x8000  }
0x347: {  	[sflag:s22] =	ssyncset.done $0x0  }
0x348: {  	s25 =	rddreg [dreg:$0x12];
	[sflag:s22] =	ssyncadd.s32 $0xFFFF8000  }
0x349: {  	[hbm4b:s25+s3] =	stream.linear.scatter [tilespmem:s0], [sflag:$0x6], $0x8000, $0x38;
	[tilespmem:$0x19000] =	vst v63  }
0x34a: {  	_ =	swait.ge [sflag:s23], $0x8000  }
0x34b: {  	[sflag:s23] =	ssyncset.done $0x0  }
0x34c: {  	[sflag:s23] =	ssyncadd.s32 $0xFFFF8000  }
0x34d: {  	v3 =	vld [tilespmem:$0x800];
	_ =	sdelay $0x4  }
0x34e: {  	v32 =	vshll.u32 v3, $0x3  }
0x34f: {  	v3 =	vand.u32 $0x7, v3;
	v4 =	vand.u32 $0xFFFFFFC0, v32  }
0x350: {  	v3 =	vor.u32 v3, v4  }
0x351: {  	v4 =	vperm.xlane v3, v0;
	_ =	sdelay $0x1  }
0x352: {  	v4 =	vadd.s32 v1, v4;
	_ =	sdelay $0x4  }
0x353: {  	[tilespmem:s29], [sflag:$0x2] =	stream.indirect_vreg.gather [hbm4b:s2+s3], $0x80, v4, vm0, $0xb8;
	[tilespmem:$0x19000] =	vst v63  }
0x354: {  	s17 =	simm.s32 $0x9800;
	v3 =	vperm.xlane v3, v2  }
0x355: {  	[tilespmem:s17], [sflag:$0x2] =	stream.indirect_vreg.gather [hbm4b:s5+s3], $0x80, v4, vm0, $0xb8;
	[tilespmem:$0x19000] =	vst v63  }
0x356: {  	s25 =	simm.s32 $0xA000;
	v3 =	vadd.s32 v1, v3  }
0x357: {  	[tilespmem:s25], [sflag:$0x2] =	stream.indirect_vreg.gather [hbm4b:s6+s3], $0x80, v4, vm0, $0xb8;
	[tilespmem:$0x19000] =	vst v63  }
0x358: {  	s25 =	simm.s32 $0xA800  }
0x359: {  	[tilespmem:s25], [sflag:$0x2] =	stream.indirect_vreg.gather [hbm4b:s7+s3], $0x80, v4, vm0, $0xb8;
	[tilespmem:$0x19000] =	vst v63  }
0x35a: {  	s25 =	simm.s32 $0xB000  }
0x35b: {  	[tilespmem:s25], [sflag:$0x2] =	stream.indirect_vreg.gather [hbm4b:s2+s3], $0x80, v3, vm0, $0xb8;
	[tilespmem:$0x19000] =	vst v63  }
0x35c: {  	s25 =	simm.s32 $0xB800  }
0x35d: {  	[tilespmem:s25], [sflag:$0x2] =	stream.indirect_vreg.gather [hbm4b:s5+s3], $0x80, v3, vm0, $0xb8;
	[tilespmem:$0x19000] =	vst v63  }
0x35e: {  	s25 =	simm.s32 $0xC000  }
0x35f: {  	[tilespmem:s25], [sflag:$0x2] =	stream.indirect_vreg.gather [hbm4b:s6+s3], $0x80, v3, vm0, $0xb8;
	[tilespmem:$0x19000] =	vst v63  }
0x360: {  	s16 =	simm.s32 $0xC800  }
0x361: {  	[tilespmem:s16], [sflag:$0x2] =	stream.indirect_vreg.gather [hbm4b:s7+s3], $0x80, v3, vm0, $0xb8;
	[tilespmem:$0x19000] =	vst v63  }
0x362: {  	v3 =	vld [tilespmem:$0x810];
	_ =	sdelay $0x4  }
0x363: {  	v33 =	vshll.u32 v3, $0x3  }
0x364: {  	v3 =	vand.u32 $0x7, v3;
	v4 =	vand.u32 $0xFFFFFFC0, v33  }
0x365: {  	v3 =	vor.u32 v3, v4  }
0x366: {  	v4 =	vperm.xlane v3, v0;
	_ =	sdelay $0x1  }
0x367: {  	v4 =	vadd.s32 v1, v4;
	_ =	sdelay $0x3  }
0x368: {  	s19 =	simm.s32 $0xD000  }
0x369: {  	[tilespmem:s19], [sflag:$0x2] =	stream.indirect_vreg.gather [hbm4b:s2+s3], $0x80, v4, vm0, $0xb8;
	[tilespmem:$0x19000] =	vst v63  }
0x36a: {  	s1 =	simm.s32 $0xD800;
	v3 =	vperm.xlane v3, v2  }
0x36b: {  	[tilespmem:s1], [sflag:$0x2] =	stream.indirect_vreg.gather [hbm4b:s5+s3], $0x80, v4, vm0, $0xb8;
	[tilespmem:$0x19000] =	vst v63  }
0x36c: {  	s28 =	simm.s32 $0xE000;
	v3 =	vadd.s32 v1, v3  }
0x36d: {  	[tilespmem:s28], [sflag:$0x2] =	stream.indirect_vreg.gather [hbm4b:s6+s3], $0x80, v4, vm0, $0xb8;
	[tilespmem:$0x19000] =	vst v63  }
0x36e: {  	s9 =	simm.s32 $0xE800  }
0x36f: {  	[tilespmem:s9], [sflag:$0x2] =	stream.indirect_vreg.gather [hbm4b:s7+s3], $0x80, v4, vm0, $0xb8;
	[tilespmem:$0x19000] =	vst v63  }
0x370: {  	s13 =	simm.s32 $0xF000  }
0x371: {  	[tilespmem:s13], [sflag:$0x2] =	stream.indirect_vreg.gather [hbm4b:s2+s3], $0x80, v3, vm0, $0xb8;
	[tilespmem:$0x19000] =	vst v63  }
0x372: {  	s14 =	simm.s32 $0xF800  }
0x373: {  	[tilespmem:s14], [sflag:$0x2] =	stream.indirect_vreg.gather [hbm4b:s5+s3], $0x80, v3, vm0, $0xb8;
	[tilespmem:$0x19000] =	vst v63  }
0x374: {  	s25 =	simm.s32 $0x10000  }
0x375: {  	[tilespmem:s25], [sflag:$0x2] =	stream.indirect_vreg.gather [hbm4b:s6+s3], $0x80, v3, vm0, $0xb8;
	[tilespmem:$0x19000] =	vst v63  }
0x376: {  	s4 =	simm.s32 $0x10800  }
0x377: {  	[tilespmem:s4], [sflag:$0x2] =	stream.indirect_vreg.gather [hbm4b:s7+s3], $0x80, v3, vm0, $0xb8;
	[tilespmem:$0x19000] =	vst v63  }
0x378: {  	_ =	swait.ge [sflag:s18], $0x8000  }
0x379: {  	[sflag:s18] =	ssyncset.done $0x0  }
0x37a: {  	s25 =	rddreg [dreg:$0x13];
	[sflag:s18] =	ssyncadd.s32 $0xFFFF8000  }
0x37b: {  	[hbm4b:s25+s3] =	stream.linear.scatter [tilespmem:s8], [sflag:$0x4], $0x8000, $0x38;
	[tilespmem:$0x19000] =	vst v63  }
0x37c: {  	_ =	swait.ge [sflag:s24], $0x8000  }
0x37d: {  	[sflag:s24] =	ssyncset.done $0x0  }
0x37e: {  	[sflag:s24] =	ssyncadd.s32 $0xFFFF8000  }
0x37f: {  	v3 =	vld [tilespmem:$0x880];
	_ =	sdelay $0x4  }
0x380: {  	v34 =	vshll.u32 v3, $0x3  }
0x381: {  	v3 =	vand.u32 $0x7, v3;
	v4 =	vand.u32 $0xFFFFFFC0, v34  }
0x382: {  	v3 =	vor.u32 v3, v4  }
0x383: {  	v4 =	vperm.xlane v3, v0;
	_ =	sdelay $0x1  }
0x384: {  	v4 =	vadd.s32 v1, v4;
	_ =	sdelay $0x4  }
0x385: {  	[tilespmem:s0], [sflag:$0x3] =	stream.indirect_vreg.gather [hbm4b:s2+s3], $0x80, v4, vm0, $0xb8;
	[tilespmem:$0x19000] =	vst v63  }
0x386: {  	s25 =	simm.s32 $0x11800;
	v3 =	vperm.xlane v3, v2  }
0x387: {  	[tilespmem:s25], [sflag:$0x3] =	stream.indirect_vreg.gather [hbm4b:s5+s3], $0x80, v4, vm0, $0xb8;
	[tilespmem:$0x19000] =	vst v63  }
0x388: {  	s15 =	simm.s32 $0x12000;
	v3 =	vadd.s32 v1, v3  }
0x389: {  	[tilespmem:s15], [sflag:$0x3] =	stream.indirect_vreg.gather [hbm4b:s6+s3], $0x80, v4, vm0, $0xb8;
	[tilespmem:$0x19000] =	vst v63  }
0x38a: {  	s11 =	simm.s32 $0x12800  }
0x38b: {  	[tilespmem:s11], [sflag:$0x3] =	stream.indirect_vreg.gather [hbm4b:s7+s3], $0x80, v4, vm0, $0xb8;
	[tilespmem:$0x19000] =	vst v63  }
0x38c: {  	s31 =	simm.s32 $0x13000  }
0x38d: {  	[tilespmem:s31], [sflag:$0x3] =	stream.indirect_vreg.gather [hbm4b:s2+s3], $0x80, v3, vm0, $0xb8;
	[tilespmem:$0x19000] =	vst v63  }
0x38e: {  	s10 =	simm.s32 $0x13800  }
0x38f: {  	[tilespmem:s10], [sflag:$0x3] =	stream.indirect_vreg.gather [hbm4b:s5+s3], $0x80, v3, vm0, $0xb8;
	[tilespmem:$0x19000] =	vst v63  }
0x390: {  	s12 =	simm.s32 $0x14000  }
0x391: {  	[tilespmem:s12], [sflag:$0x3] =	stream.indirect_vreg.gather [hbm4b:s6+s3], $0x80, v3, vm0, $0xb8;
	[tilespmem:$0x19000] =	vst v63  }
0x392: {  	s25 =	simm.s32 $0x14800  }
0x393: {  	[tilespmem:s25], [sflag:$0x3] =	stream.indirect_vreg.gather [hbm4b:s7+s3], $0x80, v3, vm0, $0xb8;
	[tilespmem:$0x19000] =	vst v63  }
0x394: {  	v3 =	vld [tilespmem:$0x890];
	_ =	sdelay $0x4  }
0x395: {  	v35 =	vshll.u32 v3, $0x3  }
0x396: {  	v3 =	vand.u32 $0x7, v3;
	v4 =	vand.u32 $0xFFFFFFC0, v35  }
0x397: {  	v3 =	vor.u32 v3, v4  }
0x398: {  	v4 =	vperm.xlane v3, v0;
	_ =	sdelay $0x1  }
0x399: {  	v4 =	vadd.s32 v1, v4;
	_ =	sdelay $0x3  }
0x39a: {  	s25 =	simm.s32 $0x15000  }
0x39b: {  	[tilespmem:s25], [sflag:$0x3] =	stream.indirect_vreg.gather [hbm4b:s2+s3], $0x80, v4, vm0, $0xb8;
	[tilespmem:$0x19000] =	vst v63  }
0x39c: {  	v3 =	vperm.xlane v3, v2;
	s25 =	simm.s32 $0x15800  }
0x39d: {  	[tilespmem:s25], [sflag:$0x3] =	stream.indirect_vreg.gather [hbm4b:s5+s3], $0x80, v4, vm0, $0xb8;
	[tilespmem:$0x19000] =	vst v63  }
0x39e: {  	s30 =	simm.s32 $0x16000;
	v3 =	vadd.s32 v1, v3  }
0x39f: {  	[tilespmem:s30], [sflag:$0x3] =	stream.indirect_vreg.gather [hbm4b:s6+s3], $0x80, v4, vm0, $0xb8;
	[tilespmem:$0x19000] =	vst v63  }
0x3a0: {  	s25 =	simm.s32 $0x16800  }
0x3a1: {  	[tilespmem:s25], [sflag:$0x3] =	stream.indirect_vreg.gather [hbm4b:s7+s3], $0x80, v4, vm0, $0xb8;
	[tilespmem:$0x19000] =	vst v63  }
0x3a2: {  	s26 =	simm.s32 $0x17000  }
0x3a3: {  	[tilespmem:s26], [sflag:$0x3] =	stream.indirect_vreg.gather [hbm4b:s2+s3], $0x80, v3, vm0, $0xb8;
	[tilespmem:$0x19000] =	vst v63  }
0x3a4: {  	s25 =	simm.s32 $0x17800  }
0x3a5: {  	[tilespmem:s25], [sflag:$0x3] =	stream.indirect_vreg.gather [hbm4b:s5+s3], $0x80, v3, vm0, $0xb8;
	[tilespmem:$0x19000] =	vst v63  }
0x3a6: {  	s25 =	simm.s32 $0x18000  }
0x3a7: {  	[tilespmem:s25], [sflag:$0x3] =	stream.indirect_vreg.gather [hbm4b:s6+s3], $0x80, v3, vm0, $0xb8;
	[tilespmem:$0x19000] =	vst v63  }
0x3a8: {  	s25 =	simm.s32 $0x18800  }
0x3a9: {  	[tilespmem:s25], [sflag:$0x3] =	stream.indirect_vreg.gather [hbm4b:s7+s3], $0x80, v3, vm0, $0xb8;
	[tilespmem:$0x19000] =	vst v63  }
0x3aa: {  	_ =	swait.ge [sflag:s20], $0x8000  }
0x3ab: {  	[sflag:s20] =	ssyncset.done $0x0  }
0x3ac: {  	s25 =	rddreg [dreg:$0x14];
	[sflag:s20] =	ssyncadd.s32 $0xFFFF8000  }
0x3ad: {  	[hbm4b:s25+s3] =	stream.linear.scatter [tilespmem:s29], [sflag:$0x5], $0x8000, $0x38;
	[tilespmem:$0x19000] =	vst v63  }
0x3ae: {  	_ =	swait.ge [sflag:s21], $0x8000  }
0x3af: {  	[sflag:s21] =	ssyncset.done $0x0  }
0x3b0: {  	[sflag:s21] =	ssyncadd.s32 $0xFFFF8000  }
0x3b1: {  	v3 =	vld [tilespmem:$0x900];
	_ =	sdelay $0x4  }
0x3b2: {  	v36 =	vshll.u32 v3, $0x3  }
0x3b3: {  	v3 =	vand.u32 $0x7, v3;
	v4 =	vand.u32 $0xFFFFFFC0, v36  }
0x3b4: {  	v3 =	vor.u32 v3, v4  }
0x3b5: {  	v4 =	vperm.xlane v3, v0;
	_ =	sdelay $0x1  }
0x3b6: {  	v4 =	vadd.s32 v1, v4;
	_ =	sdelay $0x4  }
0x3b7: {  	[tilespmem:s8], [sflag:$0x1] =	stream.indirect_vreg.gather [hbm4b:s2+s3], $0x80, v4, vm0, $0xb8;
	[tilespmem:$0x19000] =	vst v63  }
0x3b8: {  	s25 =	simm.s32 $0x1800;
	v3 =	vperm.xlane v3, v2  }
0x3b9: {  	[tilespmem:s25], [sflag:$0x1] =	stream.indirect_vreg.gather [hbm4b:s5+s3], $0x80, v4, vm0, $0xb8;
	[tilespmem:$0x19000] =	vst v63  }
0x3ba: {  	v3 =	vadd.s32 v1, v3;
	s25 =	simm.s32 $0x2000  }
0x3bb: {  	[tilespmem:s25], [sflag:$0x1] =	stream.indirect_vreg.gather [hbm4b:s6+s3], $0x80, v4, vm0, $0xb8;
	[tilespmem:$0x19000] =	vst v63  }
0x3bc: {  	s25 =	simm.s32 $0x2800  }
0x3bd: {  	[tilespmem:s25], [sflag:$0x1] =	stream.indirect_vreg.gather [hbm4b:s7+s3], $0x80, v4, vm0, $0xb8;
	[tilespmem:$0x19000] =	vst v63  }
0x3be: {  	s25 =	simm.s32 $0x3000  }
0x3bf: {  	[tilespmem:s25], [sflag:$0x1] =	stream.indirect_vreg.gather [hbm4b:s2+s3], $0x80, v3, vm0, $0xb8;
	[tilespmem:$0x19000] =	vst v63  }
0x3c0: {  	s25 =	simm.s32 $0x3800  }
0x3c1: {  	[tilespmem:s25], [sflag:$0x1] =	stream.indirect_vreg.gather [hbm4b:s5+s3], $0x80, v3, vm0, $0xb8;
	[tilespmem:$0x19000] =	vst v63  }
0x3c2: {  	s25 =	simm.s32 $0x4000  }
0x3c3: {  	[tilespmem:s25], [sflag:$0x1] =	stream.indirect_vreg.gather [hbm4b:s6+s3], $0x80, v3, vm0, $0xb8;
	[tilespmem:$0x19000] =	vst v63  }
0x3c4: {  	s25 =	simm.s32 $0x4800  }
0x3c5: {  	[tilespmem:s25], [sflag:$0x1] =	stream.indirect_vreg.gather [hbm4b:s7+s3], $0x80, v3, vm0, $0xb8;
	[tilespmem:$0x19000] =	vst v63  }
0x3c6: {  	v3 =	vld [tilespmem:$0x910];
	_ =	sdelay $0x4  }
0x3c7: {  	v37 =	vshll.u32 v3, $0x3  }
0x3c8: {  	v3 =	vand.u32 $0x7, v3;
	v4 =	vand.u32 $0xFFFFFFC0, v37  }
0x3c9: {  	v3 =	vor.u32 v3, v4  }
0x3ca: {  	v4 =	vperm.xlane v3, v0;
	_ =	sdelay $0x1  }
0x3cb: {  	v4 =	vadd.s32 v1, v4;
	_ =	sdelay $0x3  }
0x3cc: {  	s25 =	simm.s32 $0x5000  }
0x3cd: {  	[tilespmem:s25], [sflag:$0x1] =	stream.indirect_vreg.gather [hbm4b:s2+s3], $0x80, v4, vm0, $0xb8;
	[tilespmem:$0x19000] =	vst v63  }
0x3ce: {  	v3 =	vperm.xlane v3, v2;
	s25 =	simm.s32 $0x5800  }
0x3cf: {  	[tilespmem:s25], [sflag:$0x1] =	stream.indirect_vreg.gather [hbm4b:s5+s3], $0x80, v4, vm0, $0xb8;
	[tilespmem:$0x19000] =	vst v63  }
0x3d0: {  	v3 =	vadd.s32 v1, v3;
	s25 =	simm.s32 $0x6000  }
0x3d1: {  	[tilespmem:s25], [sflag:$0x1] =	stream.indirect_vreg.gather [hbm4b:s6+s3], $0x80, v4, vm0, $0xb8;
	[tilespmem:$0x19000] =	vst v63  }
0x3d2: {  	s25 =	simm.s32 $0x6800  }
0x3d3: {  	[tilespmem:s25], [sflag:$0x1] =	stream.indirect_vreg.gather [hbm4b:s7+s3], $0x80, v4, vm0, $0xb8;
	[tilespmem:$0x19000] =	vst v63  }
0x3d4: {  	s25 =	simm.s32 $0x7000  }
0x3d5: {  	[tilespmem:s25], [sflag:$0x1] =	stream.indirect_vreg.gather [hbm4b:s2+s3], $0x80, v3, vm0, $0xb8;
	[tilespmem:$0x19000] =	vst v63  }
0x3d6: {  	s25 =	simm.s32 $0x7800  }
0x3d7: {  	[tilespmem:s25], [sflag:$0x1] =	stream.indirect_vreg.gather [hbm4b:s5+s3], $0x80, v3, vm0, $0xb8;
	[tilespmem:$0x19000] =	vst v63  }
0x3d8: {  	s25 =	simm.s32 $0x8000  }
0x3d9: {  	[tilespmem:s25], [sflag:$0x1] =	stream.indirect_vreg.gather [hbm4b:s6+s3], $0x80, v3, vm0, $0xb8;
	[tilespmem:$0x19000] =	vst v63  }
0x3da: {  	s25 =	simm.s32 $0x8800  }
0x3db: {  	[tilespmem:s25], [sflag:$0x1] =	stream.indirect_vreg.gather [hbm4b:s7+s3], $0x80, v3, vm0, $0xb8;
	[tilespmem:$0x19000] =	vst v63  }
0x3dc: {  	_ =	swait.ge [sflag:s22], $0x8000  }
0x3dd: {  	[sflag:s22] =	ssyncset.done $0x0  }
0x3de: {  	s25 =	rddreg [dreg:$0x15];
	[sflag:s22] =	ssyncadd.s32 $0xFFFF8000  }
0x3df: {  	[hbm4b:s25+s3] =	stream.linear.scatter [tilespmem:s0], [sflag:$0x6], $0x8000, $0x38;
	[tilespmem:$0x19000] =	vst v63  }
0x3e0: {  	_ =	swait.ge [sflag:s23], $0x8000  }
0x3e1: {  	[sflag:s23] =	ssyncset.done $0x0  }
0x3e2: {  	[sflag:s23] =	ssyncadd.s32 $0xFFFF8000  }
0x3e3: {  	v3 =	vld [tilespmem:$0x980];
	_ =	sdelay $0x4  }
0x3e4: {  	v38 =	vshll.u32 v3, $0x3  }
0x3e5: {  	v3 =	vand.u32 $0x7, v3;
	v4 =	vand.u32 $0xFFFFFFC0, v38  }
0x3e6: {  	v3 =	vor.u32 v3, v4  }
0x3e7: {  	v4 =	vperm.xlane v3, v0;
	_ =	sdelay $0x1  }
0x3e8: {  	v4 =	vadd.s32 v1, v4;
	_ =	sdelay $0x4  }
0x3e9: {  	[tilespmem:s29], [sflag:$0x2] =	stream.indirect_vreg.gather [hbm4b:s2+s3], $0x80, v4, vm0, $0xb8;
	[tilespmem:$0x19000] =	vst v63  }
0x3ea: {  	s17 =	simm.s32 $0x9800;
	v3 =	vperm.xlane v3, v2  }
0x3eb: {  	[tilespmem:s17], [sflag:$0x2] =	stream.indirect_vreg.gather [hbm4b:s5+s3], $0x80, v4, vm0, $0xb8;
	[tilespmem:$0x19000] =	vst v63  }
0x3ec: {  	s25 =	simm.s32 $0xA000;
	v3 =	vadd.s32 v1, v3  }
0x3ed: {  	[tilespmem:s25], [sflag:$0x2] =	stream.indirect_vreg.gather [hbm4b:s6+s3], $0x80, v4, vm0, $0xb8;
	[tilespmem:$0x19000] =	vst v63  }
0x3ee: {  	s25 =	simm.s32 $0xA800  }
0x3ef: {  	[tilespmem:s25], [sflag:$0x2] =	stream.indirect_vreg.gather [hbm4b:s7+s3], $0x80, v4, vm0, $0xb8;
	[tilespmem:$0x19000] =	vst v63  }
0x3f0: {  	s25 =	simm.s32 $0xB000  }
0x3f1: {  	[tilespmem:s25], [sflag:$0x2] =	stream.indirect_vreg.gather [hbm4b:s2+s3], $0x80, v3, vm0, $0xb8;
	[tilespmem:$0x19000] =	vst v63  }
0x3f2: {  	s25 =	simm.s32 $0xB800  }
0x3f3: {  	[tilespmem:s25], [sflag:$0x2] =	stream.indirect_vreg.gather [hbm4b:s5+s3], $0x80, v3, vm0, $0xb8;
	[tilespmem:$0x19000] =	vst v63  }
0x3f4: {  	s25 =	simm.s32 $0xC000  }
0x3f5: {  	[tilespmem:s25], [sflag:$0x2] =	stream.indirect_vreg.gather [hbm4b:s6+s3], $0x80, v3, vm0, $0xb8;
	[tilespmem:$0x19000] =	vst v63  }
0x3f6: {  	s16 =	simm.s32 $0xC800  }
0x3f7: {  	[tilespmem:s16], [sflag:$0x2] =	stream.indirect_vreg.gather [hbm4b:s7+s3], $0x80, v3, vm0, $0xb8;
	[tilespmem:$0x19000] =	vst v63  }
0x3f8: {  	v3 =	vld [tilespmem:$0x990];
	_ =	sdelay $0x4  }
0x3f9: {  	v39 =	vshll.u32 v3, $0x3  }
0x3fa: {  	v3 =	vand.u32 $0x7, v3;
	v4 =	vand.u32 $0xFFFFFFC0, v39  }
0x3fb: {  	v3 =	vor.u32 v3, v4  }
0x3fc: {  	v4 =	vperm.xlane v3, v0;
	_ =	sdelay $0x1  }
0x3fd: {  	v4 =	vadd.s32 v1, v4;
	_ =	sdelay $0x3  }
0x3fe: {  	s19 =	simm.s32 $0xD000  }
0x3ff: {  	[tilespmem:s19], [sflag:$0x2] =	stream.indirect_vreg.gather [hbm4b:s2+s3], $0x80, v4, vm0, $0xb8;
	[tilespmem:$0x19000] =	vst v63  }
0x400: {  	s1 =	simm.s32 $0xD800;
	v3 =	vperm.xlane v3, v2  }
0x401: {  	[tilespmem:s1], [sflag:$0x2] =	stream.indirect_vreg.gather [hbm4b:s5+s3], $0x80, v4, vm0, $0xb8;
	[tilespmem:$0x19000] =	vst v63  }
0x402: {  	s28 =	simm.s32 $0xE000;
	v3 =	vadd.s32 v1, v3  }
0x403: {  	[tilespmem:s28], [sflag:$0x2] =	stream.indirect_vreg.gather [hbm4b:s6+s3], $0x80, v4, vm0, $0xb8;
	[tilespmem:$0x19000] =	vst v63  }
0x404: {  	s9 =	simm.s32 $0xE800  }
0x405: {  	[tilespmem:s9], [sflag:$0x2] =	stream.indirect_vreg.gather [hbm4b:s7+s3], $0x80, v4, vm0, $0xb8;
	[tilespmem:$0x19000] =	vst v63  }
0x406: {  	s13 =	simm.s32 $0xF000  }
0x407: {  	[tilespmem:s13], [sflag:$0x2] =	stream.indirect_vreg.gather [hbm4b:s2+s3], $0x80, v3, vm0, $0xb8;
	[tilespmem:$0x19000] =	vst v63  }
0x408: {  	s14 =	simm.s32 $0xF800  }
0x409: {  	[tilespmem:s14], [sflag:$0x2] =	stream.indirect_vreg.gather [hbm4b:s5+s3], $0x80, v3, vm0, $0xb8;
	[tilespmem:$0x19000] =	vst v63  }
0x40a: {  	s25 =	simm.s32 $0x10000  }
0x40b: {  	[tilespmem:s25], [sflag:$0x2] =	stream.indirect_vreg.gather [hbm4b:s6+s3], $0x80, v3, vm0, $0xb8;
	[tilespmem:$0x19000] =	vst v63  }
0x40c: {  	s4 =	simm.s32 $0x10800  }
0x40d: {  	[tilespmem:s4], [sflag:$0x2] =	stream.indirect_vreg.gather [hbm4b:s7+s3], $0x80, v3, vm0, $0xb8;
	[tilespmem:$0x19000] =	vst v63  }
0x40e: {  	_ =	swait.ge [sflag:s18], $0x8000  }
0x40f: {  	[sflag:s18] =	ssyncset.done $0x0  }
0x410: {  	s25 =	rddreg [dreg:$0x16];
	[sflag:s18] =	ssyncadd.s32 $0xFFFF8000  }
0x411: {  	[hbm4b:s25+s3] =	stream.linear.scatter [tilespmem:s8], [sflag:$0x4], $0x8000, $0x38;
	[tilespmem:$0x19000] =	vst v63  }
0x412: {  	_ =	swait.ge [sflag:s24], $0x8000  }
0x413: {  	[sflag:s24] =	ssyncset.done $0x0  }
0x414: {  	[sflag:s24] =	ssyncadd.s32 $0xFFFF8000  }
0x415: {  	v3 =	vld [tilespmem:$0xA00];
	_ =	sdelay $0x4  }
0x416: {  	v40 =	vshll.u32 v3, $0x3  }
0x417: {  	v3 =	vand.u32 $0x7, v3;
	v4 =	vand.u32 $0xFFFFFFC0, v40  }
0x418: {  	v3 =	vor.u32 v3, v4  }
0x419: {  	v4 =	vperm.xlane v3, v0;
	_ =	sdelay $0x1  }
0x41a: {  	v4 =	vadd.s32 v1, v4;
	_ =	sdelay $0x4  }
0x41b: {  	[tilespmem:s0], [sflag:$0x3] =	stream.indirect_vreg.gather [hbm4b:s2+s3], $0x80, v4, vm0, $0xb8;
	[tilespmem:$0x19000] =	vst v63  }
0x41c: {  	s25 =	simm.s32 $0x11800;
	v3 =	vperm.xlane v3, v2  }
0x41d: {  	[tilespmem:s25], [sflag:$0x3] =	stream.indirect_vreg.gather [hbm4b:s5+s3], $0x80, v4, vm0, $0xb8;
	[tilespmem:$0x19000] =	vst v63  }
0x41e: {  	s15 =	simm.s32 $0x12000;
	v3 =	vadd.s32 v1, v3  }
0x41f: {  	[tilespmem:s15], [sflag:$0x3] =	stream.indirect_vreg.gather [hbm4b:s6+s3], $0x80, v4, vm0, $0xb8;
	[tilespmem:$0x19000] =	vst v63  }
0x420: {  	s11 =	simm.s32 $0x12800  }
0x421: {  	[tilespmem:s11], [sflag:$0x3] =	stream.indirect_vreg.gather [hbm4b:s7+s3], $0x80, v4, vm0, $0xb8;
	[tilespmem:$0x19000] =	vst v63  }
0x422: {  	s31 =	simm.s32 $0x13000  }
0x423: {  	[tilespmem:s31], [sflag:$0x3] =	stream.indirect_vreg.gather [hbm4b:s2+s3], $0x80, v3, vm0, $0xb8;
	[tilespmem:$0x19000] =	vst v63  }
0x424: {  	s10 =	simm.s32 $0x13800  }
0x425: {  	[tilespmem:s10], [sflag:$0x3] =	stream.indirect_vreg.gather [hbm4b:s5+s3], $0x80, v3, vm0, $0xb8;
	[tilespmem:$0x19000] =	vst v63  }
0x426: {  	s12 =	simm.s32 $0x14000  }
0x427: {  	[tilespmem:s12], [sflag:$0x3] =	stream.indirect_vreg.gather [hbm4b:s6+s3], $0x80, v3, vm0, $0xb8;
	[tilespmem:$0x19000] =	vst v63  }
0x428: {  	s25 =	simm.s32 $0x14800  }
0x429: {  	[tilespmem:s25], [sflag:$0x3] =	stream.indirect_vreg.gather [hbm4b:s7+s3], $0x80, v3, vm0, $0xb8;
	[tilespmem:$0x19000] =	vst v63  }
0x42a: {  	v3 =	vld [tilespmem:$0xA10];
	_ =	sdelay $0x4  }
0x42b: {  	v41 =	vshll.u32 v3, $0x3  }
0x42c: {  	v3 =	vand.u32 $0x7, v3;
	v4 =	vand.u32 $0xFFFFFFC0, v41  }
0x42d: {  	v3 =	vor.u32 v3, v4  }
0x42e: {  	v4 =	vperm.xlane v3, v0;
	_ =	sdelay $0x1  }
0x42f: {  	v4 =	vadd.s32 v1, v4;
	_ =	sdelay $0x3  }
0x430: {  	s25 =	simm.s32 $0x15000  }
0x431: {  	[tilespmem:s25], [sflag:$0x3] =	stream.indirect_vreg.gather [hbm4b:s2+s3], $0x80, v4, vm0, $0xb8;
	[tilespmem:$0x19000] =	vst v63  }
0x432: {  	v3 =	vperm.xlane v3, v2;
	s25 =	simm.s32 $0x15800  }
0x433: {  	[tilespmem:s25], [sflag:$0x3] =	stream.indirect_vreg.gather [hbm4b:s5+s3], $0x80, v4, vm0, $0xb8;
	[tilespmem:$0x19000] =	vst v63  }
0x434: {  	s30 =	simm.s32 $0x16000;
	v3 =	vadd.s32 v1, v3  }
0x435: {  	[tilespmem:s30], [sflag:$0x3] =	stream.indirect_vreg.gather [hbm4b:s6+s3], $0x80, v4, vm0, $0xb8;
	[tilespmem:$0x19000] =	vst v63  }
0x436: {  	s25 =	simm.s32 $0x16800  }
0x437: {  	[tilespmem:s25], [sflag:$0x3] =	stream.indirect_vreg.gather [hbm4b:s7+s3], $0x80, v4, vm0, $0xb8;
	[tilespmem:$0x19000] =	vst v63  }
0x438: {  	s26 =	simm.s32 $0x17000  }
0x439: {  	[tilespmem:s26], [sflag:$0x3] =	stream.indirect_vreg.gather [hbm4b:s2+s3], $0x80, v3, vm0, $0xb8;
	[tilespmem:$0x19000] =	vst v63  }
0x43a: {  	s25 =	simm.s32 $0x17800  }
0x43b: {  	[tilespmem:s25], [sflag:$0x3] =	stream.indirect_vreg.gather [hbm4b:s5+s3], $0x80, v3, vm0, $0xb8;
	[tilespmem:$0x19000] =	vst v63  }
0x43c: {  	s25 =	simm.s32 $0x18000  }
0x43d: {  	[tilespmem:s25], [sflag:$0x3] =	stream.indirect_vreg.gather [hbm4b:s6+s3], $0x80, v3, vm0, $0xb8;
	[tilespmem:$0x19000] =	vst v63  }
0x43e: {  	s25 =	simm.s32 $0x18800  }
0x43f: {  	[tilespmem:s25], [sflag:$0x3] =	stream.indirect_vreg.gather [hbm4b:s7+s3], $0x80, v3, vm0, $0xb8;
	[tilespmem:$0x19000] =	vst v63  }
0x440: {  	_ =	swait.ge [sflag:s20], $0x8000  }
0x441: {  	[sflag:s20] =	ssyncset.done $0x0  }
0x442: {  	s25 =	rddreg [dreg:$0x17];
	[sflag:s20] =	ssyncadd.s32 $0xFFFF8000  }
0x443: {  	[hbm4b:s25+s3] =	stream.linear.scatter [tilespmem:s29], [sflag:$0x5], $0x8000, $0x38;
	[tilespmem:$0x19000] =	vst v63  }
0x444: {  	_ =	swait.ge [sflag:s21], $0x8000  }
0x445: {  	[sflag:s21] =	ssyncset.done $0x0  }
0x446: {  	[sflag:s21] =	ssyncadd.s32 $0xFFFF8000  }
0x447: {  	v3 =	vld [tilespmem:$0xA80];
	_ =	sdelay $0x4  }
0x448: {  	v42 =	vshll.u32 v3, $0x3  }
0x449: {  	v3 =	vand.u32 $0x7, v3;
	v4 =	vand.u32 $0xFFFFFFC0, v42  }
0x44a: {  	v3 =	vor.u32 v3, v4  }
0x44b: {  	v4 =	vperm.xlane v3, v0;
	_ =	sdelay $0x1  }
0x44c: {  	v4 =	vadd.s32 v1, v4;
	_ =	sdelay $0x4  }
0x44d: {  	[tilespmem:s8], [sflag:$0x1] =	stream.indirect_vreg.gather [hbm4b:s2+s3], $0x80, v4, vm0, $0xb8;
	[tilespmem:$0x19000] =	vst v63  }
0x44e: {  	s25 =	simm.s32 $0x1800;
	v3 =	vperm.xlane v3, v2  }
0x44f: {  	[tilespmem:s25], [sflag:$0x1] =	stream.indirect_vreg.gather [hbm4b:s5+s3], $0x80, v4, vm0, $0xb8;
	[tilespmem:$0x19000] =	vst v63  }
0x450: {  	v3 =	vadd.s32 v1, v3;
	s25 =	simm.s32 $0x2000  }
0x451: {  	[tilespmem:s25], [sflag:$0x1] =	stream.indirect_vreg.gather [hbm4b:s6+s3], $0x80, v4, vm0, $0xb8;
	[tilespmem:$0x19000] =	vst v63  }
0x452: {  	s25 =	simm.s32 $0x2800  }
0x453: {  	[tilespmem:s25], [sflag:$0x1] =	stream.indirect_vreg.gather [hbm4b:s7+s3], $0x80, v4, vm0, $0xb8;
	[tilespmem:$0x19000] =	vst v63  }
0x454: {  	s25 =	simm.s32 $0x3000  }
0x455: {  	[tilespmem:s25], [sflag:$0x1] =	stream.indirect_vreg.gather [hbm4b:s2+s3], $0x80, v3, vm0, $0xb8;
	[tilespmem:$0x19000] =	vst v63  }
0x456: {  	s25 =	simm.s32 $0x3800  }
0x457: {  	[tilespmem:s25], [sflag:$0x1] =	stream.indirect_vreg.gather [hbm4b:s5+s3], $0x80, v3, vm0, $0xb8;
	[tilespmem:$0x19000] =	vst v63  }
0x458: {  	s25 =	simm.s32 $0x4000  }
0x459: {  	[tilespmem:s25], [sflag:$0x1] =	stream.indirect_vreg.gather [hbm4b:s6+s3], $0x80, v3, vm0, $0xb8;
	[tilespmem:$0x19000] =	vst v63  }
0x45a: {  	s25 =	simm.s32 $0x4800  }
0x45b: {  	[tilespmem:s25], [sflag:$0x1] =	stream.indirect_vreg.gather [hbm4b:s7+s3], $0x80, v3, vm0, $0xb8;
	[tilespmem:$0x19000] =	vst v63  }
0x45c: {  	v3 =	vld [tilespmem:$0xA90];
	_ =	sdelay $0x4  }
0x45d: {  	v43 =	vshll.u32 v3, $0x3  }
0x45e: {  	v3 =	vand.u32 $0x7, v3;
	v4 =	vand.u32 $0xFFFFFFC0, v43  }
0x45f: {  	v3 =	vor.u32 v3, v4  }
0x460: {  	v4 =	vperm.xlane v3, v0;
	_ =	sdelay $0x1  }
0x461: {  	v4 =	vadd.s32 v1, v4;
	_ =	sdelay $0x3  }
0x462: {  	s25 =	simm.s32 $0x5000  }
0x463: {  	[tilespmem:s25], [sflag:$0x1] =	stream.indirect_vreg.gather [hbm4b:s2+s3], $0x80, v4, vm0, $0xb8;
	[tilespmem:$0x19000] =	vst v63  }
0x464: {  	v3 =	vperm.xlane v3, v2;
	s25 =	simm.s32 $0x5800  }
0x465: {  	[tilespmem:s25], [sflag:$0x1] =	stream.indirect_vreg.gather [hbm4b:s5+s3], $0x80, v4, vm0, $0xb8;
	[tilespmem:$0x19000] =	vst v63  }
0x466: {  	v3 =	vadd.s32 v1, v3;
	s25 =	simm.s32 $0x6000  }
0x467: {  	[tilespmem:s25], [sflag:$0x1] =	stream.indirect_vreg.gather [hbm4b:s6+s3], $0x80, v4, vm0, $0xb8;
	[tilespmem:$0x19000] =	vst v63  }
0x468: {  	s25 =	simm.s32 $0x6800  }
0x469: {  	[tilespmem:s25], [sflag:$0x1] =	stream.indirect_vreg.gather [hbm4b:s7+s3], $0x80, v4, vm0, $0xb8;
	[tilespmem:$0x19000] =	vst v63  }
0x46a: {  	s25 =	simm.s32 $0x7000  }
0x46b: {  	[tilespmem:s25], [sflag:$0x1] =	stream.indirect_vreg.gather [hbm4b:s2+s3], $0x80, v3, vm0, $0xb8;
	[tilespmem:$0x19000] =	vst v63  }
0x46c: {  	s25 =	simm.s32 $0x7800  }
0x46d: {  	[tilespmem:s25], [sflag:$0x1] =	stream.indirect_vreg.gather [hbm4b:s5+s3], $0x80, v3, vm0, $0xb8;
	[tilespmem:$0x19000] =	vst v63  }
0x46e: {  	s25 =	simm.s32 $0x8000  }
0x46f: {  	[tilespmem:s25], [sflag:$0x1] =	stream.indirect_vreg.gather [hbm4b:s6+s3], $0x80, v3, vm0, $0xb8;
	[tilespmem:$0x19000] =	vst v63  }
0x470: {  	s25 =	simm.s32 $0x8800  }
0x471: {  	[tilespmem:s25], [sflag:$0x1] =	stream.indirect_vreg.gather [hbm4b:s7+s3], $0x80, v3, vm0, $0xb8;
	[tilespmem:$0x19000] =	vst v63  }
0x472: {  	_ =	swait.ge [sflag:s22], $0x8000  }
0x473: {  	[sflag:s22] =	ssyncset.done $0x0  }
0x474: {  	s25 =	rddreg [dreg:$0x18];
	[sflag:s22] =	ssyncadd.s32 $0xFFFF8000  }
0x475: {  	[hbm4b:s25+s3] =	stream.linear.scatter [tilespmem:s0], [sflag:$0x6], $0x8000, $0x38;
	[tilespmem:$0x19000] =	vst v63  }
0x476: {  	_ =	swait.ge [sflag:s23], $0x8000  }
0x477: {  	[sflag:s23] =	ssyncset.done $0x0  }
0x478: {  	[sflag:s23] =	ssyncadd.s32 $0xFFFF8000  }
0x479: {  	v3 =	vld [tilespmem:$0xB00];
	_ =	sdelay $0x4  }
0x47a: {  	v44 =	vshll.u32 v3, $0x3  }
0x47b: {  	v3 =	vand.u32 $0x7, v3;
	v4 =	vand.u32 $0xFFFFFFC0, v44  }
0x47c: {  	v3 =	vor.u32 v3, v4  }
0x47d: {  	v4 =	vperm.xlane v3, v0;
	_ =	sdelay $0x1  }
0x47e: {  	v4 =	vadd.s32 v1, v4;
	_ =	sdelay $0x4  }
0x47f: {  	[tilespmem:s29], [sflag:$0x2] =	stream.indirect_vreg.gather [hbm4b:s2+s3], $0x80, v4, vm0, $0xb8;
	[tilespmem:$0x19000] =	vst v63  }
0x480: {  	s17 =	simm.s32 $0x9800;
	v3 =	vperm.xlane v3, v2  }
0x481: {  	[tilespmem:s17], [sflag:$0x2] =	stream.indirect_vreg.gather [hbm4b:s5+s3], $0x80, v4, vm0, $0xb8;
	[tilespmem:$0x19000] =	vst v63  }
0x482: {  	s25 =	simm.s32 $0xA000;
	v3 =	vadd.s32 v1, v3  }
0x483: {  	[tilespmem:s25], [sflag:$0x2] =	stream.indirect_vreg.gather [hbm4b:s6+s3], $0x80, v4, vm0, $0xb8;
	[tilespmem:$0x19000] =	vst v63  }
0x484: {  	s25 =	simm.s32 $0xA800  }
0x485: {  	[tilespmem:s25], [sflag:$0x2] =	stream.indirect_vreg.gather [hbm4b:s7+s3], $0x80, v4, vm0, $0xb8;
	[tilespmem:$0x19000] =	vst v63  }
0x486: {  	s25 =	simm.s32 $0xB000  }
0x487: {  	[tilespmem:s25], [sflag:$0x2] =	stream.indirect_vreg.gather [hbm4b:s2+s3], $0x80, v3, vm0, $0xb8;
	[tilespmem:$0x19000] =	vst v63  }
0x488: {  	s25 =	simm.s32 $0xB800  }
0x489: {  	[tilespmem:s25], [sflag:$0x2] =	stream.indirect_vreg.gather [hbm4b:s5+s3], $0x80, v3, vm0, $0xb8;
	[tilespmem:$0x19000] =	vst v63  }
0x48a: {  	s25 =	simm.s32 $0xC000  }
0x48b: {  	[tilespmem:s25], [sflag:$0x2] =	stream.indirect_vreg.gather [hbm4b:s6+s3], $0x80, v3, vm0, $0xb8;
	[tilespmem:$0x19000] =	vst v63  }
0x48c: {  	s16 =	simm.s32 $0xC800  }
0x48d: {  	[tilespmem:s16], [sflag:$0x2] =	stream.indirect_vreg.gather [hbm4b:s7+s3], $0x80, v3, vm0, $0xb8;
	[tilespmem:$0x19000] =	vst v63  }
0x48e: {  	v3 =	vld [tilespmem:$0xB10];
	_ =	sdelay $0x4  }
0x48f: {  	v45 =	vshll.u32 v3, $0x3  }
0x490: {  	v3 =	vand.u32 $0x7, v3;
	v4 =	vand.u32 $0xFFFFFFC0, v45  }
0x491: {  	v3 =	vor.u32 v3, v4  }
0x492: {  	v4 =	vperm.xlane v3, v0;
	_ =	sdelay $0x1  }
0x493: {  	v4 =	vadd.s32 v1, v4;
	_ =	sdelay $0x3  }
0x494: {  	s19 =	simm.s32 $0xD000  }
0x495: {  	[tilespmem:s19], [sflag:$0x2] =	stream.indirect_vreg.gather [hbm4b:s2+s3], $0x80, v4, vm0, $0xb8;
	[tilespmem:$0x19000] =	vst v63  }
0x496: {  	s1 =	simm.s32 $0xD800;
	v3 =	vperm.xlane v3, v2  }
0x497: {  	[tilespmem:s1], [sflag:$0x2] =	stream.indirect_vreg.gather [hbm4b:s5+s3], $0x80, v4, vm0, $0xb8;
	[tilespmem:$0x19000] =	vst v63  }
0x498: {  	s28 =	simm.s32 $0xE000;
	v3 =	vadd.s32 v1, v3  }
0x499: {  	[tilespmem:s28], [sflag:$0x2] =	stream.indirect_vreg.gather [hbm4b:s6+s3], $0x80, v4, vm0, $0xb8;
	[tilespmem:$0x19000] =	vst v63  }
0x49a: {  	s9 =	simm.s32 $0xE800  }
0x49b: {  	[tilespmem:s9], [sflag:$0x2] =	stream.indirect_vreg.gather [hbm4b:s7+s3], $0x80, v4, vm0, $0xb8;
	[tilespmem:$0x19000] =	vst v63  }
0x49c: {  	s13 =	simm.s32 $0xF000  }
0x49d: {  	[tilespmem:s13], [sflag:$0x2] =	stream.indirect_vreg.gather [hbm4b:s2+s3], $0x80, v3, vm0, $0xb8;
	[tilespmem:$0x19000] =	vst v63  }
0x49e: {  	s14 =	simm.s32 $0xF800  }
0x49f: {  	[tilespmem:s14], [sflag:$0x2] =	stream.indirect_vreg.gather [hbm4b:s5+s3], $0x80, v3, vm0, $0xb8;
	[tilespmem:$0x19000] =	vst v63  }
0x4a0: {  	s25 =	simm.s32 $0x10000  }
0x4a1: {  	[tilespmem:s25], [sflag:$0x2] =	stream.indirect_vreg.gather [hbm4b:s6+s3], $0x80, v3, vm0, $0xb8;
	[tilespmem:$0x19000] =	vst v63  }
0x4a2: {  	s4 =	simm.s32 $0x10800  }
0x4a3: {  	[tilespmem:s4], [sflag:$0x2] =	stream.indirect_vreg.gather [hbm4b:s7+s3], $0x80, v3, vm0, $0xb8;
	[tilespmem:$0x19000] =	vst v63  }
0x4a4: {  	_ =	swait.ge [sflag:s18], $0x8000  }
0x4a5: {  	[sflag:s18] =	ssyncset.done $0x0  }
0x4a6: {  	s25 =	rddreg [dreg:$0x19];
	[sflag:s18] =	ssyncadd.s32 $0xFFFF8000  }
0x4a7: {  	[hbm4b:s25+s3] =	stream.linear.scatter [tilespmem:s8], [sflag:$0x4], $0x8000, $0x38;
	[tilespmem:$0x19000] =	vst v63  }
0x4a8: {  	_ =	swait.ge [sflag:s24], $0x8000  }
0x4a9: {  	[sflag:s24] =	ssyncset.done $0x0  }
0x4aa: {  	[sflag:s24] =	ssyncadd.s32 $0xFFFF8000  }
0x4ab: {  	v3 =	vld [tilespmem:$0xB80];
	_ =	sdelay $0x4  }
0x4ac: {  	v46 =	vshll.u32 v3, $0x3  }
0x4ad: {  	v3 =	vand.u32 $0x7, v3;
	v4 =	vand.u32 $0xFFFFFFC0, v46  }
0x4ae: {  	v3 =	vor.u32 v3, v4  }
0x4af: {  	v4 =	vperm.xlane v3, v0;
	_ =	sdelay $0x1  }
0x4b0: {  	v4 =	vadd.s32 v1, v4;
	_ =	sdelay $0x4  }
0x4b1: {  	[tilespmem:s0], [sflag:$0x3] =	stream.indirect_vreg.gather [hbm4b:s2+s3], $0x80, v4, vm0, $0xb8;
	[tilespmem:$0x19000] =	vst v63  }
0x4b2: {  	s25 =	simm.s32 $0x11800;
	v3 =	vperm.xlane v3, v2  }
0x4b3: {  	[tilespmem:s25], [sflag:$0x3] =	stream.indirect_vreg.gather [hbm4b:s5+s3], $0x80, v4, vm0, $0xb8;
	[tilespmem:$0x19000] =	vst v63  }
0x4b4: {  	s15 =	simm.s32 $0x12000;
	v3 =	vadd.s32 v1, v3  }
0x4b5: {  	[tilespmem:s15], [sflag:$0x3] =	stream.indirect_vreg.gather [hbm4b:s6+s3], $0x80, v4, vm0, $0xb8;
	[tilespmem:$0x19000] =	vst v63  }
0x4b6: {  	s11 =	simm.s32 $0x12800  }
0x4b7: {  	[tilespmem:s11], [sflag:$0x3] =	stream.indirect_vreg.gather [hbm4b:s7+s3], $0x80, v4, vm0, $0xb8;
	[tilespmem:$0x19000] =	vst v63  }
0x4b8: {  	s31 =	simm.s32 $0x13000  }
0x4b9: {  	[tilespmem:s31], [sflag:$0x3] =	stream.indirect_vreg.gather [hbm4b:s2+s3], $0x80, v3, vm0, $0xb8;
	[tilespmem:$0x19000] =	vst v63  }
0x4ba: {  	s10 =	simm.s32 $0x13800  }
0x4bb: {  	[tilespmem:s10], [sflag:$0x3] =	stream.indirect_vreg.gather [hbm4b:s5+s3], $0x80, v3, vm0, $0xb8;
	[tilespmem:$0x19000] =	vst v63  }
0x4bc: {  	s12 =	simm.s32 $0x14000  }
0x4bd: {  	[tilespmem:s12], [sflag:$0x3] =	stream.indirect_vreg.gather [hbm4b:s6+s3], $0x80, v3, vm0, $0xb8;
	[tilespmem:$0x19000] =	vst v63  }
0x4be: {  	s25 =	simm.s32 $0x14800  }
0x4bf: {  	[tilespmem:s25], [sflag:$0x3] =	stream.indirect_vreg.gather [hbm4b:s7+s3], $0x80, v3, vm0, $0xb8;
	[tilespmem:$0x19000] =	vst v63  }
0x4c0: {  	v3 =	vld [tilespmem:$0xB90];
	_ =	sdelay $0x4  }
0x4c1: {  	v47 =	vshll.u32 v3, $0x3  }
0x4c2: {  	v3 =	vand.u32 $0x7, v3;
	v4 =	vand.u32 $0xFFFFFFC0, v47  }
0x4c3: {  	v3 =	vor.u32 v3, v4  }
0x4c4: {  	v4 =	vperm.xlane v3, v0;
	_ =	sdelay $0x1  }
0x4c5: {  	v4 =	vadd.s32 v1, v4;
	_ =	sdelay $0x3  }
0x4c6: {  	s25 =	simm.s32 $0x15000  }
0x4c7: {  	[tilespmem:s25], [sflag:$0x3] =	stream.indirect_vreg.gather [hbm4b:s2+s3], $0x80, v4, vm0, $0xb8;
	[tilespmem:$0x19000] =	vst v63  }
0x4c8: {  	v3 =	vperm.xlane v3, v2;
	s25 =	simm.s32 $0x15800  }
0x4c9: {  	[tilespmem:s25], [sflag:$0x3] =	stream.indirect_vreg.gather [hbm4b:s5+s3], $0x80, v4, vm0, $0xb8;
	[tilespmem:$0x19000] =	vst v63  }
0x4ca: {  	s30 =	simm.s32 $0x16000;
	v3 =	vadd.s32 v1, v3  }
0x4cb: {  	[tilespmem:s30], [sflag:$0x3] =	stream.indirect_vreg.gather [hbm4b:s6+s3], $0x80, v4, vm0, $0xb8;
	[tilespmem:$0x19000] =	vst v63  }
0x4cc: {  	s25 =	simm.s32 $0x16800  }
0x4cd: {  	[tilespmem:s25], [sflag:$0x3] =	stream.indirect_vreg.gather [hbm4b:s7+s3], $0x80, v4, vm0, $0xb8;
	[tilespmem:$0x19000] =	vst v63  }
0x4ce: {  	s26 =	simm.s32 $0x17000  }
0x4cf: {  	[tilespmem:s26], [sflag:$0x3] =	stream.indirect_vreg.gather [hbm4b:s2+s3], $0x80, v3, vm0, $0xb8;
	[tilespmem:$0x19000] =	vst v63  }
0x4d0: {  	s25 =	simm.s32 $0x17800  }
0x4d1: {  	[tilespmem:s25], [sflag:$0x3] =	stream.indirect_vreg.gather [hbm4b:s5+s3], $0x80, v3, vm0, $0xb8;
	[tilespmem:$0x19000] =	vst v63  }
0x4d2: {  	s25 =	simm.s32 $0x18000  }
0x4d3: {  	[tilespmem:s25], [sflag:$0x3] =	stream.indirect_vreg.gather [hbm4b:s6+s3], $0x80, v3, vm0, $0xb8;
	[tilespmem:$0x19000] =	vst v63  }
0x4d4: {  	s25 =	simm.s32 $0x18800  }
0x4d5: {  	[tilespmem:s25], [sflag:$0x3] =	stream.indirect_vreg.gather [hbm4b:s7+s3], $0x80, v3, vm0, $0xb8;
	[tilespmem:$0x19000] =	vst v63  }
0x4d6: {  	_ =	swait.ge [sflag:s20], $0x8000  }
0x4d7: {  	[sflag:s20] =	ssyncset.done $0x0  }
0x4d8: {  	s25 =	rddreg [dreg:$0x1a];
	[sflag:s20] =	ssyncadd.s32 $0xFFFF8000  }
0x4d9: {  	[hbm4b:s25+s3] =	stream.linear.scatter [tilespmem:s29], [sflag:$0x5], $0x8000, $0x38;
	[tilespmem:$0x19000] =	vst v63  }
0x4da: {  	_ =	swait.ge [sflag:s21], $0x8000  }
0x4db: {  	[sflag:s21] =	ssyncset.done $0x0  }
0x4dc: {  	[sflag:s21] =	ssyncadd.s32 $0xFFFF8000  }
0x4dd: {  	v3 =	vld [tilespmem:$0xC00];
	_ =	sdelay $0x4  }
0x4de: {  	v48 =	vshll.u32 v3, $0x3  }
0x4df: {  	v3 =	vand.u32 $0x7, v3;
	v4 =	vand.u32 $0xFFFFFFC0, v48  }
0x4e0: {  	v3 =	vor.u32 v3, v4  }
0x4e1: {  	v4 =	vperm.xlane v3, v0;
	_ =	sdelay $0x1  }
0x4e2: {  	v4 =	vadd.s32 v1, v4;
	_ =	sdelay $0x4  }
0x4e3: {  	[tilespmem:s8], [sflag:$0x1] =	stream.indirect_vreg.gather [hbm4b:s2+s3], $0x80, v4, vm0, $0xb8;
	[tilespmem:$0x19000] =	vst v63  }
0x4e4: {  	s25 =	simm.s32 $0x1800;
	v3 =	vperm.xlane v3, v2  }
0x4e5: {  	[tilespmem:s25], [sflag:$0x1] =	stream.indirect_vreg.gather [hbm4b:s5+s3], $0x80, v4, vm0, $0xb8;
	[tilespmem:$0x19000] =	vst v63  }
0x4e6: {  	v3 =	vadd.s32 v1, v3;
	s25 =	simm.s32 $0x2000  }
0x4e7: {  	[tilespmem:s25], [sflag:$0x1] =	stream.indirect_vreg.gather [hbm4b:s6+s3], $0x80, v4, vm0, $0xb8;
	[tilespmem:$0x19000] =	vst v63  }
0x4e8: {  	s25 =	simm.s32 $0x2800  }
0x4e9: {  	[tilespmem:s25], [sflag:$0x1] =	stream.indirect_vreg.gather [hbm4b:s7+s3], $0x80, v4, vm0, $0xb8;
	[tilespmem:$0x19000] =	vst v63  }
0x4ea: {  	s25 =	simm.s32 $0x3000  }
0x4eb: {  	[tilespmem:s25], [sflag:$0x1] =	stream.indirect_vreg.gather [hbm4b:s2+s3], $0x80, v3, vm0, $0xb8;
	[tilespmem:$0x19000] =	vst v63  }
0x4ec: {  	s25 =	simm.s32 $0x3800  }
0x4ed: {  	[tilespmem:s25], [sflag:$0x1] =	stream.indirect_vreg.gather [hbm4b:s5+s3], $0x80, v3, vm0, $0xb8;
	[tilespmem:$0x19000] =	vst v63  }
0x4ee: {  	s25 =	simm.s32 $0x4000  }
0x4ef: {  	[tilespmem:s25], [sflag:$0x1] =	stream.indirect_vreg.gather [hbm4b:s6+s3], $0x80, v3, vm0, $0xb8;
	[tilespmem:$0x19000] =	vst v63  }
0x4f0: {  	s25 =	simm.s32 $0x4800  }
0x4f1: {  	[tilespmem:s25], [sflag:$0x1] =	stream.indirect_vreg.gather [hbm4b:s7+s3], $0x80, v3, vm0, $0xb8;
	[tilespmem:$0x19000] =	vst v63  }
0x4f2: {  	v3 =	vld [tilespmem:$0xC10];
	_ =	sdelay $0x4  }
0x4f3: {  	v49 =	vshll.u32 v3, $0x3  }
0x4f4: {  	v3 =	vand.u32 $0x7, v3;
	v4 =	vand.u32 $0xFFFFFFC0, v49  }
0x4f5: {  	v3 =	vor.u32 v3, v4  }
0x4f6: {  	v4 =	vperm.xlane v3, v0;
	_ =	sdelay $0x1  }
0x4f7: {  	v4 =	vadd.s32 v1, v4;
	_ =	sdelay $0x3  }
0x4f8: {  	s25 =	simm.s32 $0x5000  }
0x4f9: {  	[tilespmem:s25], [sflag:$0x1] =	stream.indirect_vreg.gather [hbm4b:s2+s3], $0x80, v4, vm0, $0xb8;
	[tilespmem:$0x19000] =	vst v63  }
0x4fa: {  	v3 =	vperm.xlane v3, v2;
	s25 =	simm.s32 $0x5800  }
0x4fb: {  	[tilespmem:s25], [sflag:$0x1] =	stream.indirect_vreg.gather [hbm4b:s5+s3], $0x80, v4, vm0, $0xb8;
	[tilespmem:$0x19000] =	vst v63  }
0x4fc: {  	v3 =	vadd.s32 v1, v3;
	s25 =	simm.s32 $0x6000  }
0x4fd: {  	[tilespmem:s25], [sflag:$0x1] =	stream.indirect_vreg.gather [hbm4b:s6+s3], $0x80, v4, vm0, $0xb8;
	[tilespmem:$0x19000] =	vst v63  }
0x4fe: {  	s25 =	simm.s32 $0x6800  }
0x4ff: {  	[tilespmem:s25], [sflag:$0x1] =	stream.indirect_vreg.gather [hbm4b:s7+s3], $0x80, v4, vm0, $0xb8;
	[tilespmem:$0x19000] =	vst v63  }
0x500: {  	s25 =	simm.s32 $0x7000  }
0x501: {  	[tilespmem:s25], [sflag:$0x1] =	stream.indirect_vreg.gather [hbm4b:s2+s3], $0x80, v3, vm0, $0xb8;
	[tilespmem:$0x19000] =	vst v63  }
0x502: {  	s25 =	simm.s32 $0x7800  }
0x503: {  	[tilespmem:s25], [sflag:$0x1] =	stream.indirect_vreg.gather [hbm4b:s5+s3], $0x80, v3, vm0, $0xb8;
	[tilespmem:$0x19000] =	vst v63  }
0x504: {  	s25 =	simm.s32 $0x8000  }
0x505: {  	[tilespmem:s25], [sflag:$0x1] =	stream.indirect_vreg.gather [hbm4b:s6+s3], $0x80, v3, vm0, $0xb8;
	[tilespmem:$0x19000] =	vst v63  }
0x506: {  	s25 =	simm.s32 $0x8800  }
0x507: {  	[tilespmem:s25], [sflag:$0x1] =	stream.indirect_vreg.gather [hbm4b:s7+s3], $0x80, v3, vm0, $0xb8;
	[tilespmem:$0x19000] =	vst v63  }
0x508: {  	_ =	swait.ge [sflag:s22], $0x8000  }
0x509: {  	[sflag:s22] =	ssyncset.done $0x0  }
0x50a: {  	s25 =	rddreg [dreg:$0x1b];
	[sflag:s22] =	ssyncadd.s32 $0xFFFF8000  }
0x50b: {  	[hbm4b:s25+s3] =	stream.linear.scatter [tilespmem:s0], [sflag:$0x6], $0x8000, $0x38;
	[tilespmem:$0x19000] =	vst v63  }
0x50c: {  	_ =	swait.ge [sflag:s23], $0x8000  }
0x50d: {  	[sflag:s23] =	ssyncset.done $0x0  }
0x50e: {  	[sflag:s23] =	ssyncadd.s32 $0xFFFF8000  }
0x50f: {  	v3 =	vld [tilespmem:$0xC80];
	_ =	sdelay $0x4  }
0x510: {  	v50 =	vshll.u32 v3, $0x3  }
0x511: {  	v3 =	vand.u32 $0x7, v3;
	v4 =	vand.u32 $0xFFFFFFC0, v50  }
0x512: {  	v3 =	vor.u32 v3, v4  }
0x513: {  	v4 =	vperm.xlane v3, v0;
	_ =	sdelay $0x1  }
0x514: {  	v4 =	vadd.s32 v1, v4;
	_ =	sdelay $0x4  }
0x515: {  	[tilespmem:s29], [sflag:$0x2] =	stream.indirect_vreg.gather [hbm4b:s2+s3], $0x80, v4, vm0, $0xb8;
	[tilespmem:$0x19000] =	vst v63  }
0x516: {  	s17 =	simm.s32 $0x9800;
	v3 =	vperm.xlane v3, v2  }
0x517: {  	[tilespmem:s17], [sflag:$0x2] =	stream.indirect_vreg.gather [hbm4b:s5+s3], $0x80, v4, vm0, $0xb8;
	[tilespmem:$0x19000] =	vst v63  }
0x518: {  	s25 =	simm.s32 $0xA000;
	v3 =	vadd.s32 v1, v3  }
0x519: {  	[tilespmem:s25], [sflag:$0x2] =	stream.indirect_vreg.gather [hbm4b:s6+s3], $0x80, v4, vm0, $0xb8;
	[tilespmem:$0x19000] =	vst v63  }
0x51a: {  	s25 =	simm.s32 $0xA800  }
0x51b: {  	[tilespmem:s25], [sflag:$0x2] =	stream.indirect_vreg.gather [hbm4b:s7+s3], $0x80, v4, vm0, $0xb8;
	[tilespmem:$0x19000] =	vst v63  }
0x51c: {  	s25 =	simm.s32 $0xB000  }
0x51d: {  	[tilespmem:s25], [sflag:$0x2] =	stream.indirect_vreg.gather [hbm4b:s2+s3], $0x80, v3, vm0, $0xb8;
	[tilespmem:$0x19000] =	vst v63  }
0x51e: {  	s25 =	simm.s32 $0xB800  }
0x51f: {  	[tilespmem:s25], [sflag:$0x2] =	stream.indirect_vreg.gather [hbm4b:s5+s3], $0x80, v3, vm0, $0xb8;
	[tilespmem:$0x19000] =	vst v63  }
0x520: {  	s25 =	simm.s32 $0xC000  }
0x521: {  	[tilespmem:s25], [sflag:$0x2] =	stream.indirect_vreg.gather [hbm4b:s6+s3], $0x80, v3, vm0, $0xb8;
	[tilespmem:$0x19000] =	vst v63  }
0x522: {  	s16 =	simm.s32 $0xC800  }
0x523: {  	[tilespmem:s16], [sflag:$0x2] =	stream.indirect_vreg.gather [hbm4b:s7+s3], $0x80, v3, vm0, $0xb8;
	[tilespmem:$0x19000] =	vst v63  }
0x524: {  	v3 =	vld [tilespmem:$0xC90];
	_ =	sdelay $0x4  }
0x525: {  	v51 =	vshll.u32 v3, $0x3  }
0x526: {  	v3 =	vand.u32 $0x7, v3;
	v4 =	vand.u32 $0xFFFFFFC0, v51  }
0x527: {  	v3 =	vor.u32 v3, v4  }
0x528: {  	v4 =	vperm.xlane v3, v0;
	_ =	sdelay $0x1  }
0x529: {  	v4 =	vadd.s32 v1, v4;
	_ =	sdelay $0x3  }
0x52a: {  	s19 =	simm.s32 $0xD000  }
0x52b: {  	[tilespmem:s19], [sflag:$0x2] =	stream.indirect_vreg.gather [hbm4b:s2+s3], $0x80, v4, vm0, $0xb8;
	[tilespmem:$0x19000] =	vst v63  }
0x52c: {  	s1 =	simm.s32 $0xD800;
	v3 =	vperm.xlane v3, v2  }
0x52d: {  	[tilespmem:s1], [sflag:$0x2] =	stream.indirect_vreg.gather [hbm4b:s5+s3], $0x80, v4, vm0, $0xb8;
	[tilespmem:$0x19000] =	vst v63  }
0x52e: {  	s28 =	simm.s32 $0xE000;
	v3 =	vadd.s32 v1, v3  }
0x52f: {  	[tilespmem:s28], [sflag:$0x2] =	stream.indirect_vreg.gather [hbm4b:s6+s3], $0x80, v4, vm0, $0xb8;
	[tilespmem:$0x19000] =	vst v63  }
0x530: {  	s9 =	simm.s32 $0xE800  }
0x531: {  	[tilespmem:s9], [sflag:$0x2] =	stream.indirect_vreg.gather [hbm4b:s7+s3], $0x80, v4, vm0, $0xb8;
	[tilespmem:$0x19000] =	vst v63  }
0x532: {  	s13 =	simm.s32 $0xF000  }
0x533: {  	[tilespmem:s13], [sflag:$0x2] =	stream.indirect_vreg.gather [hbm4b:s2+s3], $0x80, v3, vm0, $0xb8;
	[tilespmem:$0x19000] =	vst v63  }
0x534: {  	s14 =	simm.s32 $0xF800  }
0x535: {  	[tilespmem:s14], [sflag:$0x2] =	stream.indirect_vreg.gather [hbm4b:s5+s3], $0x80, v3, vm0, $0xb8;
	[tilespmem:$0x19000] =	vst v63  }
0x536: {  	s9 =	simm.s32 $0x10000  }
0x537: {  	[tilespmem:s9], [sflag:$0x2] =	stream.indirect_vreg.gather [hbm4b:s6+s3], $0x80, v3, vm0, $0xb8;
	[tilespmem:$0x19000] =	vst v63  }
0x538: {  	s4 =	simm.s32 $0x10800  }
0x539: {  	[tilespmem:s4], [sflag:$0x2] =	stream.indirect_vreg.gather [hbm4b:s7+s3], $0x80, v3, vm0, $0xb8;
	[tilespmem:$0x19000] =	vst v63  }
0x53a: {  	_ =	swait.ge [sflag:s18], $0x8000  }
0x53b: {  	[sflag:s18] =	ssyncset.done $0x0  }
0x53c: {  	s13 =	rddreg [dreg:$0x1c];
	[sflag:s18] =	ssyncadd.s32 $0xFFFF8000  }
0x53d: {  	[hbm4b:s13+s3] =	stream.linear.scatter [tilespmem:s8], [sflag:$0x4], $0x8000, $0x38;
	[tilespmem:$0x19000] =	vst v63  }
0x53e: {  	_ =	swait.ge [sflag:s24], $0x8000  }
0x53f: {  	[sflag:s24] =	ssyncset.done $0x0  }
0x540: {  	[sflag:s24] =	ssyncadd.s32 $0xFFFF8000  }
0x541: {  	v3 =	vld [tilespmem:$0xD00];
	_ =	sdelay $0x4  }
0x542: {  	v52 =	vshll.u32 v3, $0x3  }
0x543: {  	v3 =	vand.u32 $0x7, v3;
	v4 =	vand.u32 $0xFFFFFFC0, v52  }
0x544: {  	v3 =	vor.u32 v3, v4  }
0x545: {  	v4 =	vperm.xlane v3, v0;
	_ =	sdelay $0x1  }
0x546: {  	v4 =	vadd.s32 v1, v4;
	_ =	sdelay $0x4  }
0x547: {  	[tilespmem:s0], [sflag:$0x3] =	stream.indirect_vreg.gather [hbm4b:s2+s3], $0x80, v4, vm0, $0xb8;
	[tilespmem:$0x19000] =	vst v63  }
0x548: {  	s14 =	simm.s32 $0x11800;
	v3 =	vperm.xlane v3, v2  }
0x549: {  	[tilespmem:s14], [sflag:$0x3] =	stream.indirect_vreg.gather [hbm4b:s5+s3], $0x80, v4, vm0, $0xb8;
	[tilespmem:$0x19000] =	vst v63  }
0x54a: {  	s15 =	simm.s32 $0x12000;
	v3 =	vadd.s32 v1, v3  }
0x54b: {  	[tilespmem:s15], [sflag:$0x3] =	stream.indirect_vreg.gather [hbm4b:s6+s3], $0x80, v4, vm0, $0xb8;
	[tilespmem:$0x19000] =	vst v63  }
0x54c: {  	s11 =	simm.s32 $0x12800  }
0x54d: {  	[tilespmem:s11], [sflag:$0x3] =	stream.indirect_vreg.gather [hbm4b:s7+s3], $0x80, v4, vm0, $0xb8;
	[tilespmem:$0x19000] =	vst v63  }
0x54e: {  	s31 =	simm.s32 $0x13000  }
0x54f: {  	[tilespmem:s31], [sflag:$0x3] =	stream.indirect_vreg.gather [hbm4b:s2+s3], $0x80, v3, vm0, $0xb8;
	[tilespmem:$0x19000] =	vst v63  }
0x550: {  	s10 =	simm.s32 $0x13800  }
0x551: {  	[tilespmem:s10], [sflag:$0x3] =	stream.indirect_vreg.gather [hbm4b:s5+s3], $0x80, v3, vm0, $0xb8;
	[tilespmem:$0x19000] =	vst v63  }
0x552: {  	s12 =	simm.s32 $0x14000  }
0x553: {  	[tilespmem:s12], [sflag:$0x3] =	stream.indirect_vreg.gather [hbm4b:s6+s3], $0x80, v3, vm0, $0xb8;
	[tilespmem:$0x19000] =	vst v63  }
0x554: {  	s19 =	simm.s32 $0x14800  }
0x555: {  	[tilespmem:s19], [sflag:$0x3] =	stream.indirect_vreg.gather [hbm4b:s7+s3], $0x80, v3, vm0, $0xb8;
	[tilespmem:$0x19000] =	vst v63  }
0x556: {  	v3 =	vld [tilespmem:$0xD10];
	_ =	sdelay $0x4  }
0x557: {  	v53 =	vshll.u32 v3, $0x3  }
0x558: {  	v3 =	vand.u32 $0x7, v3;
	v4 =	vand.u32 $0xFFFFFFC0, v53  }
0x559: {  	v3 =	vor.u32 v3, v4  }
0x55a: {  	v4 =	vperm.xlane v3, v0;
	_ =	sdelay $0x1  }
0x55b: {  	v4 =	vadd.s32 v1, v4;
	_ =	sdelay $0x3  }
0x55c: {  	s25 =	simm.s32 $0x15000  }
0x55d: {  	[tilespmem:s25], [sflag:$0x3] =	stream.indirect_vreg.gather [hbm4b:s2+s3], $0x80, v4, vm0, $0xb8;
	[tilespmem:$0x19000] =	vst v63  }
0x55e: {  	s28 =	simm.s32 $0x15800;
	v3 =	vperm.xlane v3, v2  }
0x55f: {  	[tilespmem:s28], [sflag:$0x3] =	stream.indirect_vreg.gather [hbm4b:s5+s3], $0x80, v4, vm0, $0xb8;
	[tilespmem:$0x19000] =	vst v63  }
0x560: {  	s30 =	simm.s32 $0x16000;
	v3 =	vadd.s32 v1, v3  }
0x561: {  	[tilespmem:s30], [sflag:$0x3] =	stream.indirect_vreg.gather [hbm4b:s6+s3], $0x80, v4, vm0, $0xb8;
	[tilespmem:$0x19000] =	vst v63  }
0x562: {  	s31 =	simm.s32 $0x16800  }
0x563: {  	[tilespmem:s31], [sflag:$0x3] =	stream.indirect_vreg.gather [hbm4b:s7+s3], $0x80, v4, vm0, $0xb8;
	[tilespmem:$0x19000] =	vst v63  }
0x564: {  	s26 =	simm.s32 $0x17000  }
0x565: {  	[tilespmem:s26], [sflag:$0x3] =	stream.indirect_vreg.gather [hbm4b:s2+s3], $0x80, v3, vm0, $0xb8;
	[tilespmem:$0x19000] =	vst v63  }
0x566: {  	s14 =	simm.s32 $0x17800  }
0x567: {  	[tilespmem:s14], [sflag:$0x3] =	stream.indirect_vreg.gather [hbm4b:s5+s3], $0x80, v3, vm0, $0xb8;
	[tilespmem:$0x19000] =	vst v63  }
0x568: {  	s19 =	simm.s32 $0x18000  }
0x569: {  	[tilespmem:s19], [sflag:$0x3] =	stream.indirect_vreg.gather [hbm4b:s6+s3], $0x80, v3, vm0, $0xb8;
	[tilespmem:$0x19000] =	vst v63  }
0x56a: {  	s28 =	simm.s32 $0x18800  }
0x56b: {  	[tilespmem:s28], [sflag:$0x3] =	stream.indirect_vreg.gather [hbm4b:s7+s3], $0x80, v3, vm0, $0xb8;
	[tilespmem:$0x19000] =	vst v63  }
0x56c: {  	_ =	swait.ge [sflag:s20], $0x8000  }
0x56d: {  	[sflag:s20] =	ssyncset.done $0x0  }
0x56e: {  	s14 =	rddreg [dreg:$0x1d];
	[sflag:s20] =	ssyncadd.s32 $0xFFFF8000  }
0x56f: {  	[hbm4b:s14+s3] =	stream.linear.scatter [tilespmem:s29], [sflag:$0x5], $0x8000, $0x38;
	[tilespmem:$0x19000] =	vst v63  }
0x570: {  	_ =	swait.ge [sflag:s21], $0x8000  }
0x571: {  	[sflag:s21] =	ssyncset.done $0x0  }
0x572: {  	[sflag:s21] =	ssyncadd.s32 $0xFFFF8000  }
0x573: {  	v3 =	vld [tilespmem:$0xD80];
	_ =	sdelay $0x4  }
0x574: {  	v54 =	vshll.u32 v3, $0x3  }
0x575: {  	v3 =	vand.u32 $0x7, v3;
	v4 =	vand.u32 $0xFFFFFFC0, v54  }
0x576: {  	v3 =	vor.u32 v3, v4  }
0x577: {  	v4 =	vperm.xlane v3, v0;
	_ =	sdelay $0x1  }
0x578: {  	v4 =	vadd.s32 v1, v4;
	_ =	sdelay $0x4  }
0x579: {  	[tilespmem:s8], [sflag:$0x1] =	stream.indirect_vreg.gather [hbm4b:s2+s3], $0x80, v4, vm0, $0xb8;
	[tilespmem:$0x19000] =	vst v63  }
0x57a: {  	s19 =	simm.s32 $0x1800;
	v3 =	vperm.xlane v3, v2  }
0x57b: {  	[tilespmem:s19], [sflag:$0x1] =	stream.indirect_vreg.gather [hbm4b:s5+s3], $0x80, v4, vm0, $0xb8;
	[tilespmem:$0x19000] =	vst v63  }
0x57c: {  	s25 =	simm.s32 $0x2000;
	v3 =	vadd.s32 v1, v3  }
0x57d: {  	[tilespmem:s25], [sflag:$0x1] =	stream.indirect_vreg.gather [hbm4b:s6+s3], $0x80, v4, vm0, $0xb8;
	[tilespmem:$0x19000] =	vst v63  }
0x57e: {  	s28 =	simm.s32 $0x2800  }
0x57f: {  	[tilespmem:s28], [sflag:$0x1] =	stream.indirect_vreg.gather [hbm4b:s7+s3], $0x80, v4, vm0, $0xb8;
	[tilespmem:$0x19000] =	vst v63  }
0x580: {  	s19 =	simm.s32 $0x3000  }
0x581: {  	[tilespmem:s19], [sflag:$0x1] =	stream.indirect_vreg.gather [hbm4b:s2+s3], $0x80, v3, vm0, $0xb8;
	[tilespmem:$0x19000] =	vst v63  }
0x582: {  	s25 =	simm.s32 $0x3800  }
0x583: {  	[tilespmem:s25], [sflag:$0x1] =	stream.indirect_vreg.gather [hbm4b:s5+s3], $0x80, v3, vm0, $0xb8;
	[tilespmem:$0x19000] =	vst v63  }
0x584: {  	s28 =	simm.s32 $0x4000  }
0x585: {  	[tilespmem:s28], [sflag:$0x1] =	stream.indirect_vreg.gather [hbm4b:s6+s3], $0x80, v3, vm0, $0xb8;
	[tilespmem:$0x19000] =	vst v63  }
0x586: {  	s19 =	simm.s32 $0x4800  }
0x587: {  	[tilespmem:s19], [sflag:$0x1] =	stream.indirect_vreg.gather [hbm4b:s7+s3], $0x80, v3, vm0, $0xb8;
	[tilespmem:$0x19000] =	vst v63  }
0x588: {  	v3 =	vld [tilespmem:$0xD90];
	_ =	sdelay $0x4  }
0x589: {  	v55 =	vshll.u32 v3, $0x3  }
0x58a: {  	v3 =	vand.u32 $0x7, v3;
	v4 =	vand.u32 $0xFFFFFFC0, v55  }
0x58b: {  	v3 =	vor.u32 v3, v4  }
0x58c: {  	v4 =	vperm.xlane v3, v0;
	_ =	sdelay $0x1  }
0x58d: {  	v4 =	vadd.s32 v1, v4;
	_ =	sdelay $0x3  }
0x58e: {  	s25 =	simm.s32 $0x5000  }
0x58f: {  	[tilespmem:s25], [sflag:$0x1] =	stream.indirect_vreg.gather [hbm4b:s2+s3], $0x80, v4, vm0, $0xb8;
	[tilespmem:$0x19000] =	vst v63  }
0x590: {  	s28 =	simm.s32 $0x5800;
	v3 =	vperm.xlane v3, v2  }
0x591: {  	[tilespmem:s28], [sflag:$0x1] =	stream.indirect_vreg.gather [hbm4b:s5+s3], $0x80, v4, vm0, $0xb8;
	[tilespmem:$0x19000] =	vst v63  }
0x592: {  	s19 =	simm.s32 $0x6000;
	v3 =	vadd.s32 v1, v3  }
0x593: {  	[tilespmem:s19], [sflag:$0x1] =	stream.indirect_vreg.gather [hbm4b:s6+s3], $0x80, v4, vm0, $0xb8;
	[tilespmem:$0x19000] =	vst v63  }
0x594: {  	s25 =	simm.s32 $0x6800  }
0x595: {  	[tilespmem:s25], [sflag:$0x1] =	stream.indirect_vreg.gather [hbm4b:s7+s3], $0x80, v4, vm0, $0xb8;
	[tilespmem:$0x19000] =	vst v63  }
0x596: {  	s28 =	simm.s32 $0x7000  }
0x597: {  	[tilespmem:s28], [sflag:$0x1] =	stream.indirect_vreg.gather [hbm4b:s2+s3], $0x80, v3, vm0, $0xb8;
	[tilespmem:$0x19000] =	vst v63  }
0x598: {  	s19 =	simm.s32 $0x7800  }
0x599: {  	[tilespmem:s19], [sflag:$0x1] =	stream.indirect_vreg.gather [hbm4b:s5+s3], $0x80, v3, vm0, $0xb8;
	[tilespmem:$0x19000] =	vst v63  }
0x59a: {  	s25 =	simm.s32 $0x8000  }
0x59b: {  	[tilespmem:s25], [sflag:$0x1] =	stream.indirect_vreg.gather [hbm4b:s6+s3], $0x80, v3, vm0, $0xb8;
	[tilespmem:$0x19000] =	vst v63  }
0x59c: {  	s28 =	simm.s32 $0x8800  }
0x59d: {  	[tilespmem:s28], [sflag:$0x1] =	stream.indirect_vreg.gather [hbm4b:s7+s3], $0x80, v3, vm0, $0xb8;
	[tilespmem:$0x19000] =	vst v63  }
0x59e: {  	_ =	swait.ge [sflag:s22], $0x8000  }
0x59f: {  	[sflag:s22] =	ssyncset.done $0x0  }
0x5a0: {  	s14 =	rddreg [dreg:$0x1e];
	[sflag:s22] =	ssyncadd.s32 $0xFFFF8000  }
0x5a1: {  	[hbm4b:s14+s3] =	stream.linear.scatter [tilespmem:s0], [sflag:$0x6], $0x8000, $0x38;
	[tilespmem:$0x19000] =	vst v63  }
0x5a2: {  	_ =	swait.ge [sflag:s23], $0x8000  }
0x5a3: {  	[sflag:s23] =	ssyncset.done $0x0  }
0x5a4: {  	[sflag:s23] =	ssyncadd.s32 $0xFFFF8000  }
0x5a5: {  	v3 =	vld [tilespmem:$0xE00];
	_ =	sdelay $0x4  }
0x5a6: {  	v56 =	vshll.u32 v3, $0x3  }
0x5a7: {  	v3 =	vand.u32 $0x7, v3;
	v4 =	vand.u32 $0xFFFFFFC0, v56  }
0x5a8: {  	v3 =	vor.u32 v3, v4  }
0x5a9: {  	v4 =	vperm.xlane v3, v0;
	_ =	sdelay $0x1  }
0x5aa: {  	v4 =	vadd.s32 v1, v4;
	_ =	sdelay $0x4  }
0x5ab: {  	[tilespmem:s29], [sflag:$0x2] =	stream.indirect_vreg.gather [hbm4b:s2+s3], $0x80, v4, vm0, $0xb8;
	[tilespmem:$0x19000] =	vst v63  }
0x5ac: {  	s19 =	simm.s32 $0x9800;
	v3 =	vperm.xlane v3, v2  }
0x5ad: {  	[tilespmem:s19], [sflag:$0x2] =	stream.indirect_vreg.gather [hbm4b:s5+s3], $0x80, v4, vm0, $0xb8;
	[tilespmem:$0x19000] =	vst v63  }
0x5ae: {  	s25 =	simm.s32 $0xA000;
	v3 =	vadd.s32 v1, v3  }
0x5af: {  	[tilespmem:s25], [sflag:$0x2] =	stream.indirect_vreg.gather [hbm4b:s6+s3], $0x80, v4, vm0, $0xb8;
	[tilespmem:$0x19000] =	vst v63  }
0x5b0: {  	s28 =	simm.s32 $0xA800  }
0x5b1: {  	[tilespmem:s28], [sflag:$0x2] =	stream.indirect_vreg.gather [hbm4b:s7+s3], $0x80, v4, vm0, $0xb8;
	[tilespmem:$0x19000] =	vst v63  }
0x5b2: {  	s25 =	simm.s32 $0xB000  }
0x5b3: {  	[tilespmem:s25], [sflag:$0x2] =	stream.indirect_vreg.gather [hbm4b:s2+s3], $0x80, v3, vm0, $0xb8;
	[tilespmem:$0x19000] =	vst v63  }
0x5b4: {  	s28 =	simm.s32 $0xB800  }
0x5b5: {  	[tilespmem:s28], [sflag:$0x2] =	stream.indirect_vreg.gather [hbm4b:s5+s3], $0x80, v3, vm0, $0xb8;
	[tilespmem:$0x19000] =	vst v63  }
0x5b6: {  	s25 =	simm.s32 $0xC000  }
0x5b7: {  	[tilespmem:s25], [sflag:$0x2] =	stream.indirect_vreg.gather [hbm4b:s6+s3], $0x80, v3, vm0, $0xb8;
	[tilespmem:$0x19000] =	vst v63  }
0x5b8: {  	s28 =	simm.s32 $0xC800  }
0x5b9: {  	[tilespmem:s28], [sflag:$0x2] =	stream.indirect_vreg.gather [hbm4b:s7+s3], $0x80, v3, vm0, $0xb8;
	[tilespmem:$0x19000] =	vst v63  }
0x5ba: {  	v3 =	vld [tilespmem:$0xE10];
	_ =	sdelay $0x4  }
0x5bb: {  	v57 =	vshll.u32 v3, $0x3  }
0x5bc: {  	v3 =	vand.u32 $0x7, v3;
	v4 =	vand.u32 $0xFFFFFFC0, v57  }
0x5bd: {  	v3 =	vor.u32 v3, v4  }
0x5be: {  	v4 =	vperm.xlane v3, v0;
	_ =	sdelay $0x1  }
0x5bf: {  	v4 =	vadd.s32 v1, v4;
	_ =	sdelay $0x3  }
0x5c0: {  	s25 =	simm.s32 $0xD000  }
0x5c1: {  	[tilespmem:s25], [sflag:$0x2] =	stream.indirect_vreg.gather [hbm4b:s2+s3], $0x80, v4, vm0, $0xb8;
	[tilespmem:$0x19000] =	vst v63  }
0x5c2: {  	s16 =	simm.s32 $0xD800;
	v3 =	vperm.xlane v3, v2  }
0x5c3: {  	[tilespmem:s16], [sflag:$0x2] =	stream.indirect_vreg.gather [hbm4b:s5+s3], $0x80, v4, vm0, $0xb8;
	[tilespmem:$0x19000] =	vst v63  }
0x5c4: {  	v3 =	vadd.s32 v1, v3;
	s25 =	simm.s32 $0xE000  }
0x5c5: {  	[tilespmem:s25], [sflag:$0x2] =	stream.indirect_vreg.gather [hbm4b:s6+s3], $0x80, v4, vm0, $0xb8;
	[tilespmem:$0x19000] =	vst v63  }
0x5c6: {  	s25 =	simm.s32 $0xE800  }
0x5c7: {  	[tilespmem:s25], [sflag:$0x2] =	stream.indirect_vreg.gather [hbm4b:s7+s3], $0x80, v4, vm0, $0xb8;
	[tilespmem:$0x19000] =	vst v63  }
0x5c8: {  	s25 =	simm.s32 $0xF000  }
0x5c9: {  	[tilespmem:s25], [sflag:$0x2] =	stream.indirect_vreg.gather [hbm4b:s2+s3], $0x80, v3, vm0, $0xb8;
	[tilespmem:$0x19000] =	vst v63  }
0x5ca: {  	s25 =	simm.s32 $0xF800  }
0x5cb: {  	[tilespmem:s25], [sflag:$0x2] =	stream.indirect_vreg.gather [hbm4b:s5+s3], $0x80, v3, vm0, $0xb8;
	[tilespmem:$0x19000] =	vst v63  }
0x5cc: {  	s25 =	simm.s32 $0x10000  }
0x5cd: {  	[tilespmem:s25], [sflag:$0x2] =	stream.indirect_vreg.gather [hbm4b:s6+s3], $0x80, v3, vm0, $0xb8;
	[tilespmem:$0x19000] =	vst v63  }
0x5ce: {  	s17 =	simm.s32 $0x10800  }
0x5cf: {  	[tilespmem:s17], [sflag:$0x2] =	stream.indirect_vreg.gather [hbm4b:s7+s3], $0x80, v3, vm0, $0xb8;
	[tilespmem:$0x19000] =	vst v63  }
0x5d0: {  	_ =	swait.ge [sflag:s18], $0x8000  }
0x5d1: {  	[sflag:s18] =	ssyncset.done $0x0  }
0x5d2: {  	s17 =	rddreg [dreg:$0x1f];
	[sflag:s18] =	ssyncadd.s32 $0xFFFF8000  }
0x5d3: {  	[hbm4b:s17+s3] =	stream.linear.scatter [tilespmem:s8], [sflag:$0x4], $0x8000, $0x38;
	[tilespmem:$0x19000] =	vst v63  }
0x5d4: {  	_ =	swait.ge [sflag:s24], $0x8000  }
0x5d5: {  	[sflag:s24] =	ssyncset.done $0x0  }
0x5d6: {  	[sflag:s24] =	ssyncadd.s32 $0xFFFF8000  }
0x5d7: {  	v3 =	vld [tilespmem:$0xE80];
	_ =	sdelay $0x4  }
0x5d8: {  	v58 =	vshll.u32 v3, $0x3  }
0x5d9: {  	v3 =	vand.u32 $0x7, v3;
	v4 =	vand.u32 $0xFFFFFFC0, v58  }
0x5da: {  	v3 =	vor.u32 v3, v4  }
0x5db: {  	v4 =	vperm.xlane v3, v0;
	_ =	sdelay $0x1  }
0x5dc: {  	v4 =	vadd.s32 v1, v4;
	_ =	sdelay $0x4  }
0x5dd: {  	[tilespmem:s0], [sflag:$0x3] =	stream.indirect_vreg.gather [hbm4b:s2+s3], $0x80, v4, vm0, $0xb8;
	[tilespmem:$0x19000] =	vst v63  }
0x5de: {  	s9 =	simm.s32 $0x11800;
	v3 =	vperm.xlane v3, v2  }
0x5df: {  	[tilespmem:s9], [sflag:$0x3] =	stream.indirect_vreg.gather [hbm4b:s5+s3], $0x80, v4, vm0, $0xb8;
	[tilespmem:$0x19000] =	vst v63  }
0x5e0: {  	s1 =	simm.s32 $0x12000;
	v3 =	vadd.s32 v1, v3  }
0x5e1: {  	[tilespmem:s1], [sflag:$0x3] =	stream.indirect_vreg.gather [hbm4b:s6+s3], $0x80, v4, vm0, $0xb8;
	[tilespmem:$0x19000] =	vst v63  }
0x5e2: {  	s4 =	simm.s32 $0x12800  }
0x5e3: {  	[tilespmem:s4], [sflag:$0x3] =	stream.indirect_vreg.gather [hbm4b:s7+s3], $0x80, v4, vm0, $0xb8;
	[tilespmem:$0x19000] =	vst v63  }
0x5e4: {  	s13 =	simm.s32 $0x13000  }
0x5e5: {  	[tilespmem:s13], [sflag:$0x3] =	stream.indirect_vreg.gather [hbm4b:s2+s3], $0x80, v3, vm0, $0xb8;
	[tilespmem:$0x19000] =	vst v63  }
0x5e6: {  	s11 =	simm.s32 $0x13800  }
0x5e7: {  	[tilespmem:s11], [sflag:$0x3] =	stream.indirect_vreg.gather [hbm4b:s5+s3], $0x80, v3, vm0, $0xb8;
	[tilespmem:$0x19000] =	vst v63  }
0x5e8: {  	s10 =	simm.s32 $0x14000  }
0x5e9: {  	[tilespmem:s10], [sflag:$0x3] =	stream.indirect_vreg.gather [hbm4b:s6+s3], $0x80, v3, vm0, $0xb8;
	[tilespmem:$0x19000] =	vst v63  }
0x5ea: {  	s10 =	simm.s32 $0x14800  }
0x5eb: {  	[tilespmem:s10], [sflag:$0x3] =	stream.indirect_vreg.gather [hbm4b:s7+s3], $0x80, v3, vm0, $0xb8;
	[tilespmem:$0x19000] =	vst v63  }
0x5ec: {  	v3 =	vld [tilespmem:$0xE90];
	_ =	sdelay $0x4  }
0x5ed: {  	v59 =	vshll.u32 v3, $0x3  }
0x5ee: {  	v3 =	vand.u32 $0x7, v3;
	v4 =	vand.u32 $0xFFFFFFC0, v59  }
0x5ef: {  	v3 =	vor.u32 v3, v4  }
0x5f0: {  	v4 =	vperm.xlane v3, v0;
	_ =	sdelay $0x1  }
0x5f1: {  	v4 =	vadd.s32 v1, v4;
	_ =	sdelay $0x3  }
0x5f2: {  	s11 =	simm.s32 $0x15000  }
0x5f3: {  	[tilespmem:s11], [sflag:$0x3] =	stream.indirect_vreg.gather [hbm4b:s2+s3], $0x80, v4, vm0, $0xb8;
	[tilespmem:$0x19000] =	vst v63  }
0x5f4: {  	s13 =	simm.s32 $0x15800;
	v3 =	vperm.xlane v3, v2  }
0x5f5: {  	[tilespmem:s13], [sflag:$0x3] =	stream.indirect_vreg.gather [hbm4b:s5+s3], $0x80, v4, vm0, $0xb8;
	[tilespmem:$0x19000] =	vst v63  }
0x5f6: {  	s15 =	simm.s32 $0x16000;
	v3 =	vadd.s32 v1, v3  }
0x5f7: {  	[tilespmem:s15], [sflag:$0x3] =	stream.indirect_vreg.gather [hbm4b:s6+s3], $0x80, v4, vm0, $0xb8;
	[tilespmem:$0x19000] =	vst v63  }
0x5f8: {  	s30 =	simm.s32 $0x16800  }
0x5f9: {  	[tilespmem:s30], [sflag:$0x3] =	stream.indirect_vreg.gather [hbm4b:s7+s3], $0x80, v4, vm0, $0xb8;
	[tilespmem:$0x19000] =	vst v63  }
0x5fa: {  	s12 =	simm.s32 $0x17000  }
0x5fb: {  	[tilespmem:s12], [sflag:$0x3] =	stream.indirect_vreg.gather [hbm4b:s2+s3], $0x80, v3, vm0, $0xb8;
	[tilespmem:$0x19000] =	vst v63  }
0x5fc: {  	s26 =	simm.s32 $0x17800  }
0x5fd: {  	[tilespmem:s26], [sflag:$0x3] =	stream.indirect_vreg.gather [hbm4b:s5+s3], $0x80, v3, vm0, $0xb8;
	[tilespmem:$0x19000] =	vst v63  }
0x5fe: {  	s31 =	simm.s32 $0x18000  }
0x5ff: {  	[tilespmem:s31], [sflag:$0x3] =	stream.indirect_vreg.gather [hbm4b:s6+s3], $0x80, v3, vm0, $0xb8;
	[tilespmem:$0x19000] =	vst v63  }
0x600: {  	s15 =	simm.s32 $0x18800  }
0x601: {  	[tilespmem:s15], [sflag:$0x3] =	stream.indirect_vreg.gather [hbm4b:s7+s3], $0x80, v3, vm0, $0xb8;
	[tilespmem:$0x19000] =	vst v63  }
0x602: {  	_ =	swait.ge [sflag:s20], $0x8000  }
0x603: {  	s17 =	sld [smem:$0x7F9]  }
0x604: {  	[sflag:s20] =	ssyncset.done $0x0  }
0x605: {  	[sflag:s20] =	ssyncadd.s32 $0xFFFF8000  }
0x606: {  	[hbm4b:s17+s3] =	stream.linear.scatter [tilespmem:s29], [sflag:$0x5], $0x8000, $0x38;
	[tilespmem:$0x19000] =	vst v63  }
0x607: {  	_ =	swait.ge [sflag:s21], $0x8000  }
0x608: {  	[sflag:s21] =	ssyncset.done $0x0  }
0x609: {  	[sflag:s21] =	ssyncadd.s32 $0xFFFF8000  }
0x60a: {  	v3 =	vld [tilespmem:$0xF00];
	_ =	sdelay $0x4  }
0x60b: {  	v60 =	vshll.u32 v3, $0x3  }
0x60c: {  	v3 =	vand.u32 $0x7, v3;
	v4 =	vand.u32 $0xFFFFFFC0, v60  }
0x60d: {  	v3 =	vor.u32 v3, v4  }
0x60e: {  	v4 =	vperm.xlane v3, v0;
	_ =	sdelay $0x1  }
0x60f: {  	v4 =	vadd.s32 v1, v4;
	_ =	sdelay $0x4  }
0x610: {  	[tilespmem:s8], [sflag:$0x1] =	stream.indirect_vreg.gather [hbm4b:s2+s3], $0x80, v4, vm0, $0xb8;
	[tilespmem:$0x19000] =	vst v63  }
0x611: {  	s26 =	simm.s32 $0x1800;
	v3 =	vperm.xlane v3, v2  }
0x612: {  	[tilespmem:s26], [sflag:$0x1] =	stream.indirect_vreg.gather [hbm4b:s5+s3], $0x80, v4, vm0, $0xb8;
	[tilespmem:$0x19000] =	vst v63  }
0x613: {  	s30 =	simm.s32 $0x2000;
	v3 =	vadd.s32 v1, v3  }
0x614: {  	[tilespmem:s30], [sflag:$0x1] =	stream.indirect_vreg.gather [hbm4b:s6+s3], $0x80, v4, vm0, $0xb8;
	[tilespmem:$0x19000] =	vst v63  }
0x615: {  	s31 =	simm.s32 $0x2800  }
0x616: {  	[tilespmem:s31], [sflag:$0x1] =	stream.indirect_vreg.gather [hbm4b:s7+s3], $0x80, v4, vm0, $0xb8;
	[tilespmem:$0x19000] =	vst v63  }
0x617: {  	s4 =	simm.s32 $0x3000  }
0x618: {  	[tilespmem:s4], [sflag:$0x1] =	stream.indirect_vreg.gather [hbm4b:s2+s3], $0x80, v3, vm0, $0xb8;
	[tilespmem:$0x19000] =	vst v63  }
0x619: {  	s9 =	simm.s32 $0x3800  }
0x61a: {  	[tilespmem:s9], [sflag:$0x1] =	stream.indirect_vreg.gather [hbm4b:s5+s3], $0x80, v3, vm0, $0xb8;
	[tilespmem:$0x19000] =	vst v63  }
0x61b: {  	s10 =	simm.s32 $0x4000  }
0x61c: {  	[tilespmem:s10], [sflag:$0x1] =	stream.indirect_vreg.gather [hbm4b:s6+s3], $0x80, v3, vm0, $0xb8;
	[tilespmem:$0x19000] =	vst v63  }
0x61d: {  	s11 =	simm.s32 $0x4800  }
0x61e: {  	[tilespmem:s11], [sflag:$0x1] =	stream.indirect_vreg.gather [hbm4b:s7+s3], $0x80, v3, vm0, $0xb8;
	[tilespmem:$0x19000] =	vst v63  }
0x61f: {  	v3 =	vld [tilespmem:$0xF10];
	_ =	sdelay $0x4  }
0x620: {  	v61 =	vshll.u32 v3, $0x3  }
0x621: {  	v3 =	vand.u32 $0x7, v3;
	v4 =	vand.u32 $0xFFFFFFC0, v61  }
0x622: {  	v3 =	vor.u32 v3, v4  }
0x623: {  	v4 =	vperm.xlane v3, v0;
	_ =	sdelay $0x1  }
0x624: {  	v4 =	vadd.s32 v1, v4;
	_ =	sdelay $0x3  }
0x625: {  	s12 =	simm.s32 $0x5000  }
0x626: {  	[tilespmem:s12], [sflag:$0x1] =	stream.indirect_vreg.gather [hbm4b:s2+s3], $0x80, v4, vm0, $0xb8;
	[tilespmem:$0x19000] =	vst v63  }
0x627: {  	s13 =	simm.s32 $0x5800;
	v3 =	vperm.xlane v3, v2  }
0x628: {  	[tilespmem:s13], [sflag:$0x1] =	stream.indirect_vreg.gather [hbm4b:s5+s3], $0x80, v4, vm0, $0xb8;
	[tilespmem:$0x19000] =	vst v63  }
0x629: {  	s15 =	simm.s32 $0x6000;
	v3 =	vadd.s32 v1, v3  }
0x62a: {  	[tilespmem:s15], [sflag:$0x1] =	stream.indirect_vreg.gather [hbm4b:s6+s3], $0x80, v4, vm0, $0xb8;
	[tilespmem:$0x19000] =	vst v63  }
0x62b: {  	s17 =	simm.s32 $0x6800  }
0x62c: {  	[tilespmem:s17], [sflag:$0x1] =	stream.indirect_vreg.gather [hbm4b:s7+s3], $0x80, v4, vm0, $0xb8;
	[tilespmem:$0x19000] =	vst v63  }
0x62d: {  	s25 =	simm.s32 $0x7000  }
0x62e: {  	[tilespmem:s25], [sflag:$0x1] =	stream.indirect_vreg.gather [hbm4b:s2+s3], $0x80, v3, vm0, $0xb8;
	[tilespmem:$0x19000] =	vst v63  }
0x62f: {  	s26 =	simm.s32 $0x7800  }
0x630: {  	[tilespmem:s26], [sflag:$0x1] =	stream.indirect_vreg.gather [hbm4b:s5+s3], $0x80, v3, vm0, $0xb8;
	[tilespmem:$0x19000] =	vst v63  }
0x631: {  	s30 =	simm.s32 $0x8000  }
0x632: {  	[tilespmem:s30], [sflag:$0x1] =	stream.indirect_vreg.gather [hbm4b:s6+s3], $0x80, v3, vm0, $0xb8;
	[tilespmem:$0x19000] =	vst v63  }
0x633: {  	s31 =	simm.s32 $0x8800  }
0x634: {  	[tilespmem:s31], [sflag:$0x1] =	stream.indirect_vreg.gather [hbm4b:s7+s3], $0x80, v3, vm0, $0xb8;
	[tilespmem:$0x19000] =	vst v63  }
0x635: {  	_ =	swait.ge [sflag:s22], $0x8000  }
0x636: {  	s1 =	sld [smem:$0x7FA]  }
0x637: {  	[sflag:s22] =	ssyncset.done $0x0  }
0x638: {  	[sflag:s22] =	ssyncadd.s32 $0xFFFF8000  }
0x639: {  	[hbm4b:s1+s3] =	stream.linear.scatter [tilespmem:s0], [sflag:$0x6], $0x8000, $0x38;
	[tilespmem:$0x19000] =	vst v63  }
0x63a: {  	_ =	swait.ge [sflag:s23], $0x8000  }
0x63b: {  	[sflag:s23] =	ssyncset.done $0x0  }
0x63c: {  	[sflag:s23] =	ssyncadd.s32 $0xFFFF8000  }
0x63d: {  	v3 =	vld [tilespmem:$0xF80];
	_ =	sdelay $0x4  }
0x63e: {  	v62 =	vshll.u32 v3, $0x3  }
0x63f: {  	v3 =	vand.u32 $0x7, v3;
	v4 =	vand.u32 $0xFFFFFFC0, v62  }
0x640: {  	v3 =	vor.u32 v3, v4  }
0x641: {  	v4 =	vperm.xlane v3, v0;
	_ =	sdelay $0x1  }
0x642: {  	v4 =	vadd.s32 v1, v4;
	_ =	sdelay $0x4  }
0x643: {  	[tilespmem:s29], [sflag:$0x2] =	stream.indirect_vreg.gather [hbm4b:s2+s3], $0x80, v4, vm0, $0xb8;
	[tilespmem:$0x19000] =	vst v63  }
0x644: {  	s19 =	simm.s32 $0x9800;
	v3 =	vperm.xlane v3, v2  }
0x645: {  	[tilespmem:s19], [sflag:$0x2] =	stream.indirect_vreg.gather [hbm4b:s5+s3], $0x80, v4, vm0, $0xb8;
	[tilespmem:$0x19000] =	vst v63  }
0x646: {  	s4 =	simm.s32 $0xA000;
	v3 =	vadd.s32 v1, v3  }
0x647: {  	[tilespmem:s4], [sflag:$0x2] =	stream.indirect_vreg.gather [hbm4b:s6+s3], $0x80, v4, vm0, $0xb8;
	[tilespmem:$0x19000] =	vst v63  }
0x648: {  	s9 =	simm.s32 $0xA800  }
0x649: {  	[tilespmem:s9], [sflag:$0x2] =	stream.indirect_vreg.gather [hbm4b:s7+s3], $0x80, v4, vm0, $0xb8;
	[tilespmem:$0x19000] =	vst v63  }
0x64a: {  	s11 =	simm.s32 $0xB000  }
0x64b: {  	[tilespmem:s11], [sflag:$0x2] =	stream.indirect_vreg.gather [hbm4b:s2+s3], $0x80, v3, vm0, $0xb8;
	[tilespmem:$0x19000] =	vst v63  }
0x64c: {  	s12 =	simm.s32 $0xB800  }
0x64d: {  	[tilespmem:s12], [sflag:$0x2] =	stream.indirect_vreg.gather [hbm4b:s5+s3], $0x80, v3, vm0, $0xb8;
	[tilespmem:$0x19000] =	vst v63  }
0x64e: {  	s13 =	simm.s32 $0xC000  }
0x64f: {  	[tilespmem:s13], [sflag:$0x2] =	stream.indirect_vreg.gather [hbm4b:s6+s3], $0x80, v3, vm0, $0xb8;
	[tilespmem:$0x19000] =	vst v63  }
0x650: {  	s28 =	simm.s32 $0xC800  }
0x651: {  	[tilespmem:s28], [sflag:$0x2] =	stream.indirect_vreg.gather [hbm4b:s7+s3], $0x80, v3, vm0, $0xb8;
	[tilespmem:$0x19000] =	vst v63  }
0x652: {  	v3 =	vld [tilespmem:$0xF90];
	_ =	sdelay $0x4  }
0x653: {  	v63 =	vshll.u32 v3, $0x3  }
0x654: {  	v3 =	vand.u32 $0x7, v3;
	v4 =	vand.u32 $0xFFFFFFC0, v63  }
0x655: {  	v3 =	vor.u32 v3, v4  }
0x656: {  	v4 =	vperm.xlane v3, v0;
	_ =	sdelay $0x1  }
0x657: {  	v4 =	vadd.s32 v1, v4;
	_ =	sdelay $0x3  }
0x658: {  	s15 =	simm.s32 $0xD000  }
0x659: {  	[tilespmem:s15], [sflag:$0x2] =	stream.indirect_vreg.gather [hbm4b:s2+s3], $0x80, v4, vm0, $0xb8;
	[tilespmem:$0x19000] =	vst v63  }
0x65a: {  	s14 =	simm.s32 $0xD800;
	v3 =	vperm.xlane v3, v2  }
0x65b: {  	[tilespmem:s14], [sflag:$0x2] =	stream.indirect_vreg.gather [hbm4b:s5+s3], $0x80, v4, vm0, $0xb8;
	[tilespmem:$0x19000] =	vst v63  }
0x65c: {  	s17 =	simm.s32 $0xE000;
	v3 =	vadd.s32 v1, v3  }
0x65d: {  	[tilespmem:s17], [sflag:$0x2] =	stream.indirect_vreg.gather [hbm4b:s6+s3], $0x80, v4, vm0, $0xb8;
	[tilespmem:$0x19000] =	vst v63  }
0x65e: {  	s19 =	simm.s32 $0xE800  }
0x65f: {  	[tilespmem:s19], [sflag:$0x2] =	stream.indirect_vreg.gather [hbm4b:s7+s3], $0x80, v4, vm0, $0xb8;
	[tilespmem:$0x19000] =	vst v63  }
0x660: {  	s25 =	simm.s32 $0xF000  }
0x661: {  	[tilespmem:s25], [sflag:$0x2] =	stream.indirect_vreg.gather [hbm4b:s2+s3], $0x80, v3, vm0, $0xb8;
	[tilespmem:$0x19000] =	vst v63  }
0x662: {  	s26 =	simm.s32 $0xF800  }
0x663: {  	[tilespmem:s26], [sflag:$0x2] =	stream.indirect_vreg.gather [hbm4b:s5+s3], $0x80, v3, vm0, $0xb8;
	[tilespmem:$0x19000] =	vst v63  }
0x664: {  	s28 =	simm.s32 $0x10000  }
0x665: {  	[tilespmem:s28], [sflag:$0x2] =	stream.indirect_vreg.gather [hbm4b:s6+s3], $0x80, v3, vm0, $0xb8;
	[tilespmem:$0x19000] =	vst v63  }
0x666: {  	s16 =	simm.s32 $0x10800  }
0x667: {  	[tilespmem:s16], [sflag:$0x2] =	stream.indirect_vreg.gather [hbm4b:s7+s3], $0x80, v3, vm0, $0xb8;
	[tilespmem:$0x19000] =	vst v63  }
0x668: {  	s10 =	sld [smem:$0x7F8];
	_ =	swait.ge [sflag:s18], $0x8000  }
0x669: {  	s30 =	sld [smem:$0x7FB]  }
0x66a: {  	[sflag:s18] =	ssyncset.done $0x0  }
0x66b: {  	[sflag:s18] =	ssyncadd.s32 $0xFFFF8000  }
0x66c: {  	[hbm4b:s30+s3] =	stream.linear.scatter [tilespmem:s8], [sflag:$0x4], $0x8000, $0x38;
	[tilespmem:$0x19000] =	vst v63  }
0x66d: {  	_ =	swait.ge [sflag:s20], $0x8000  }
0x66e: {  	s31 =	sld [smem:$0x7FD]  }
0x66f: {  	[sflag:s20] =	ssyncset.done $0x0  }
0x670: {  	[sflag:s20] =	ssyncadd.s32 $0xFFFF8000  }
0x671: {  	[hbm4b:s31+s3] =	stream.linear.scatter [tilespmem:s29], [sflag:$0x5], $0x8000, $0x38;
	[tilespmem:$0x19000] =	vst v63  }
0x672: {  	_ =	swait.ge [sflag:s24], $0x8000  }
0x673: {  	[sflag:s24] =	ssyncset.done $0x0  }
0x674: {  	[sflag:s24] =	ssyncadd.s32 $0xFFFF8000  }
0x675: {  	p0 =	sne.s32 s10, $0x1;
	_ =	swait.ge [sflag:s21], $0x8000  }
.Ltmp0:
0x676: {  	[sflag:s21] =	ssyncset.done $0x0;
	(pc) =	sbr.rel @p0 .LBB2_1-.Ltmp0, $4  }
0x677: {  	[sflag:s21] =	ssyncadd.s32 $0xFFFF8000  }
0x678: {  	_ =	swait.ge [sflag:s23], $0x8000  }
0x679: {  	[sflag:s23] =	ssyncset.done $0x0  }
0x67a: {  	s0 =	sadd.s32 $0xFFFFFFFF, s10;
	[sflag:s23] =	ssyncadd.s32 $0xFFFF8000  }
0x67b: {  	_ =	sfence.sel $0x180000  }
0x67c: {  	[bflag:$0x0] =	sbarrier.arrive $0xFFFF  }
0x67d: {  	_ =	strace $0x90000047  }
0x67e: {  	s0 =	stileid.u32;
	[bflag:$0x2] =	sbarrier.arrive $0xFFFF  }
0x67f: {  	p0 =	sne.s32 s0, $0x0;
	s0 =	rddreg [dreg:$0x3]  }
0x680: {  	s0 =	sadd.s32 @!p0 $0x100000, s0  }
0x681: {  	[sflag:s0] =	ssyncadd.tile.s32 @!p0 $0x1;
	_ =	shalt  }
.Lfunc_end2:
_tile_overlayer_lowered:
.L_overlay_start_2:
0x682: {  	(tag) =	ssettag $0x2  }
0x683: {  	s0 =	rddreg [dreg:$0x0];
	s2 =	stileid.u32  }
0x684: {  	s1 =	rddreg [dreg:$0x1];
	p0 =	sne.s32 s2, $0x0  }
0x685: {  	s3 =	rddreg [dreg:$0x2];
	[bflag:$0x3] =	sbarrier.arrive $0xFFFF;
	s2 =	simm.s32 @!p0 $0x1C07  }
0x686: {  	[timem:s3], [sflag:s2] =	dma.local @!p0 [hbm:s0], s1  }
0x687: {  	s0 =	simm.s32 @!p0 $0x7  }
0x688: {  	_ =	swait.ge @!p0 [sflag:s0], s1  }
0x689: {  	s1 =	ssub.s32 @!p0 $0x0, s1;
	[sflag:s0] =	ssyncset.done @!p0 $0x0  }
0x68a: {  	[sflag:s0] =	ssyncadd.s32 @!p0 s1  }
0x68b: {  	[bflag:$0x3] =	sbarrier.arrive $0xFFFF  }
0x68c: {  	_ =	shalt  }

</sc_bundles>
